<compile_context>
chip_gen: v7x
topology: tpu7x:2x2x1
jax: 0.10.2.dev20260603
libtpu: 0.0.44.dev20260713+nightly
codegen_flags: <defaults>
</compile_context>

<pallas_src>
import functools

import jax
import jax.numpy as jnp
from jax import lax
from jax.experimental import pallas as pl
from jax.experimental.pallas import tpu as pltpu
from jax.experimental.pallas import tpu_sc as plsc

NCORES = 2
NSUB = 16
NWORK = NCORES * NSUB
CW = 128
FAST_SHARE = 0.76

@functools.cache
def _mesh():
    return plsc.VectorSubcoreMesh(
        core_axis_name="c", subcore_axis_name="s",
        num_cores=NCORES, num_subcores=NSUB,
    )


def _deg_body(nchunks, rows_per_sub, edges_hbm, ones_hbm, zeros_hbm, out_hbm,
              idx_all, ones_v, deg_sh, sem):
    c = lax.axis_index("c")
    s = lax.axis_index("s")
    w = c * NSUB + s
    r0 = s * rows_per_sub
    pltpu.sync_copy(zeros_hbm.at[pl.ds(r0, rows_per_sub)],
                    deg_sh.at[pl.ds(r0, rows_per_sub)])
    pltpu.sync_copy(ones_hbm, ones_v)
    pltpu.sync_copy(edges_hbm.at[w], idx_all)
    plsc.subcore_barrier()

    @pl.loop(0, nchunks)
    def _(j):
        pltpu.sync_copy(ones_v, deg_sh.at[idx_all.at[j, 1]], add=True)

    plsc.subcore_barrier()
    pltpu.sync_copy(deg_sh.at[pl.ds(r0, rows_per_sub)],
                    out_hbm.at[c, pl.ds(r0, rows_per_sub)])


def _scat_body(nc0, nc1, rows_per_sub, y_hbm, src_hbm, dst_hbm, zeros_hbm,
               out_hbm, sidx0, sidx1, didx0, didx1, rows0, rows1, z_sh,
               isem0, isem1, gsem0, gsem1):
    c = lax.axis_index("c")
    s = lax.axis_index("s")
    w = c * NSUB + s
    nchunks = jnp.where(c == 0, nc0, nc1)
    r0 = s * rows_per_sub

    pltpu.sync_copy(zeros_hbm.at[pl.ds(r0, rows_per_sub)],
                    z_sh.at[pl.ds(r0, rows_per_sub)])

    pltpu.sync_copy(src_hbm.at[w, 0], sidx0)
    pltpu.sync_copy(dst_hbm.at[w, 0], didx0.at[0])
    pltpu.async_copy(y_hbm.at[sidx0], rows0, gsem0)
    pltpu.async_copy(src_hbm.at[w, 1], sidx1, isem1)
    pltpu.async_copy(dst_hbm.at[w, 1], didx1.at[0], isem1)
    plsc.subcore_barrier()

    sx, dx, rw = (sidx0, sidx1), (didx0, didx1), (rows0, rows1)
    isem, gsem = (isem0, isem1), (gsem0, gsem1)

    @pl.loop(0, nchunks, step=2)
    def _(j):
        for b in (0, 1):
            nb = 1 - b
            jj = j + b

            @pl.when(jj + 1 < nchunks)
            def _():
                pltpu.make_async_copy(src_hbm.at[w, jj + 1], sx[nb], isem[nb]).wait()
                pltpu.make_async_copy(dst_hbm.at[w, jj + 1], dx[nb].at[0], isem[nb]).wait()
                pltpu.async_copy(y_hbm.at[sx[nb]], rw[nb], gsem[nb])

            pltpu.make_async_copy(y_hbm.at[sx[b]], rw[b], gsem[b]).wait()
            pltpu.sync_copy(rw[b], z_sh.at[dx[b].at[0]], add=True)

            @pl.when(jj + 2 < nchunks)
            def _():
                pltpu.async_copy(src_hbm.at[w, jj + 2], sx[b], isem[b])
                pltpu.async_copy(dst_hbm.at[w, jj + 2], dx[b].at[0], isem[b])

    plsc.subcore_barrier()
    pltpu.sync_copy(z_sh.at[pl.ds(r0, rows_per_sub)],
                    out_hbm.at[c, pl.ds(r0, rows_per_sub)])


def _sc_degree(edges_p, npad, nchunks):
    rows_per_sub = npad // NSUB
    ones = jnp.ones((CW, 16), jnp.float32)
    zeros = jnp.zeros((npad, 16), jnp.float32)
    k = pl.kernel(
        functools.partial(_deg_body, nchunks, rows_per_sub),
        out_type=jax.ShapeDtypeStruct((NCORES, npad, 16), jnp.float32),
        mesh=_mesh(),
        compiler_params=pltpu.CompilerParams(use_tc_tiling_on_sc=False),
        scratch_types=[
            pltpu.VMEM((nchunks, 2, CW), jnp.int32),
            pltpu.VMEM((CW, 16), jnp.float32),
            pltpu.VMEM_SHARED((npad, 16), jnp.float32),
            pltpu.SemaphoreType.DMA,
        ],
    )
    return k(edges_p, ones, zeros)


def _sc_gather_scatter(y, src_r, dst_r, npad, nc0, nc1):
    f = y.shape[1]
    rows_per_sub = npad // NSUB
    zeros = jnp.zeros((npad, f), jnp.float32)
    k = pl.kernel(
        functools.partial(_scat_body, nc0, nc1, rows_per_sub),
        out_type=jax.ShapeDtypeStruct((NCORES, npad, f), jnp.float32),
        mesh=_mesh(),
        compiler_params=pltpu.CompilerParams(use_tc_tiling_on_sc=False),
        scratch_types=[
            pltpu.VMEM((CW,), jnp.int32),
            pltpu.VMEM((CW,), jnp.int32),
            pltpu.VMEM((1, CW), jnp.int32),
            pltpu.VMEM((1, CW), jnp.int32),
            pltpu.VMEM((CW, f), jnp.float32),
            pltpu.VMEM((CW, f), jnp.float32),
            pltpu.VMEM_SHARED((npad, f), jnp.float32),
            pltpu.SemaphoreType.DMA,
            pltpu.SemaphoreType.DMA,
            pltpu.SemaphoreType.DMA,
            pltpu.SemaphoreType.DMA,
        ],
    )
    return k(y, src_r, dst_r, zeros)


def _dinv_of(da_ref, db_ref):
    return lax.rsqrt(da_ref[...][:, :1] + db_ref[...][:, :1])


def _mm1_body(x_ref, w_ref, da_ref, db_ref, o_ref):
    dinv = _dinv_of(da_ref, db_ref)
    o_ref[...] = jnp.dot(x_ref[...], w_ref[...],
                         preferred_element_type=jnp.float32) * dinv


def _mid_body(za_ref, zb_ref, da_ref, db_ref, b1_ref, w2_ref, o_ref):
    dinv = _dinv_of(da_ref, db_ref)
    h = jnp.maximum((za_ref[...] + zb_ref[...]) * dinv + b1_ref[...], 0.0)
    o_ref[...] = jnp.dot(h, w2_ref[...],
                         preferred_element_type=jnp.float32) * dinv


def _out_body(za_ref, zb_ref, da_ref, db_ref, b2_ref, o_ref):
    dinv = _dinv_of(da_ref, db_ref)
    o_ref[...] = (za_ref[...] + zb_ref[...]) * dinv + b2_ref[...]


def kernel(x, edge_index, W1, b1, W2, b2):
    n, fin = x.shape
    e = edge_index.shape[1]
    h1 = W1.shape[1]
    h2 = W2.shape[1]

    npad = ((n + 1 + 127) // 128) * 128

    ne = e + n
    gran = 2 * NWORK * CW
    ep = ((ne + gran - 1) // gran) * gran
    nchunks = ep // (NWORK * CW)

    src = edge_index[0].astype(jnp.int32)
    dst = edge_index[1].astype(jnp.int32)
    loop = jnp.arange(n, dtype=jnp.int32)
    src_b = jnp.concatenate(
        [src, loop, jnp.zeros((ep - ne,), jnp.int32)]).reshape(NWORK, nchunks, CW)
    dst_b = jnp.concatenate(
        [dst, loop, jnp.full((ep - ne,), n, jnp.int32)]).reshape(NWORK, nchunks, CW)
    edges_p = jnp.stack([src_b, dst_b], axis=2)

    ceil_even = lambda v: ((v + 1) // 2) * 2
    nctot = (ne + CW - 1) // CW
    nc0 = max(2, ceil_even(-(-int(nctot * FAST_SHARE) // NSUB)))
    nc1 = max(2, ceil_even(-(-max(0, nctot - nc0 * NSUB) // NSUB)))
    maxnc = max(nc0, nc1)
    cap = (nc0 + nc1) * NSUB * CW
    src_f = jnp.concatenate([src, loop, jnp.zeros((cap - ne,), jnp.int32)])
    dst_f = jnp.concatenate([dst, loop, jnp.full((cap - ne,), n, jnp.int32)])

    def split(flat):
        p0 = flat[: nc0 * NSUB * CW].reshape(NSUB, nc0, CW)
        p1 = flat[nc0 * NSUB * CW:].reshape(NSUB, nc1, CW)
        p0 = jnp.pad(p0, ((0, 0), (0, maxnc - nc0), (0, 0)))
        p1 = jnp.pad(p1, ((0, 0), (0, maxnc - nc1), (0, 0)))
        return jnp.concatenate([p0, p1], axis=0)

    src_p, dst_p = split(src_f), split(dst_f)

    degp = _sc_degree(edges_p, npad, nchunks)
    degA, degB = degp[0, :n], degp[1, :n]

    bn = 1000
    grid = (n // bn,)
    row_spec = lambda width: pl.BlockSpec((bn, width), lambda i: (i, 0))
    full_spec = lambda a, b: pl.BlockSpec((a, b), lambda i: (0, 0))

    y1 = pl.pallas_call(
        _mm1_body,
        grid=grid,
        in_specs=[row_spec(fin), full_spec(fin, h1), row_spec(16), row_spec(16)],
        out_specs=row_spec(h1),
        out_shape=jax.ShapeDtypeStruct((n, h1), jnp.float32),
    )(x, W1, degA, degB)

    z1 = _sc_gather_scatter(y1, src_p, dst_p, npad, nc0, nc1)
    z1a, z1b = z1[0, :n], z1[1, :n]

    y2 = pl.pallas_call(
        _mid_body,
        grid=grid,
        in_specs=[row_spec(h1), row_spec(h1), row_spec(16), row_spec(16),
                  full_spec(1, h1), full_spec(h1, h2)],
        out_specs=row_spec(h2),
        out_shape=jax.ShapeDtypeStruct((n, h2), jnp.float32),
    )(z1a, z1b, degA, degB, b1.reshape(1, h1), W2)

    z2 = _sc_gather_scatter(y2, src_p, dst_p, npad, nc0, nc1)
    z2a, z2b = z2[0, :n], z2[1, :n]

    out = pl.pallas_call(
        _out_body,
        grid=grid,
        in_specs=[row_spec(h2), row_spec(h2), row_spec(16), row_spec(16),
                  full_spec(1, h2)],
        out_specs=row_spec(h2),
        out_shape=jax.ShapeDtypeStruct((n, h2), jnp.float32),
    )(z2a, z2b, degA, degB, b2.reshape(1, h2))

    return out

# --- scband reference (transcript-rebuilt; emitter-appended) ---
"""Pipeline reference for scband-gcn-39977555591218 (READ-ONLY COPY).

The authoritative reference and input builder live on the scoring server;
editing this copy changes nothing except your own understanding.
"""

import jax, jax.numpy as jnp
import numpy as np

N_NODES = 10000
N_EDGES = 320000
IN_FEATS = 128
H_FEATS = 128
NUM_CLASSES = 64


def setup_inputs(seed: int = 0) -> dict:
    key = jax.random.key(seed)
    k1, k2, k3, k4, k5, k6 = jax.random.split(key, 6)
    x = jax.random.normal(k1, (N_NODES, IN_FEATS), dtype=jnp.float32)
    edge_index = jax.random.randint(k2, (2, N_EDGES), 0, N_NODES, dtype=jnp.int64)
    # Glorot-style init for GCNConv weights, zeros for biases (PyG default)
    W1 = jax.random.normal(k3, (IN_FEATS, H_FEATS), dtype=jnp.float32) * (1.0 / np.sqrt(IN_FEATS))
    b1 = jnp.zeros((H_FEATS,), dtype=jnp.float32)
    W2 = jax.random.normal(k4, (H_FEATS, NUM_CLASSES), dtype=jnp.float32) * (1.0 / np.sqrt(H_FEATS))
    b2 = jnp.zeros((NUM_CLASSES,), dtype=jnp.float32)
    return {"x": x, "edge_index": edge_index, "W1": W1, "b1": b1, "W2": W2, "b2": b2}


def _gcn_conv(x, src, dst, W, b):
    # PyG GCNConv: x' = D^{-1/2} (A + I) D^{-1/2} X W + b, with self-loops added.
    n = x.shape[0]
    loop = jnp.arange(n, dtype=src.dtype)
    s = jnp.concatenate([src, loop])
    d = jnp.concatenate([dst, loop])
    deg = jnp.zeros((n,), dtype=jnp.float32).at[d].add(1.0)
    dinv = jax.lax.rsqrt(deg)
    norm = dinv[s] * dinv[d]
    xw = x @ W
    msg = xw[s] * norm[:, None]
    out = jnp.zeros((n, W.shape[1]), dtype=x.dtype).at[d].add(msg)
    return out + b


def reference(x, edge_index, W1, b1, W2, b2):
    src = edge_index[0]
    dst = edge_index[1]
    h = _gcn_conv(x, src, dst, W1, b1)
    h = jax.nn.relu(h)
    h = _gcn_conv(h, src, dst, W2, b2)
    return h

if __name__ == "__main__":
    import jax
    _d = setup_inputs()
    print(jax.jit(kernel)(*tuple(_d.values())))

</pallas_src>

<mosaic_0001>
#map = affine_map<(d0, d1) -> (0, 0, 0, 0)>
#map1 = affine_map<(d0, d1) -> (0, 0)>
#map2 = affine_map<(d0, d1) -> (0, 0, 0)>
module attributes {stable_mosaic.version = 14 : i64} {
  func.func @_deg_body(%arg0: i32, %arg1: i32, %arg2: memref<32x82x2x128xi32, #tpu.memory_space<hbm>>, %arg3: memref<128x16xf32, #tpu.memory_space<hbm>>, %arg4: memref<10112x16xf32, #tpu.memory_space<hbm>>, %arg5: memref<2x10112x16xf32, #tpu.memory_space<hbm>>, %arg6: memref<82x2x128xi32, #tpu.memory_space<vmem>>, %arg7: memref<128x16xf32, #tpu.memory_space<vmem>>, %arg8: memref<10112x16xf32, #tpu.memory_space<vmem_shared>>, %arg9: memref<!tpu.dma_semaphore, #tpu.memory_space<semaphore_mem>>) attributes {dimension_semantics = [#tpu.dimension_semantics<core_parallel>, #tpu.dimension_semantics<subcore_parallel>], iteration_bounds = array<i64: 2, 16>, scalar_prefetch = 0 : i64, scratch_operands = 4 : i64, tpu.core_type = #tpu.core_type<sc_vector_subcore>, window_params = [{transform_indices = #map}, {transform_indices = #map1}, {transform_indices = #map1}, {transform_indices = #map2}]} {
    %mul3A = arith.constant 16 : i32
    %mul3A_0 = arith.muli %arg0, %mul3A : i32
    %add3A = arith.addi %mul3A_0, %arg1 : i32
    %mul3A_1 = arith.constant 632 : i32
    %mul3A_2 = arith.muli %arg1, %mul3A_1 : i32
    "tpu.region"() ({
      %run_scoped3A = tpu.sem_alloc : memref<!tpu.dma_semaphore, #tpu.memory_space<semaphore_mem>>
      %dma_start3A = arith.constant 0 : i32
      %dma_start3A_8 = tpu.memref_slice %arg8[%mul3A_2, %dma_start3A] : memref<10112x16xf32, #tpu.memory_space<vmem_shared>> -> memref<632x16xf32, #tpu.memory_space<vmem_shared>>
      %dma_start3A_9 = arith.constant 0 : i32
      %dma_start3A_10 = tpu.memref_slice %arg4[%mul3A_2, %dma_start3A_9] : memref<10112x16xf32, #tpu.memory_space<hbm>> -> memref<632x16xf32, #tpu.memory_space<hbm>>
      tpu.enqueue_dma source(%dma_start3A_10 : memref<632x16xf32, #tpu.memory_space<hbm>>) target(%dma_start3A_8 : memref<632x16xf32, #tpu.memory_space<vmem_shared>>) target_semaphore(%run_scoped3A : memref<!tpu.dma_semaphore, #tpu.memory_space<semaphore_mem>>)
      %dma_wait3A = arith.constant 0 : i32
      %dma_wait3A_11 = tpu.memref_slice %arg8[%mul3A_2, %dma_wait3A] : memref<10112x16xf32, #tpu.memory_space<vmem_shared>> -> memref<632x16xf32, #tpu.memory_space<vmem_shared>>
      %dma_wait3A_12 = arith.constant 0 : i32
      %dma_wait3A_13 = tpu.memref_slice %arg4[%mul3A_2, %dma_wait3A_12] : memref<10112x16xf32, #tpu.memory_space<hbm>> -> memref<632x16xf32, #tpu.memory_space<hbm>>
      tpu.wait_dma2 semaphore(%run_scoped3A : memref<!tpu.dma_semaphore, #tpu.memory_space<semaphore_mem>>) src(%dma_wait3A_13 : memref<632x16xf32, #tpu.memory_space<hbm>>) dst(%dma_wait3A_11 : memref<632x16xf32, #tpu.memory_space<vmem_shared>>)
      tpu.yield
    }) : () -> ()
    "tpu.region"() ({
      %run_scoped3A = tpu.sem_alloc : memref<!tpu.dma_semaphore, #tpu.memory_space<semaphore_mem>>
      tpu.enqueue_dma source(%arg3 : memref<128x16xf32, #tpu.memory_space<hbm>>) target(%arg7 : memref<128x16xf32, #tpu.memory_space<vmem>>) target_semaphore(%run_scoped3A : memref<!tpu.dma_semaphore, #tpu.memory_space<semaphore_mem>>)
      tpu.wait_dma2 semaphore(%run_scoped3A : memref<!tpu.dma_semaphore, #tpu.memory_space<semaphore_mem>>) src(%arg3 : memref<128x16xf32, #tpu.memory_space<hbm>>) dst(%arg7 : memref<128x16xf32, #tpu.memory_space<vmem>>)
      tpu.yield
    }) : () -> ()
    "tpu.region"() ({
      %run_scoped3A = tpu.sem_alloc : memref<!tpu.dma_semaphore, #tpu.memory_space<semaphore_mem>>
      %dma_start3A = arith.constant 0 : i32
      %dma_start3A_8 = arith.constant 0 : i32
      %dma_start3A_9 = arith.constant 0 : i32
      %dma_start3A_10 = tpu.memref_slice %arg2[%add3A, %dma_start3A, %dma_start3A_8, %dma_start3A_9] : memref<32x82x2x128xi32, #tpu.memory_space<hbm>> -> memref<1x82x2x128xi32, #tpu.memory_space<hbm>>
      %dma_start3A_11 = tpu.memref_squeeze %dma_start3A_10 : memref<1x82x2x128xi32, #tpu.memory_space<hbm>> -> memref<82x2x128xi32, #tpu.memory_space<hbm>>
      %dma_start3A_12 = arith.constant 0 : i32
      %dma_start3A_13 = arith.constant 0 : i32
      %dma_start3A_14 = arith.constant 0 : i32
      %dma_start3A_15 = tpu.memref_slice %arg2[%add3A, %dma_start3A_12, %dma_start3A_13, %dma_start3A_14] : memref<32x82x2x128xi32, #tpu.memory_space<hbm>> -> memref<1x82x2x128xi32, #tpu.memory_space<hbm>>
      %dma_start3A_16 = tpu.memref_squeeze %dma_start3A_15 : memref<1x82x2x128xi32, #tpu.memory_space<hbm>> -> memref<82x2x128xi32, #tpu.memory_space<hbm>>
      tpu.enqueue_dma source(%dma_start3A_16 : memref<82x2x128xi32, #tpu.memory_space<hbm>>) target(%arg6 : memref<82x2x128xi32, #tpu.memory_space<vmem>>) target_semaphore(%run_scoped3A : memref<!tpu.dma_semaphore, #tpu.memory_space<semaphore_mem>>)
      %dma_wait3A = arith.constant 0 : i32
      %dma_wait3A_17 = arith.constant 0 : i32
      %dma_wait3A_18 = arith.constant 0 : i32
      %dma_wait3A_19 = tpu.memref_slice %arg2[%add3A, %dma_wait3A, %dma_wait3A_17, %dma_wait3A_18] : memref<32x82x2x128xi32, #tpu.memory_space<hbm>> -> memref<1x82x2x128xi32, #tpu.memory_space<hbm>>
      %dma_wait3A_20 = tpu.memref_squeeze %dma_wait3A_19 : memref<1x82x2x128xi32, #tpu.memory_space<hbm>> -> memref<82x2x128xi32, #tpu.memory_space<hbm>>
      %dma_wait3A_21 = arith.constant 0 : i32
      %dma_wait3A_22 = arith.constant 0 : i32
      %dma_wait3A_23 = arith.constant 0 : i32
      %dma_wait3A_24 = tpu.memref_slice %arg2[%add3A, %dma_wait3A_21, %dma_wait3A_22, %dma_wait3A_23] : memref<32x82x2x128xi32, #tpu.memory_space<hbm>> -> memref<1x82x2x128xi32, #tpu.memory_space<hbm>>
      %dma_wait3A_25 = tpu.memref_squeeze %dma_wait3A_24 : memref<1x82x2x128xi32, #tpu.memory_space<hbm>> -> memref<82x2x128xi32, #tpu.memory_space<hbm>>
      tpu.wait_dma2 semaphore(%run_scoped3A : memref<!tpu.dma_semaphore, #tpu.memory_space<semaphore_mem>>) src(%dma_wait3A_25 : memref<82x2x128xi32, #tpu.memory_space<hbm>>) dst(%arg6 : memref<82x2x128xi32, #tpu.memory_space<vmem>>)
      tpu.yield
    }) : () -> ()
    %barrier3A = arith.constant 0 : index
    tpu.barrier barrier_id(%barrier3A)
    %scan3A = arith.constant 0 : i32
    %scan3A_3 = arith.constant 82 : i32
    %scan3A_4 = arith.addi %scan3A, %scan3A_3 : i32
    %scan3A_5 = arith.constant 1 : i32
    scf.for %scan3A_8 = %scan3A to %scan3A_4 step %scan3A_5  : i32 {
      %mul3A_9 = arith.constant 1 : i32
      %mul3A_10 = arith.muli %scan3A_8, %mul3A_9 : i32
      %add3A_11 = arith.constant 0 : i32
      %add3A_12 = arith.addi %add3A_11, %mul3A_10 : i32
      %run_scoped3A = arith.constant 1 : i32
      "tpu.region"() ({
        %run_scoped3A_13 = tpu.sem_alloc : memref<!tpu.dma_semaphore, #tpu.memory_space<semaphore_mem>>
        %dma_start3A = arith.constant 0 : i32
        %dma_start3A_14 = tpu.memref_slice %arg6[%add3A_12, %run_scoped3A, %dma_start3A] : memref<82x2x128xi32, #tpu.memory_space<vmem>> -> memref<1x1x128xi32, #tpu.memory_space<vmem>>
        %dma_start3A_15 = tpu.memref_squeeze %dma_start3A_14 : memref<1x1x128xi32, #tpu.memory_space<vmem>> -> memref<128xi32, #tpu.memory_space<vmem>>
        %dma_start3A_16 = arith.constant 0 : i32
        %dma_start3A_17 = arith.constant 0 : i32
        %dma_start3A_18 = tpu.memref_slice %arg8[%dma_start3A_16, %dma_start3A_17] : memref<10112x16xf32, #tpu.memory_space<vmem_shared>> -> memref<10112x16xf32, #tpu.memory_space<vmem_shared>>
        tpu.enqueue_indirect_dma source(%arg7 : memref<128x16xf32, #tpu.memory_space<vmem>>) target(%dma_start3A_18 : memref<10112x16xf32, #tpu.memory_space<vmem_shared>>) offsets(%dma_start3A_15 : memref<128xi32, #tpu.memory_space<vmem>>) semaphore(%run_scoped3A_13 : memref<!tpu.dma_semaphore, #tpu.memory_space<semaphore_mem>>) {add = true}
        %dma_wait3A = arith.constant 0 : i32
        %dma_wait3A_19 = tpu.memref_slice %arg6[%add3A_12, %run_scoped3A, %dma_wait3A] : memref<82x2x128xi32, #tpu.memory_space<vmem>> -> memref<1x1x128xi32, #tpu.memory_space<vmem>>
        %dma_wait3A_20 = tpu.memref_squeeze %dma_wait3A_19 : memref<1x1x128xi32, #tpu.memory_space<vmem>> -> memref<128xi32, #tpu.memory_space<vmem>>
        %dma_wait3A_21 = arith.constant 0 : i32
        %dma_wait3A_22 = arith.constant 0 : i32
        %dma_wait3A_23 = tpu.memref_slice %arg8[%dma_wait3A_21, %dma_wait3A_22] : memref<10112x16xf32, #tpu.memory_space<vmem_shared>> -> memref<10112x16xf32, #tpu.memory_space<vmem_shared>>
        tpu.wait_indirect_dma semaphore(%run_scoped3A_13 : memref<!tpu.dma_semaphore, #tpu.memory_space<semaphore_mem>>) src(%arg7 : memref<128x16xf32, #tpu.memory_space<vmem>>) dst(%dma_wait3A_23 : memref<10112x16xf32, #tpu.memory_space<vmem_shared>>)
        tpu.yield
      }) : () -> ()
    }
    %scan3A_6 = arith.constant 82 : i32
    %barrier3A_7 = arith.constant 0 : index
    tpu.barrier barrier_id(%barrier3A_7)
    "tpu.region"() ({
      %run_scoped3A = tpu.sem_alloc : memref<!tpu.dma_semaphore, #tpu.memory_space<semaphore_mem>>
      %dma_start3A = arith.constant 0 : i32
      %dma_start3A_8 = tpu.memref_slice %arg5[%arg0, %mul3A_2, %dma_start3A] : memref<2x10112x16xf32, #tpu.memory_space<hbm>> -> memref<1x632x16xf32, #tpu.memory_space<hbm>>
      %dma_start3A_9 = tpu.memref_squeeze %dma_start3A_8 : memref<1x632x16xf32, #tpu.memory_space<hbm>> -> memref<632x16xf32, #tpu.memory_space<hbm>>
      %dma_start3A_10 = arith.constant 0 : i32
      %dma_start3A_11 = tpu.memref_slice %arg8[%mul3A_2, %dma_start3A_10] : memref<10112x16xf32, #tpu.memory_space<vmem_shared>> -> memref<632x16xf32, #tpu.memory_space<vmem_shared>>
      tpu.enqueue_dma source(%dma_start3A_11 : memref<632x16xf32, #tpu.memory_space<vmem_shared>>) target(%dma_start3A_9 : memref<632x16xf32, #tpu.memory_space<hbm>>) target_semaphore(%run_scoped3A : memref<!tpu.dma_semaphore, #tpu.memory_space<semaphore_mem>>)
      %dma_wait3A = arith.constant 0 : i32
      %dma_wait3A_12 = tpu.memref_slice %arg5[%arg0, %mul3A_2, %dma_wait3A] : memref<2x10112x16xf32, #tpu.memory_space<hbm>> -> memref<1x632x16xf32, #tpu.memory_space<hbm>>
      %dma_wait3A_13 = tpu.memref_squeeze %dma_wait3A_12 : memref<1x632x16xf32, #tpu.memory_space<hbm>> -> memref<632x16xf32, #tpu.memory_space<hbm>>
      %dma_wait3A_14 = arith.constant 0 : i32
      %dma_wait3A_15 = tpu.memref_slice %arg8[%mul3A_2, %dma_wait3A_14] : memref<10112x16xf32, #tpu.memory_space<vmem_shared>> -> memref<632x16xf32, #tpu.memory_space<vmem_shared>>
      tpu.wait_dma2 semaphore(%run_scoped3A : memref<!tpu.dma_semaphore, #tpu.memory_space<semaphore_mem>>) src(%dma_wait3A_15 : memref<632x16xf32, #tpu.memory_space<vmem_shared>>) dst(%dma_wait3A_13 : memref<632x16xf32, #tpu.memory_space<hbm>>)
      tpu.yield
    }) : () -> ()
    return
  }
}

#map = affine_map<(d0, d1) -> (0, 0)>
#map1 = affine_map<(d0, d1) -> (0, 0, 0)>
module attributes {stable_mosaic.version = 14 : i64} {
  func.func @_scat_body(%arg0: i32, %arg1: i32, %arg2: memref<10000x64xf32, #tpu.memory_space<hbm>>, %arg3: memref<32x124x128xi32, #tpu.memory_space<hbm>>, %arg4: memref<32x124x128xi32, #tpu.memory_space<hbm>>, %arg5: memref<10112x64xf32, #tpu.memory_space<hbm>>, %arg6: memref<2x10112x64xf32, #tpu.memory_space<hbm>>, %arg7: memref<128xi32, #tpu.memory_space<vmem>>, %arg8: memref<128xi32, #tpu.memory_space<vmem>>, %arg9: memref<1x128xi32, #tpu.memory_space<vmem>>, %arg10: memref<1x128xi32, #tpu.memory_space<vmem>>, %arg11: memref<128x64xf32, #tpu.memory_space<vmem>>, %arg12: memref<128x64xf32, #tpu.memory_space<vmem>>, %arg13: memref<10112x64xf32, #tpu.memory_space<vmem_shared>>, %arg14: memref<!tpu.dma_semaphore, #tpu.memory_space<semaphore_mem>>, %arg15: memref<!tpu.dma_semaphore, #tpu.memory_space<semaphore_mem>>, %arg16: memref<!tpu.dma_semaphore, #tpu.memory_space<semaphore_mem>>, %arg17: memref<!tpu.dma_semaphore, #tpu.memory_space<semaphore_mem>>) attributes {dimension_semantics = [#tpu.dimension_semantics<core_parallel>, #tpu.dimension_semantics<subcore_parallel>], iteration_bounds = array<i64: 2, 16>, scalar_prefetch = 0 : i64, scratch_operands = 11 : i64, tpu.core_type = #tpu.core_type<sc_vector_subcore>, window_params = [{transform_indices = #map}, {transform_indices = #map1}, {transform_indices = #map1}, {transform_indices = #map}, {transform_indices = #map1}]} {
    %mul3A = arith.constant 16 : i32
    %mul3A_0 = arith.muli %arg0, %mul3A : i32
    %add3A = arith.addi %mul3A_0, %arg1 : i32
    %eq3A = arith.constant 0 : i32
    %eq3A_1 = arith.cmpi eq, %arg0, %eq3A : i32
    %jit3A = arith.constant 124 : i32
    %jit3A_2 = arith.constant 38 : i32
    %select_n3A = arith.select %eq3A_1, %jit3A, %jit3A_2 : i32
    %mul3A_3 = arith.constant 632 : i32
    %mul3A_4 = arith.muli %arg1, %mul3A_3 : i32
    "tpu.region"() ({
      %run_scoped3A_47 = tpu.sem_alloc : memref<!tpu.dma_semaphore, #tpu.memory_space<semaphore_mem>>
      %dma_start3A_48 = arith.constant 0 : i32
      %dma_start3A_49 = tpu.memref_slice %arg13[%mul3A_4, %dma_start3A_48] : memref<10112x64xf32, #tpu.memory_space<vmem_shared>> -> memref<632x64xf32, #tpu.memory_space<vmem_shared>>
      %dma_start3A_50 = arith.constant 0 : i32
      %dma_start3A_51 = tpu.memref_slice %arg5[%mul3A_4, %dma_start3A_50] : memref<10112x64xf32, #tpu.memory_space<hbm>> -> memref<632x64xf32, #tpu.memory_space<hbm>>
      tpu.enqueue_dma source(%dma_start3A_51 : memref<632x64xf32, #tpu.memory_space<hbm>>) target(%dma_start3A_49 : memref<632x64xf32, #tpu.memory_space<vmem_shared>>) target_semaphore(%run_scoped3A_47 : memref<!tpu.dma_semaphore, #tpu.memory_space<semaphore_mem>>)
      %dma_wait3A = arith.constant 0 : i32
      %dma_wait3A_52 = tpu.memref_slice %arg13[%mul3A_4, %dma_wait3A] : memref<10112x64xf32, #tpu.memory_space<vmem_shared>> -> memref<632x64xf32, #tpu.memory_space<vmem_shared>>
      %dma_wait3A_53 = arith.constant 0 : i32
      %dma_wait3A_54 = tpu.memref_slice %arg5[%mul3A_4, %dma_wait3A_53] : memref<10112x64xf32, #tpu.memory_space<hbm>> -> memref<632x64xf32, #tpu.memory_space<hbm>>
      tpu.wait_dma2 semaphore(%run_scoped3A_47 : memref<!tpu.dma_semaphore, #tpu.memory_space<semaphore_mem>>) src(%dma_wait3A_54 : memref<632x64xf32, #tpu.memory_space<hbm>>) dst(%dma_wait3A_52 : memref<632x64xf32, #tpu.memory_space<vmem_shared>>)
      tpu.yield
    }) : () -> ()
    %run_scoped3A = arith.constant 0 : i32
    "tpu.region"() ({
      %run_scoped3A_47 = tpu.sem_alloc : memref<!tpu.dma_semaphore, #tpu.memory_space<semaphore_mem>>
      %dma_start3A_48 = arith.constant 0 : i32
      %dma_start3A_49 = tpu.memref_slice %arg3[%add3A, %run_scoped3A, %dma_start3A_48] : memref<32x124x128xi32, #tpu.memory_space<hbm>> -> memref<1x1x128xi32, #tpu.memory_space<hbm>>
      %dma_start3A_50 = tpu.memref_squeeze %dma_start3A_49 : memref<1x1x128xi32, #tpu.memory_space<hbm>> -> memref<128xi32, #tpu.memory_space<hbm>>
      %dma_start3A_51 = arith.constant 0 : i32
      %dma_start3A_52 = tpu.memref_slice %arg3[%add3A, %run_scoped3A, %dma_start3A_51] : memref<32x124x128xi32, #tpu.memory_space<hbm>> -> memref<1x1x128xi32, #tpu.memory_space<hbm>>
      %dma_start3A_53 = tpu.memref_squeeze %dma_start3A_52 : memref<1x1x128xi32, #tpu.memory_space<hbm>> -> memref<128xi32, #tpu.memory_space<hbm>>
      tpu.enqueue_dma source(%dma_start3A_53 : memref<128xi32, #tpu.memory_space<hbm>>) target(%arg7 : memref<128xi32, #tpu.memory_space<vmem>>) target_semaphore(%run_scoped3A_47 : memref<!tpu.dma_semaphore, #tpu.memory_space<semaphore_mem>>)
      %dma_wait3A = arith.constant 0 : i32
      %dma_wait3A_54 = tpu.memref_slice %arg3[%add3A, %run_scoped3A, %dma_wait3A] : memref<32x124x128xi32, #tpu.memory_space<hbm>> -> memref<1x1x128xi32, #tpu.memory_space<hbm>>
      %dma_wait3A_55 = tpu.memref_squeeze %dma_wait3A_54 : memref<1x1x128xi32, #tpu.memory_space<hbm>> -> memref<128xi32, #tpu.memory_space<hbm>>
      %dma_wait3A_56 = arith.constant 0 : i32
      %dma_wait3A_57 = tpu.memref_slice %arg3[%add3A, %run_scoped3A, %dma_wait3A_56] : memref<32x124x128xi32, #tpu.memory_space<hbm>> -> memref<1x1x128xi32, #tpu.memory_space<hbm>>
      %dma_wait3A_58 = tpu.memref_squeeze %dma_wait3A_57 : memref<1x1x128xi32, #tpu.memory_space<hbm>> -> memref<128xi32, #tpu.memory_space<hbm>>
      tpu.wait_dma2 semaphore(%run_scoped3A_47 : memref<!tpu.dma_semaphore, #tpu.memory_space<semaphore_mem>>) src(%dma_wait3A_58 : memref<128xi32, #tpu.memory_space<hbm>>) dst(%arg7 : memref<128xi32, #tpu.memory_space<vmem>>)
      tpu.yield
    }) : () -> ()
    %run_scoped3A_5 = arith.constant 0 : i32
    %run_scoped3A_6 = arith.constant 0 : i32
    "tpu.region"() ({
      %run_scoped3A_47 = tpu.sem_alloc : memref<!tpu.dma_semaphore, #tpu.memory_space<semaphore_mem>>
      %dma_start3A_48 = arith.constant 0 : i32
      %dma_start3A_49 = tpu.memref_slice %arg9[%run_scoped3A_6, %dma_start3A_48] : memref<1x128xi32, #tpu.memory_space<vmem>> -> memref<1x128xi32, #tpu.memory_space<vmem>>
      %dma_start3A_50 = tpu.memref_squeeze %dma_start3A_49 : memref<1x128xi32, #tpu.memory_space<vmem>> -> memref<128xi32, #tpu.memory_space<vmem>>
      %dma_start3A_51 = arith.constant 0 : i32
      %dma_start3A_52 = tpu.memref_slice %arg4[%add3A, %run_scoped3A_5, %dma_start3A_51] : memref<32x124x128xi32, #tpu.memory_space<hbm>> -> memref<1x1x128xi32, #tpu.memory_space<hbm>>
      %dma_start3A_53 = tpu.memref_squeeze %dma_start3A_52 : memref<1x1x128xi32, #tpu.memory_space<hbm>> -> memref<128xi32, #tpu.memory_space<hbm>>
      %dma_start3A_54 = arith.constant 0 : i32
      %dma_start3A_55 = tpu.memref_slice %arg9[%run_scoped3A_6, %dma_start3A_54] : memref<1x128xi32, #tpu.memory_space<vmem>> -> memref<1x128xi32, #tpu.memory_space<vmem>>
      %dma_start3A_56 = tpu.memref_squeeze %dma_start3A_55 : memref<1x128xi32, #tpu.memory_space<vmem>> -> memref<128xi32, #tpu.memory_space<vmem>>
      %dma_start3A_57 = arith.constant 0 : i32
      %dma_start3A_58 = tpu.memref_slice %arg4[%add3A, %run_scoped3A_5, %dma_start3A_57] : memref<32x124x128xi32, #tpu.memory_space<hbm>> -> memref<1x1x128xi32, #tpu.memory_space<hbm>>
      %dma_start3A_59 = tpu.memref_squeeze %dma_start3A_58 : memref<1x1x128xi32, #tpu.memory_space<hbm>> -> memref<128xi32, #tpu.memory_space<hbm>>
      tpu.enqueue_dma source(%dma_start3A_59 : memref<128xi32, #tpu.memory_space<hbm>>) target(%dma_start3A_56 : memref<128xi32, #tpu.memory_space<vmem>>) target_semaphore(%run_scoped3A_47 : memref<!tpu.dma_semaphore, #tpu.memory_space<semaphore_mem>>)
      %dma_wait3A = arith.constant 0 : i32
      %dma_wait3A_60 = tpu.memref_slice %arg9[%run_scoped3A_6, %dma_wait3A] : memref<1x128xi32, #tpu.memory_space<vmem>> -> memref<1x128xi32, #tpu.memory_space<vmem>>
      %dma_wait3A_61 = tpu.memref_squeeze %dma_wait3A_60 : memref<1x128xi32, #tpu.memory_space<vmem>> -> memref<128xi32, #tpu.memory_space<vmem>>
      %dma_wait3A_62 = arith.constant 0 : i32
      %dma_wait3A_63 = tpu.memref_slice %arg4[%add3A, %run_scoped3A_5, %dma_wait3A_62] : memref<32x124x128xi32, #tpu.memory_space<hbm>> -> memref<1x1x128xi32, #tpu.memory_space<hbm>>
      %dma_wait3A_64 = tpu.memref_squeeze %dma_wait3A_63 : memref<1x1x128xi32, #tpu.memory_space<hbm>> -> memref<128xi32, #tpu.memory_space<hbm>>
      %dma_wait3A_65 = arith.constant 0 : i32
      %dma_wait3A_66 = tpu.memref_slice %arg9[%run_scoped3A_6, %dma_wait3A_65] : memref<1x128xi32, #tpu.memory_space<vmem>> -> memref<1x128xi32, #tpu.memory_space<vmem>>
      %dma_wait3A_67 = tpu.memref_squeeze %dma_wait3A_66 : memref<1x128xi32, #tpu.memory_space<vmem>> -> memref<128xi32, #tpu.memory_space<vmem>>
      %dma_wait3A_68 = arith.constant 0 : i32
      %dma_wait3A_69 = tpu.memref_slice %arg4[%add3A, %run_scoped3A_5, %dma_wait3A_68] : memref<32x124x128xi32, #tpu.memory_space<hbm>> -> memref<1x1x128xi32, #tpu.memory_space<hbm>>
      %dma_wait3A_70 = tpu.memref_squeeze %dma_wait3A_69 : memref<1x1x128xi32, #tpu.memory_space<hbm>> -> memref<128xi32, #tpu.memory_space<hbm>>
      tpu.wait_dma2 semaphore(%run_scoped3A_47 : memref<!tpu.dma_semaphore, #tpu.memory_space<semaphore_mem>>) src(%dma_wait3A_70 : memref<128xi32, #tpu.memory_space<hbm>>) dst(%dma_wait3A_67 : memref<128xi32, #tpu.memory_space<vmem>>)
      tpu.yield
    }) : () -> ()
    %dma_start3A = arith.constant 0 : i32
    %dma_start3A_7 = arith.constant 0 : i32
    %dma_start3A_8 = tpu.memref_slice %arg2[%dma_start3A, %dma_start3A_7] : memref<10000x64xf32, #tpu.memory_space<hbm>> -> memref<10000x64xf32, #tpu.memory_space<hbm>>
    tpu.enqueue_indirect_dma source(%dma_start3A_8 : memref<10000x64xf32, #tpu.memory_space<hbm>>) target(%arg11 : memref<128x64xf32, #tpu.memory_space<vmem>>) offsets(%arg7 : memref<128xi32, #tpu.memory_space<vmem>>) semaphore(%arg16 : memref<!tpu.dma_semaphore, #tpu.memory_space<semaphore_mem>>)
    %dma_start3A_9 = arith.constant 1 : i32
    %dma_start3A_10 = arith.constant 0 : i32
    %dma_start3A_11 = tpu.memref_slice %arg3[%add3A, %dma_start3A_9, %dma_start3A_10] : memref<32x124x128xi32, #tpu.memory_space<hbm>> -> memref<1x1x128xi32, #tpu.memory_space<hbm>>
    %dma_start3A_12 = tpu.memref_squeeze %dma_start3A_11 : memref<1x1x128xi32, #tpu.memory_space<hbm>> -> memref<128xi32, #tpu.memory_space<hbm>>
    %dma_start3A_13 = arith.constant 0 : i32
    %dma_start3A_14 = tpu.memref_slice %arg3[%add3A, %dma_start3A_9, %dma_start3A_13] : memref<32x124x128xi32, #tpu.memory_space<hbm>> -> memref<1x1x128xi32, #tpu.memory_space<hbm>>
    %dma_start3A_15 = tpu.memref_squeeze %dma_start3A_14 : memref<1x1x128xi32, #tpu.memory_space<hbm>> -> memref<128xi32, #tpu.memory_space<hbm>>
    tpu.enqueue_dma source(%dma_start3A_15 : memref<128xi32, #tpu.memory_space<hbm>>) target(%arg8 : memref<128xi32, #tpu.memory_space<vmem>>) target_semaphore(%arg15 : memref<!tpu.dma_semaphore, #tpu.memory_space<semaphore_mem>>)
    %dma_start3A_16 = arith.constant 1 : i32
    %dma_start3A_17 = arith.constant 0 : i32
    %dma_start3A_18 = arith.constant 0 : i32
    %dma_start3A_19 = tpu.memref_slice %arg10[%dma_start3A_17, %dma_start3A_18] : memref<1x128xi32, #tpu.memory_space<vmem>> -> memref<1x128xi32, #tpu.memory_space<vmem>>
    %dma_start3A_20 = tpu.memref_squeeze %dma_start3A_19 : memref<1x128xi32, #tpu.memory_space<vmem>> -> memref<128xi32, #tpu.memory_space<vmem>>
    %dma_start3A_21 = arith.constant 0 : i32
    %dma_start3A_22 = tpu.memref_slice %arg4[%add3A, %dma_start3A_16, %dma_start3A_21] : memref<32x124x128xi32, #tpu.memory_space<hbm>> -> memref<1x1x128xi32, #tpu.memory_space<hbm>>
    %dma_start3A_23 = tpu.memref_squeeze %dma_start3A_22 : memref<1x1x128xi32, #tpu.memory_space<hbm>> -> memref<128xi32, #tpu.memory_space<hbm>>
    %dma_start3A_24 = arith.constant 0 : i32
    %dma_start3A_25 = tpu.memref_slice %arg10[%dma_start3A_17, %dma_start3A_24] : memref<1x128xi32, #tpu.memory_space<vmem>> -> memref<1x128xi32, #tpu.memory_space<vmem>>
    %dma_start3A_26 = tpu.memref_squeeze %dma_start3A_25 : memref<1x128xi32, #tpu.memory_space<vmem>> -> memref<128xi32, #tpu.memory_space<vmem>>
    %dma_start3A_27 = arith.constant 0 : i32
    %dma_start3A_28 = tpu.memref_slice %arg4[%add3A, %dma_start3A_16, %dma_start3A_27] : memref<32x124x128xi32, #tpu.memory_space<hbm>> -> memref<1x1x128xi32, #tpu.memory_space<hbm>>
    %dma_start3A_29 = tpu.memref_squeeze %dma_start3A_28 : memref<1x1x128xi32, #tpu.memory_space<hbm>> -> memref<128xi32, #tpu.memory_space<hbm>>
    tpu.enqueue_dma source(%dma_start3A_29 : memref<128xi32, #tpu.memory_space<hbm>>) target(%dma_start3A_26 : memref<128xi32, #tpu.memory_space<vmem>>) target_semaphore(%arg15 : memref<!tpu.dma_semaphore, #tpu.memory_space<semaphore_mem>>)
    %barrier3A = arith.constant 0 : index
    tpu.barrier barrier_id(%barrier3A)
    %sub3A = arith.constant 0 : i32
    %sub3A_30 = arith.subi %select_n3A, %sub3A : i32
    %sub3A_31 = arith.constant 2 : i32
    %sub3A_32 = arith.constant 1 : i32
    %sub3A_33 = arith.subi %sub3A_31, %sub3A_32 : i32
    %add3A_34 = arith.addi %sub3A_30, %sub3A_33 : i32
    %div3A = arith.constant 2 : i32
    %div3A_35 = arith.divsi %add3A_34, %div3A : i32
    %while3A = arith.constant 2 : i32
    %while3A_36 = arith.constant 0 : i32
    %while3A_37 = arith.constant 0 : i32
    %while3A_38 = arith.subi %div3A_35, %while3A_37 : i32
    %while3A_39 = arith.addi %while3A_37, %while3A_38 : i32
    %while3A_40 = arith.constant 1 : i32
    %while3A_41 = arith.divsi %while3A_38, %while3A_40 : i32
    %while3A_42 = arith.muli %while3A_41, %while3A_40 : i32
    %while3A_43 = arith.addi %while3A_37, %while3A_42 : i32
    %while3A_44 = arith.constant 1 : i32
    scf.for %while3A_47 = %while3A_37 to %while3A_43 step %while3A_44  : i32 {
      %mul3A_48 = arith.muli %while3A_47, %while3A : i32
      %add3A_49 = arith.addi %while3A_36, %mul3A_48 : i32
      %add3A_50 = arith.constant 0 : i32
      %add3A_51 = arith.addi %add3A_49, %add3A_50 : i32
      %add3A_52 = arith.constant 1 : i32
      %add3A_53 = arith.addi %add3A_51, %add3A_52 : i32
      %lt3A = arith.cmpi slt, %add3A_53, %select_n3A : i32
      %convert_element_type3A = arith.extui %lt3A : i1 to i32
      %cond3A = arith.constant 0 : i32
      %cond3A_54 = arith.cmpi ne, %convert_element_type3A, %cond3A : i32
      scf.if %cond3A_54 {
        %add3A_82 = arith.constant 1 : i32
        %add3A_83 = arith.addi %add3A_51, %add3A_82 : i32
        %dma_wait3A_84 = arith.constant 0 : i32
        %dma_wait3A_85 = tpu.memref_slice %arg3[%add3A, %add3A_83, %dma_wait3A_84] : memref<32x124x128xi32, #tpu.memory_space<hbm>> -> memref<1x1x128xi32, #tpu.memory_space<hbm>>
        %dma_wait3A_86 = tpu.memref_squeeze %dma_wait3A_85 : memref<1x1x128xi32, #tpu.memory_space<hbm>> -> memref<128xi32, #tpu.memory_space<hbm>>
        %dma_wait3A_87 = arith.constant 0 : i32
        %dma_wait3A_88 = tpu.memref_slice %arg3[%add3A, %add3A_83, %dma_wait3A_87] : memref<32x124x128xi32, #tpu.memory_space<hbm>> -> memref<1x1x128xi32, #tpu.memory_space<hbm>>
        %dma_wait3A_89 = tpu.memref_squeeze %dma_wait3A_88 : memref<1x1x128xi32, #tpu.memory_space<hbm>> -> memref<128xi32, #tpu.memory_space<hbm>>
        tpu.wait_dma2 semaphore(%arg15 : memref<!tpu.dma_semaphore, #tpu.memory_space<semaphore_mem>>) src(%dma_wait3A_89 : memref<128xi32, #tpu.memory_space<hbm>>) dst(%arg8 : memref<128xi32, #tpu.memory_space<vmem>>)
        %add3A_90 = arith.constant 1 : i32
        %add3A_91 = arith.addi %add3A_51, %add3A_90 : i32
        %dma_wait3A_92 = arith.constant 0 : i32
        %dma_wait3A_93 = arith.constant 0 : i32
        %dma_wait3A_94 = tpu.memref_slice %arg10[%dma_wait3A_92, %dma_wait3A_93] : memref<1x128xi32, #tpu.memory_space<vmem>> -> memref<1x128xi32, #tpu.memory_space<vmem>>
        %dma_wait3A_95 = tpu.memref_squeeze %dma_wait3A_94 : memref<1x128xi32, #tpu.memory_space<vmem>> -> memref<128xi32, #tpu.memory_space<vmem>>
        %dma_wait3A_96 = arith.constant 0 : i32
        %dma_wait3A_97 = tpu.memref_slice %arg4[%add3A, %add3A_91, %dma_wait3A_96] : memref<32x124x128xi32, #tpu.memory_space<hbm>> -> memref<1x1x128xi32, #tpu.memory_space<hbm>>
        %dma_wait3A_98 = tpu.memref_squeeze %dma_wait3A_97 : memref<1x1x128xi32, #tpu.memory_space<hbm>> -> memref<128xi32, #tpu.memory_space<hbm>>
        %dma_wait3A_99 = arith.constant 0 : i32
        %dma_wait3A_100 = tpu.memref_slice %arg10[%dma_wait3A_92, %dma_wait3A_99] : memref<1x128xi32, #tpu.memory_space<vmem>> -> memref<1x128xi32, #tpu.memory_space<vmem>>
        %dma_wait3A_101 = tpu.memref_squeeze %dma_wait3A_100 : memref<1x128xi32, #tpu.memory_space<vmem>> -> memref<128xi32, #tpu.memory_space<vmem>>
        %dma_wait3A_102 = arith.constant 0 : i32
        %dma_wait3A_103 = tpu.memref_slice %arg4[%add3A, %add3A_91, %dma_wait3A_102] : memref<32x124x128xi32, #tpu.memory_space<hbm>> -> memref<1x1x128xi32, #tpu.memory_space<hbm>>
        %dma_wait3A_104 = tpu.memref_squeeze %dma_wait3A_103 : memref<1x1x128xi32, #tpu.memory_space<hbm>> -> memref<128xi32, #tpu.memory_space<hbm>>
        tpu.wait_dma2 semaphore(%arg15 : memref<!tpu.dma_semaphore, #tpu.memory_space<semaphore_mem>>) src(%dma_wait3A_104 : memref<128xi32, #tpu.memory_space<hbm>>) dst(%dma_wait3A_101 : memref<128xi32, #tpu.memory_space<vmem>>)
        %dma_start3A_105 = arith.constant 0 : i32
        %dma_start3A_106 = arith.constant 0 : i32
        %dma_start3A_107 = tpu.memref_slice %arg2[%dma_start3A_105, %dma_start3A_106] : memref<10000x64xf32, #tpu.memory_space<hbm>> -> memref<10000x64xf32, #tpu.memory_space<hbm>>
        tpu.enqueue_indirect_dma source(%dma_start3A_107 : memref<10000x64xf32, #tpu.memory_space<hbm>>) target(%arg12 : memref<128x64xf32, #tpu.memory_space<vmem>>) offsets(%arg8 : memref<128xi32, #tpu.memory_space<vmem>>) semaphore(%arg17 : memref<!tpu.dma_semaphore, #tpu.memory_space<semaphore_mem>>)
      } else {
      }
      %dma_wait3A = arith.constant 0 : i32
      %dma_wait3A_55 = arith.constant 0 : i32
      %dma_wait3A_56 = tpu.memref_slice %arg2[%dma_wait3A, %dma_wait3A_55] : memref<10000x64xf32, #tpu.memory_space<hbm>> -> memref<10000x64xf32, #tpu.memory_space<hbm>>
      tpu.wait_indirect_dma semaphore(%arg16 : memref<!tpu.dma_semaphore, #tpu.memory_space<semaphore_mem>>) src(%dma_wait3A_56 : memref<10000x64xf32, #tpu.memory_space<hbm>>) dst(%arg11 : memref<128x64xf32, #tpu.memory_space<vmem>>)
      %run_scoped3A_57 = arith.constant 0 : i32
      "tpu.region"() ({
        %run_scoped3A_82 = tpu.sem_alloc : memref<!tpu.dma_semaphore, #tpu.memory_space<semaphore_mem>>
        %dma_start3A_83 = arith.constant 0 : i32
        %dma_start3A_84 = tpu.memref_slice %arg9[%run_scoped3A_57, %dma_start3A_83] : memref<1x128xi32, #tpu.memory_space<vmem>> -> memref<1x128xi32, #tpu.memory_space<vmem>>
        %dma_start3A_85 = tpu.memref_squeeze %dma_start3A_84 : memref<1x128xi32, #tpu.memory_space<vmem>> -> memref<128xi32, #tpu.memory_space<vmem>>
        %dma_start3A_86 = arith.constant 0 : i32
        %dma_start3A_87 = arith.constant 0 : i32
        %dma_start3A_88 = tpu.memref_slice %arg13[%dma_start3A_86, %dma_start3A_87] : memref<10112x64xf32, #tpu.memory_space<vmem_shared>> -> memref<10112x64xf32, #tpu.memory_space<vmem_shared>>
        tpu.enqueue_indirect_dma source(%arg11 : memref<128x64xf32, #tpu.memory_space<vmem>>) target(%dma_start3A_88 : memref<10112x64xf32, #tpu.memory_space<vmem_shared>>) offsets(%dma_start3A_85 : memref<128xi32, #tpu.memory_space<vmem>>) semaphore(%run_scoped3A_82 : memref<!tpu.dma_semaphore, #tpu.memory_space<semaphore_mem>>) {add = true}
        %dma_wait3A_89 = arith.constant 0 : i32
        %dma_wait3A_90 = tpu.memref_slice %arg9[%run_scoped3A_57, %dma_wait3A_89] : memref<1x128xi32, #tpu.memory_space<vmem>> -> memref<1x128xi32, #tpu.memory_space<vmem>>
        %dma_wait3A_91 = tpu.memref_squeeze %dma_wait3A_90 : memref<1x128xi32, #tpu.memory_space<vmem>> -> memref<128xi32, #tpu.memory_space<vmem>>
        %dma_wait3A_92 = arith.constant 0 : i32
        %dma_wait3A_93 = arith.constant 0 : i32
        %dma_wait3A_94 = tpu.memref_slice %arg13[%dma_wait3A_92, %dma_wait3A_93] : memref<10112x64xf32, #tpu.memory_space<vmem_shared>> -> memref<10112x64xf32, #tpu.memory_space<vmem_shared>>
        tpu.wait_indirect_dma semaphore(%run_scoped3A_82 : memref<!tpu.dma_semaphore, #tpu.memory_space<semaphore_mem>>) src(%arg11 : memref<128x64xf32, #tpu.memory_space<vmem>>) dst(%dma_wait3A_94 : memref<10112x64xf32, #tpu.memory_space<vmem_shared>>)
        tpu.yield
      }) : () -> ()
      %add3A_58 = arith.constant 2 : i32
      %add3A_59 = arith.addi %add3A_51, %add3A_58 : i32
      %lt3A_60 = arith.cmpi slt, %add3A_59, %select_n3A : i32
      %convert_element_type3A_61 = arith.extui %lt3A_60 : i1 to i32
      %cond3A_62 = arith.constant 0 : i32
      %cond3A_63 = arith.cmpi ne, %convert_element_type3A_61, %cond3A_62 : i32
      scf.if %cond3A_63 {
        %add3A_82 = arith.constant 2 : i32
        %add3A_83 = arith.addi %add3A_51, %add3A_82 : i32
        %dma_start3A_84 = arith.constant 0 : i32
        %dma_start3A_85 = tpu.memref_slice %arg3[%add3A, %add3A_83, %dma_start3A_84] : memref<32x124x128xi32, #tpu.memory_space<hbm>> -> memref<1x1x128xi32, #tpu.memory_space<hbm>>
        %dma_start3A_86 = tpu.memref_squeeze %dma_start3A_85 : memref<1x1x128xi32, #tpu.memory_space<hbm>> -> memref<128xi32, #tpu.memory_space<hbm>>
        %dma_start3A_87 = arith.constant 0 : i32
        %dma_start3A_88 = tpu.memref_slice %arg3[%add3A, %add3A_83, %dma_start3A_87] : memref<32x124x128xi32, #tpu.memory_space<hbm>> -> memref<1x1x128xi32, #tpu.memory_space<hbm>>
        %dma_start3A_89 = tpu.memref_squeeze %dma_start3A_88 : memref<1x1x128xi32, #tpu.memory_space<hbm>> -> memref<128xi32, #tpu.memory_space<hbm>>
        tpu.enqueue_dma source(%dma_start3A_89 : memref<128xi32, #tpu.memory_space<hbm>>) target(%arg7 : memref<128xi32, #tpu.memory_space<vmem>>) target_semaphore(%arg14 : memref<!tpu.dma_semaphore, #tpu.memory_space<semaphore_mem>>)
        %add3A_90 = arith.constant 2 : i32
        %add3A_91 = arith.addi %add3A_51, %add3A_90 : i32
        %dma_start3A_92 = arith.constant 0 : i32
        %dma_start3A_93 = arith.constant 0 : i32
        %dma_start3A_94 = tpu.memref_slice %arg9[%dma_start3A_92, %dma_start3A_93] : memref<1x128xi32, #tpu.memory_space<vmem>> -> memref<1x128xi32, #tpu.memory_space<vmem>>
        %dma_start3A_95 = tpu.memref_squeeze %dma_start3A_94 : memref<1x128xi32, #tpu.memory_space<vmem>> -> memref<128xi32, #tpu.memory_space<vmem>>
        %dma_start3A_96 = arith.constant 0 : i32
        %dma_start3A_97 = tpu.memref_slice %arg4[%add3A, %add3A_91, %dma_start3A_96] : memref<32x124x128xi32, #tpu.memory_space<hbm>> -> memref<1x1x128xi32, #tpu.memory_space<hbm>>
        %dma_start3A_98 = tpu.memref_squeeze %dma_start3A_97 : memref<1x1x128xi32, #tpu.memory_space<hbm>> -> memref<128xi32, #tpu.memory_space<hbm>>
        %dma_start3A_99 = arith.constant 0 : i32
        %dma_start3A_100 = tpu.memref_slice %arg9[%dma_start3A_92, %dma_start3A_99] : memref<1x128xi32, #tpu.memory_space<vmem>> -> memref<1x128xi32, #tpu.memory_space<vmem>>
        %dma_start3A_101 = tpu.memref_squeeze %dma_start3A_100 : memref<1x128xi32, #tpu.memory_space<vmem>> -> memref<128xi32, #tpu.memory_space<vmem>>
        %dma_start3A_102 = arith.constant 0 : i32
        %dma_start3A_103 = tpu.memref_slice %arg4[%add3A, %add3A_91, %dma_start3A_102] : memref<32x124x128xi32, #tpu.memory_space<hbm>> -> memref<1x1x128xi32, #tpu.memory_space<hbm>>
        %dma_start3A_104 = tpu.memref_squeeze %dma_start3A_103 : memref<1x1x128xi32, #tpu.memory_space<hbm>> -> memref<128xi32, #tpu.memory_space<hbm>>
        tpu.enqueue_dma source(%dma_start3A_104 : memref<128xi32, #tpu.memory_space<hbm>>) target(%dma_start3A_101 : memref<128xi32, #tpu.memory_space<vmem>>) target_semaphore(%arg14 : memref<!tpu.dma_semaphore, #tpu.memory_space<semaphore_mem>>)
      } else {
      }
      %add3A_64 = arith.constant 1 : i32
      %add3A_65 = arith.addi %add3A_49, %add3A_64 : i32
      %add3A_66 = arith.constant 1 : i32
      %add3A_67 = arith.addi %add3A_65, %add3A_66 : i32
      %lt3A_68 = arith.cmpi slt, %add3A_67, %select_n3A : i32
      %convert_element_type3A_69 = arith.extui %lt3A_68 : i1 to i32
      %cond3A_70 = arith.constant 0 : i32
      %cond3A_71 = arith.cmpi ne, %convert_element_type3A_69, %cond3A_70 : i32
      scf.if %cond3A_71 {
        %add3A_82 = arith.constant 1 : i32
        %add3A_83 = arith.addi %add3A_65, %add3A_82 : i32
        %dma_wait3A_84 = arith.constant 0 : i32
        %dma_wait3A_85 = tpu.memref_slice %arg3[%add3A, %add3A_83, %dma_wait3A_84] : memref<32x124x128xi32, #tpu.memory_space<hbm>> -> memref<1x1x128xi32, #tpu.memory_space<hbm>>
        %dma_wait3A_86 = tpu.memref_squeeze %dma_wait3A_85 : memref<1x1x128xi32, #tpu.memory_space<hbm>> -> memref<128xi32, #tpu.memory_space<hbm>>
        %dma_wait3A_87 = arith.constant 0 : i32
        %dma_wait3A_88 = tpu.memref_slice %arg3[%add3A, %add3A_83, %dma_wait3A_87] : memref<32x124x128xi32, #tpu.memory_space<hbm>> -> memref<1x1x128xi32, #tpu.memory_space<hbm>>
        %dma_wait3A_89 = tpu.memref_squeeze %dma_wait3A_88 : memref<1x1x128xi32, #tpu.memory_space<hbm>> -> memref<128xi32, #tpu.memory_space<hbm>>
        tpu.wait_dma2 semaphore(%arg14 : memref<!tpu.dma_semaphore, #tpu.memory_space<semaphore_mem>>) src(%dma_wait3A_89 : memref<128xi32, #tpu.memory_space<hbm>>) dst(%arg7 : memref<128xi32, #tpu.memory_space<vmem>>)
        %add3A_90 = arith.constant 1 : i32
        %add3A_91 = arith.addi %add3A_65, %add3A_90 : i32
        %dma_wait3A_92 = arith.constant 0 : i32
        %dma_wait3A_93 = arith.constant 0 : i32
        %dma_wait3A_94 = tpu.memref_slice %arg9[%dma_wait3A_92, %dma_wait3A_93] : memref<1x128xi32, #tpu.memory_space<vmem>> -> memref<1x128xi32, #tpu.memory_space<vmem>>
        %dma_wait3A_95 = tpu.memref_squeeze %dma_wait3A_94 : memref<1x128xi32, #tpu.memory_space<vmem>> -> memref<128xi32, #tpu.memory_space<vmem>>
        %dma_wait3A_96 = arith.constant 0 : i32
        %dma_wait3A_97 = tpu.memref_slice %arg4[%add3A, %add3A_91, %dma_wait3A_96] : memref<32x124x128xi32, #tpu.memory_space<hbm>> -> memref<1x1x128xi32, #tpu.memory_space<hbm>>
        %dma_wait3A_98 = tpu.memref_squeeze %dma_wait3A_97 : memref<1x1x128xi32, #tpu.memory_space<hbm>> -> memref<128xi32, #tpu.memory_space<hbm>>
        %dma_wait3A_99 = arith.constant 0 : i32
        %dma_wait3A_100 = tpu.memref_slice %arg9[%dma_wait3A_92, %dma_wait3A_99] : memref<1x128xi32, #tpu.memory_space<vmem>> -> memref<1x128xi32, #tpu.memory_space<vmem>>
        %dma_wait3A_101 = tpu.memref_squeeze %dma_wait3A_100 : memref<1x128xi32, #tpu.memory_space<vmem>> -> memref<128xi32, #tpu.memory_space<vmem>>
        %dma_wait3A_102 = arith.constant 0 : i32
        %dma_wait3A_103 = tpu.memref_slice %arg4[%add3A, %add3A_91, %dma_wait3A_102] : memref<32x124x128xi32, #tpu.memory_space<hbm>> -> memref<1x1x128xi32, #tpu.memory_space<hbm>>
        %dma_wait3A_104 = tpu.memref_squeeze %dma_wait3A_103 : memref<1x1x128xi32, #tpu.memory_space<hbm>> -> memref<128xi32, #tpu.memory_space<hbm>>
        tpu.wait_dma2 semaphore(%arg14 : memref<!tpu.dma_semaphore, #tpu.memory_space<semaphore_mem>>) src(%dma_wait3A_104 : memref<128xi32, #tpu.memory_space<hbm>>) dst(%dma_wait3A_101 : memref<128xi32, #tpu.memory_space<vmem>>)
        %dma_start3A_105 = arith.constant 0 : i32
        %dma_start3A_106 = arith.constant 0 : i32
        %dma_start3A_107 = tpu.memref_slice %arg2[%dma_start3A_105, %dma_start3A_106] : memref<10000x64xf32, #tpu.memory_space<hbm>> -> memref<10000x64xf32, #tpu.memory_space<hbm>>
        tpu.enqueue_indirect_dma source(%dma_start3A_107 : memref<10000x64xf32, #tpu.memory_space<hbm>>) target(%arg11 : memref<128x64xf32, #tpu.memory_space<vmem>>) offsets(%arg7 : memref<128xi32, #tpu.memory_space<vmem>>) semaphore(%arg16 : memref<!tpu.dma_semaphore, #tpu.memory_space<semaphore_mem>>)
      } else {
      }
      %dma_wait3A_72 = arith.constant 0 : i32
      %dma_wait3A_73 = arith.constant 0 : i32
      %dma_wait3A_74 = tpu.memref_slice %arg2[%dma_wait3A_72, %dma_wait3A_73] : memref<10000x64xf32, #tpu.memory_space<hbm>> -> memref<10000x64xf32, #tpu.memory_space<hbm>>
      tpu.wait_indirect_dma semaphore(%arg17 : memref<!tpu.dma_semaphore, #tpu.memory_space<semaphore_mem>>) src(%dma_wait3A_74 : memref<10000x64xf32, #tpu.memory_space<hbm>>) dst(%arg12 : memref<128x64xf32, #tpu.memory_space<vmem>>)
      %run_scoped3A_75 = arith.constant 0 : i32
      "tpu.region"() ({
        %run_scoped3A_82 = tpu.sem_alloc : memref<!tpu.dma_semaphore, #tpu.memory_space<semaphore_mem>>
        %dma_start3A_83 = arith.constant 0 : i32
        %dma_start3A_84 = tpu.memref_slice %arg10[%run_scoped3A_75, %dma_start3A_83] : memref<1x128xi32, #tpu.memory_space<vmem>> -> memref<1x128xi32, #tpu.memory_space<vmem>>
        %dma_start3A_85 = tpu.memref_squeeze %dma_start3A_84 : memref<1x128xi32, #tpu.memory_space<vmem>> -> memref<128xi32, #tpu.memory_space<vmem>>
        %dma_start3A_86 = arith.constant 0 : i32
        %dma_start3A_87 = arith.constant 0 : i32
        %dma_start3A_88 = tpu.memref_slice %arg13[%dma_start3A_86, %dma_start3A_87] : memref<10112x64xf32, #tpu.memory_space<vmem_shared>> -> memref<10112x64xf32, #tpu.memory_space<vmem_shared>>
        tpu.enqueue_indirect_dma source(%arg12 : memref<128x64xf32, #tpu.memory_space<vmem>>) target(%dma_start3A_88 : memref<10112x64xf32, #tpu.memory_space<vmem_shared>>) offsets(%dma_start3A_85 : memref<128xi32, #tpu.memory_space<vmem>>) semaphore(%run_scoped3A_82 : memref<!tpu.dma_semaphore, #tpu.memory_space<semaphore_mem>>) {add = true}
        %dma_wait3A_89 = arith.constant 0 : i32
        %dma_wait3A_90 = tpu.memref_slice %arg10[%run_scoped3A_75, %dma_wait3A_89] : memref<1x128xi32, #tpu.memory_space<vmem>> -> memref<1x128xi32, #tpu.memory_space<vmem>>
        %dma_wait3A_91 = tpu.memref_squeeze %dma_wait3A_90 : memref<1x128xi32, #tpu.memory_space<vmem>> -> memref<128xi32, #tpu.memory_space<vmem>>
        %dma_wait3A_92 = arith.constant 0 : i32
        %dma_wait3A_93 = arith.constant 0 : i32
        %dma_wait3A_94 = tpu.memref_slice %arg13[%dma_wait3A_92, %dma_wait3A_93] : memref<10112x64xf32, #tpu.memory_space<vmem_shared>> -> memref<10112x64xf32, #tpu.memory_space<vmem_shared>>
        tpu.wait_indirect_dma semaphore(%run_scoped3A_82 : memref<!tpu.dma_semaphore, #tpu.memory_space<semaphore_mem>>) src(%arg12 : memref<128x64xf32, #tpu.memory_space<vmem>>) dst(%dma_wait3A_94 : memref<10112x64xf32, #tpu.memory_space<vmem_shared>>)
        tpu.yield
      }) : () -> ()
      %add3A_76 = arith.constant 2 : i32
      %add3A_77 = arith.addi %add3A_65, %add3A_76 : i32
      %lt3A_78 = arith.cmpi slt, %add3A_77, %select_n3A : i32
      %convert_element_type3A_79 = arith.extui %lt3A_78 : i1 to i32
      %cond3A_80 = arith.constant 0 : i32
      %cond3A_81 = arith.cmpi ne, %convert_element_type3A_79, %cond3A_80 : i32
      scf.if %cond3A_81 {
        %add3A_82 = arith.constant 2 : i32
        %add3A_83 = arith.addi %add3A_65, %add3A_82 : i32
        %dma_start3A_84 = arith.constant 0 : i32
        %dma_start3A_85 = tpu.memref_slice %arg3[%add3A, %add3A_83, %dma_start3A_84] : memref<32x124x128xi32, #tpu.memory_space<hbm>> -> memref<1x1x128xi32, #tpu.memory_space<hbm>>
        %dma_start3A_86 = tpu.memref_squeeze %dma_start3A_85 : memref<1x1x128xi32, #tpu.memory_space<hbm>> -> memref<128xi32, #tpu.memory_space<hbm>>
        %dma_start3A_87 = arith.constant 0 : i32
        %dma_start3A_88 = tpu.memref_slice %arg3[%add3A, %add3A_83, %dma_start3A_87] : memref<32x124x128xi32, #tpu.memory_space<hbm>> -> memref<1x1x128xi32, #tpu.memory_space<hbm>>
        %dma_start3A_89 = tpu.memref_squeeze %dma_start3A_88 : memref<1x1x128xi32, #tpu.memory_space<hbm>> -> memref<128xi32, #tpu.memory_space<hbm>>
        tpu.enqueue_dma source(%dma_start3A_89 : memref<128xi32, #tpu.memory_space<hbm>>) target(%arg8 : memref<128xi32, #tpu.memory_space<vmem>>) target_semaphore(%arg15 : memref<!tpu.dma_semaphore, #tpu.memory_space<semaphore_mem>>)
        %add3A_90 = arith.constant 2 : i32
        %add3A_91 = arith.addi %add3A_65, %add3A_90 : i32
        %dma_start3A_92 = arith.constant 0 : i32
        %dma_start3A_93 = arith.constant 0 : i32
        %dma_start3A_94 = tpu.memref_slice %arg10[%dma_start3A_92, %dma_start3A_93] : memref<1x128xi32, #tpu.memory_space<vmem>> -> memref<1x128xi32, #tpu.memory_space<vmem>>
        %dma_start3A_95 = tpu.memref_squeeze %dma_start3A_94 : memref<1x128xi32, #tpu.memory_space<vmem>> -> memref<128xi32, #tpu.memory_space<vmem>>
        %dma_start3A_96 = arith.constant 0 : i32
        %dma_start3A_97 = tpu.memref_slice %arg4[%add3A, %add3A_91, %dma_start3A_96] : memref<32x124x128xi32, #tpu.memory_space<hbm>> -> memref<1x1x128xi32, #tpu.memory_space<hbm>>
        %dma_start3A_98 = tpu.memref_squeeze %dma_start3A_97 : memref<1x1x128xi32, #tpu.memory_space<hbm>> -> memref<128xi32, #tpu.memory_space<hbm>>
        %dma_start3A_99 = arith.constant 0 : i32
        %dma_start3A_100 = tpu.memref_slice %arg10[%dma_start3A_92, %dma_start3A_99] : memref<1x128xi32, #tpu.memory_space<vmem>> -> memref<1x128xi32, #tpu.memory_space<vmem>>
        %dma_start3A_101 = tpu.memref_squeeze %dma_start3A_100 : memref<1x128xi32, #tpu.memory_space<vmem>> -> memref<128xi32, #tpu.memory_space<vmem>>
        %dma_start3A_102 = arith.constant 0 : i32
        %dma_start3A_103 = tpu.memref_slice %arg4[%add3A, %add3A_91, %dma_start3A_102] : memref<32x124x128xi32, #tpu.memory_space<hbm>> -> memref<1x1x128xi32, #tpu.memory_space<hbm>>
        %dma_start3A_104 = tpu.memref_squeeze %dma_start3A_103 : memref<1x1x128xi32, #tpu.memory_space<hbm>> -> memref<128xi32, #tpu.memory_space<hbm>>
        tpu.enqueue_dma source(%dma_start3A_104 : memref<128xi32, #tpu.memory_space<hbm>>) target(%dma_start3A_101 : memref<128xi32, #tpu.memory_space<vmem>>) target_semaphore(%arg15 : memref<!tpu.dma_semaphore, #tpu.memory_space<semaphore_mem>>)
      } else {
      }
    }
    %while3A_45 = arith.constant 1 : i32
    scf.for %while3A_47 = %while3A_43 to %while3A_39 step %while3A_45  : i32 {
      %mul3A_48 = arith.muli %while3A_47, %while3A : i32
      %add3A_49 = arith.addi %while3A_36, %mul3A_48 : i32
      %add3A_50 = arith.constant 0 : i32
      %add3A_51 = arith.addi %add3A_49, %add3A_50 : i32
      %add3A_52 = arith.constant 1 : i32
      %add3A_53 = arith.addi %add3A_51, %add3A_52 : i32
      %lt3A = arith.cmpi slt, %add3A_53, %select_n3A : i32
      %convert_element_type3A = arith.extui %lt3A : i1 to i32
      %cond3A = arith.constant 0 : i32
      %cond3A_54 = arith.cmpi ne, %convert_element_type3A, %cond3A : i32
      scf.if %cond3A_54 {
        %add3A_82 = arith.constant 1 : i32
        %add3A_83 = arith.addi %add3A_51, %add3A_82 : i32
        %dma_wait3A_84 = arith.constant 0 : i32
        %dma_wait3A_85 = tpu.memref_slice %arg3[%add3A, %add3A_83, %dma_wait3A_84] : memref<32x124x128xi32, #tpu.memory_space<hbm>> -> memref<1x1x128xi32, #tpu.memory_space<hbm>>
        %dma_wait3A_86 = tpu.memref_squeeze %dma_wait3A_85 : memref<1x1x128xi32, #tpu.memory_space<hbm>> -> memref<128xi32, #tpu.memory_space<hbm>>
        %dma_wait3A_87 = arith.constant 0 : i32
        %dma_wait3A_88 = tpu.memref_slice %arg3[%add3A, %add3A_83, %dma_wait3A_87] : memref<32x124x128xi32, #tpu.memory_space<hbm>> -> memref<1x1x128xi32, #tpu.memory_space<hbm>>
        %dma_wait3A_89 = tpu.memref_squeeze %dma_wait3A_88 : memref<1x1x128xi32, #tpu.memory_space<hbm>> -> memref<128xi32, #tpu.memory_space<hbm>>
        tpu.wait_dma2 semaphore(%arg15 : memref<!tpu.dma_semaphore, #tpu.memory_space<semaphore_mem>>) src(%dma_wait3A_89 : memref<128xi32, #tpu.memory_space<hbm>>) dst(%arg8 : memref<128xi32, #tpu.memory_space<vmem>>)
        %add3A_90 = arith.constant 1 : i32
        %add3A_91 = arith.addi %add3A_51, %add3A_90 : i32
        %dma_wait3A_92 = arith.constant 0 : i32
        %dma_wait3A_93 = arith.constant 0 : i32
        %dma_wait3A_94 = tpu.memref_slice %arg10[%dma_wait3A_92, %dma_wait3A_93] : memref<1x128xi32, #tpu.memory_space<vmem>> -> memref<1x128xi32, #tpu.memory_space<vmem>>
        %dma_wait3A_95 = tpu.memref_squeeze %dma_wait3A_94 : memref<1x128xi32, #tpu.memory_space<vmem>> -> memref<128xi32, #tpu.memory_space<vmem>>
        %dma_wait3A_96 = arith.constant 0 : i32
        %dma_wait3A_97 = tpu.memref_slice %arg4[%add3A, %add3A_91, %dma_wait3A_96] : memref<32x124x128xi32, #tpu.memory_space<hbm>> -> memref<1x1x128xi32, #tpu.memory_space<hbm>>
        %dma_wait3A_98 = tpu.memref_squeeze %dma_wait3A_97 : memref<1x1x128xi32, #tpu.memory_space<hbm>> -> memref<128xi32, #tpu.memory_space<hbm>>
        %dma_wait3A_99 = arith.constant 0 : i32
        %dma_wait3A_100 = tpu.memref_slice %arg10[%dma_wait3A_92, %dma_wait3A_99] : memref<1x128xi32, #tpu.memory_space<vmem>> -> memref<1x128xi32, #tpu.memory_space<vmem>>
        %dma_wait3A_101 = tpu.memref_squeeze %dma_wait3A_100 : memref<1x128xi32, #tpu.memory_space<vmem>> -> memref<128xi32, #tpu.memory_space<vmem>>
        %dma_wait3A_102 = arith.constant 0 : i32
        %dma_wait3A_103 = tpu.memref_slice %arg4[%add3A, %add3A_91, %dma_wait3A_102] : memref<32x124x128xi32, #tpu.memory_space<hbm>> -> memref<1x1x128xi32, #tpu.memory_space<hbm>>
        %dma_wait3A_104 = tpu.memref_squeeze %dma_wait3A_103 : memref<1x1x128xi32, #tpu.memory_space<hbm>> -> memref<128xi32, #tpu.memory_space<hbm>>
        tpu.wait_dma2 semaphore(%arg15 : memref<!tpu.dma_semaphore, #tpu.memory_space<semaphore_mem>>) src(%dma_wait3A_104 : memref<128xi32, #tpu.memory_space<hbm>>) dst(%dma_wait3A_101 : memref<128xi32, #tpu.memory_space<vmem>>)
        %dma_start3A_105 = arith.constant 0 : i32
        %dma_start3A_106 = arith.constant 0 : i32
        %dma_start3A_107 = tpu.memref_slice %arg2[%dma_start3A_105, %dma_start3A_106] : memref<10000x64xf32, #tpu.memory_space<hbm>> -> memref<10000x64xf32, #tpu.memory_space<hbm>>
        tpu.enqueue_indirect_dma source(%dma_start3A_107 : memref<10000x64xf32, #tpu.memory_space<hbm>>) target(%arg12 : memref<128x64xf32, #tpu.memory_space<vmem>>) offsets(%arg8 : memref<128xi32, #tpu.memory_space<vmem>>) semaphore(%arg17 : memref<!tpu.dma_semaphore, #tpu.memory_space<semaphore_mem>>)
      } else {
      }
      %dma_wait3A = arith.constant 0 : i32
      %dma_wait3A_55 = arith.constant 0 : i32
      %dma_wait3A_56 = tpu.memref_slice %arg2[%dma_wait3A, %dma_wait3A_55] : memref<10000x64xf32, #tpu.memory_space<hbm>> -> memref<10000x64xf32, #tpu.memory_space<hbm>>
      tpu.wait_indirect_dma semaphore(%arg16 : memref<!tpu.dma_semaphore, #tpu.memory_space<semaphore_mem>>) src(%dma_wait3A_56 : memref<10000x64xf32, #tpu.memory_space<hbm>>) dst(%arg11 : memref<128x64xf32, #tpu.memory_space<vmem>>)
      %run_scoped3A_57 = arith.constant 0 : i32
      "tpu.region"() ({
        %run_scoped3A_82 = tpu.sem_alloc : memref<!tpu.dma_semaphore, #tpu.memory_space<semaphore_mem>>
        %dma_start3A_83 = arith.constant 0 : i32
        %dma_start3A_84 = tpu.memref_slice %arg9[%run_scoped3A_57, %dma_start3A_83] : memref<1x128xi32, #tpu.memory_space<vmem>> -> memref<1x128xi32, #tpu.memory_space<vmem>>
        %dma_start3A_85 = tpu.memref_squeeze %dma_start3A_84 : memref<1x128xi32, #tpu.memory_space<vmem>> -> memref<128xi32, #tpu.memory_space<vmem>>
        %dma_start3A_86 = arith.constant 0 : i32
        %dma_start3A_87 = arith.constant 0 : i32
        %dma_start3A_88 = tpu.memref_slice %arg13[%dma_start3A_86, %dma_start3A_87] : memref<10112x64xf32, #tpu.memory_space<vmem_shared>> -> memref<10112x64xf32, #tpu.memory_space<vmem_shared>>
        tpu.enqueue_indirect_dma source(%arg11 : memref<128x64xf32, #tpu.memory_space<vmem>>) target(%dma_start3A_88 : memref<10112x64xf32, #tpu.memory_space<vmem_shared>>) offsets(%dma_start3A_85 : memref<128xi32, #tpu.memory_space<vmem>>) semaphore(%run_scoped3A_82 : memref<!tpu.dma_semaphore, #tpu.memory_space<semaphore_mem>>) {add = true}
        %dma_wait3A_89 = arith.constant 0 : i32
        %dma_wait3A_90 = tpu.memref_slice %arg9[%run_scoped3A_57, %dma_wait3A_89] : memref<1x128xi32, #tpu.memory_space<vmem>> -> memref<1x128xi32, #tpu.memory_space<vmem>>
        %dma_wait3A_91 = tpu.memref_squeeze %dma_wait3A_90 : memref<1x128xi32, #tpu.memory_space<vmem>> -> memref<128xi32, #tpu.memory_space<vmem>>
        %dma_wait3A_92 = arith.constant 0 : i32
        %dma_wait3A_93 = arith.constant 0 : i32
        %dma_wait3A_94 = tpu.memref_slice %arg13[%dma_wait3A_92, %dma_wait3A_93] : memref<10112x64xf32, #tpu.memory_space<vmem_shared>> -> memref<10112x64xf32, #tpu.memory_space<vmem_shared>>
        tpu.wait_indirect_dma semaphore(%run_scoped3A_82 : memref<!tpu.dma_semaphore, #tpu.memory_space<semaphore_mem>>) src(%arg11 : memref<128x64xf32, #tpu.memory_space<vmem>>) dst(%dma_wait3A_94 : memref<10112x64xf32, #tpu.memory_space<vmem_shared>>)
        tpu.yield
      }) : () -> ()
      %add3A_58 = arith.constant 2 : i32
      %add3A_59 = arith.addi %add3A_51, %add3A_58 : i32
      %lt3A_60 = arith.cmpi slt, %add3A_59, %select_n3A : i32
      %convert_element_type3A_61 = arith.extui %lt3A_60 : i1 to i32
      %cond3A_62 = arith.constant 0 : i32
      %cond3A_63 = arith.cmpi ne, %convert_element_type3A_61, %cond3A_62 : i32
      scf.if %cond3A_63 {
        %add3A_82 = arith.constant 2 : i32
        %add3A_83 = arith.addi %add3A_51, %add3A_82 : i32
        %dma_start3A_84 = arith.constant 0 : i32
        %dma_start3A_85 = tpu.memref_slice %arg3[%add3A, %add3A_83, %dma_start3A_84] : memref<32x124x128xi32, #tpu.memory_space<hbm>> -> memref<1x1x128xi32, #tpu.memory_space<hbm>>
        %dma_start3A_86 = tpu.memref_squeeze %dma_start3A_85 : memref<1x1x128xi32, #tpu.memory_space<hbm>> -> memref<128xi32, #tpu.memory_space<hbm>>
        %dma_start3A_87 = arith.constant 0 : i32
        %dma_start3A_88 = tpu.memref_slice %arg3[%add3A, %add3A_83, %dma_start3A_87] : memref<32x124x128xi32, #tpu.memory_space<hbm>> -> memref<1x1x128xi32, #tpu.memory_space<hbm>>
        %dma_start3A_89 = tpu.memref_squeeze %dma_start3A_88 : memref<1x1x128xi32, #tpu.memory_space<hbm>> -> memref<128xi32, #tpu.memory_space<hbm>>
        tpu.enqueue_dma source(%dma_start3A_89 : memref<128xi32, #tpu.memory_space<hbm>>) target(%arg7 : memref<128xi32, #tpu.memory_space<vmem>>) target_semaphore(%arg14 : memref<!tpu.dma_semaphore, #tpu.memory_space<semaphore_mem>>)
        %add3A_90 = arith.constant 2 : i32
        %add3A_91 = arith.addi %add3A_51, %add3A_90 : i32
        %dma_start3A_92 = arith.constant 0 : i32
        %dma_start3A_93 = arith.constant 0 : i32
        %dma_start3A_94 = tpu.memref_slice %arg9[%dma_start3A_92, %dma_start3A_93] : memref<1x128xi32, #tpu.memory_space<vmem>> -> memref<1x128xi32, #tpu.memory_space<vmem>>
        %dma_start3A_95 = tpu.memref_squeeze %dma_start3A_94 : memref<1x128xi32, #tpu.memory_space<vmem>> -> memref<128xi32, #tpu.memory_space<vmem>>
        %dma_start3A_96 = arith.constant 0 : i32
        %dma_start3A_97 = tpu.memref_slice %arg4[%add3A, %add3A_91, %dma_start3A_96] : memref<32x124x128xi32, #tpu.memory_space<hbm>> -> memref<1x1x128xi32, #tpu.memory_space<hbm>>
        %dma_start3A_98 = tpu.memref_squeeze %dma_start3A_97 : memref<1x1x128xi32, #tpu.memory_space<hbm>> -> memref<128xi32, #tpu.memory_space<hbm>>
        %dma_start3A_99 = arith.constant 0 : i32
        %dma_start3A_100 = tpu.memref_slice %arg9[%dma_start3A_92, %dma_start3A_99] : memref<1x128xi32, #tpu.memory_space<vmem>> -> memref<1x128xi32, #tpu.memory_space<vmem>>
        %dma_start3A_101 = tpu.memref_squeeze %dma_start3A_100 : memref<1x128xi32, #tpu.memory_space<vmem>> -> memref<128xi32, #tpu.memory_space<vmem>>
        %dma_start3A_102 = arith.constant 0 : i32
        %dma_start3A_103 = tpu.memref_slice %arg4[%add3A, %add3A_91, %dma_start3A_102] : memref<32x124x128xi32, #tpu.memory_space<hbm>> -> memref<1x1x128xi32, #tpu.memory_space<hbm>>
        %dma_start3A_104 = tpu.memref_squeeze %dma_start3A_103 : memref<1x1x128xi32, #tpu.memory_space<hbm>> -> memref<128xi32, #tpu.memory_space<hbm>>
        tpu.enqueue_dma source(%dma_start3A_104 : memref<128xi32, #tpu.memory_space<hbm>>) target(%dma_start3A_101 : memref<128xi32, #tpu.memory_space<vmem>>) target_semaphore(%arg14 : memref<!tpu.dma_semaphore, #tpu.memory_space<semaphore_mem>>)
      } else {
      }
      %add3A_64 = arith.constant 1 : i32
      %add3A_65 = arith.addi %add3A_49, %add3A_64 : i32
      %add3A_66 = arith.constant 1 : i32
      %add3A_67 = arith.addi %add3A_65, %add3A_66 : i32
      %lt3A_68 = arith.cmpi slt, %add3A_67, %select_n3A : i32
      %convert_element_type3A_69 = arith.extui %lt3A_68 : i1 to i32
      %cond3A_70 = arith.constant 0 : i32
      %cond3A_71 = arith.cmpi ne, %convert_element_type3A_69, %cond3A_70 : i32
      scf.if %cond3A_71 {
        %add3A_82 = arith.constant 1 : i32
        %add3A_83 = arith.addi %add3A_65, %add3A_82 : i32
        %dma_wait3A_84 = arith.constant 0 : i32
        %dma_wait3A_85 = tpu.memref_slice %arg3[%add3A, %add3A_83, %dma_wait3A_84] : memref<32x124x128xi32, #tpu.memory_space<hbm>> -> memref<1x1x128xi32, #tpu.memory_space<hbm>>
        %dma_wait3A_86 = tpu.memref_squeeze %dma_wait3A_85 : memref<1x1x128xi32, #tpu.memory_space<hbm>> -> memref<128xi32, #tpu.memory_space<hbm>>
        %dma_wait3A_87 = arith.constant 0 : i32
        %dma_wait3A_88 = tpu.memref_slice %arg3[%add3A, %add3A_83, %dma_wait3A_87] : memref<32x124x128xi32, #tpu.memory_space<hbm>> -> memref<1x1x128xi32, #tpu.memory_space<hbm>>
        %dma_wait3A_89 = tpu.memref_squeeze %dma_wait3A_88 : memref<1x1x128xi32, #tpu.memory_space<hbm>> -> memref<128xi32, #tpu.memory_space<hbm>>
        tpu.wait_dma2 semaphore(%arg14 : memref<!tpu.dma_semaphore, #tpu.memory_space<semaphore_mem>>) src(%dma_wait3A_89 : memref<128xi32, #tpu.memory_space<hbm>>) dst(%arg7 : memref<128xi32, #tpu.memory_space<vmem>>)
        %add3A_90 = arith.constant 1 : i32
        %add3A_91 = arith.addi %add3A_65, %add3A_90 : i32
        %dma_wait3A_92 = arith.constant 0 : i32
        %dma_wait3A_93 = arith.constant 0 : i32
        %dma_wait3A_94 = tpu.memref_slice %arg9[%dma_wait3A_92, %dma_wait3A_93] : memref<1x128xi32, #tpu.memory_space<vmem>> -> memref<1x128xi32, #tpu.memory_space<vmem>>
        %dma_wait3A_95 = tpu.memref_squeeze %dma_wait3A_94 : memref<1x128xi32, #tpu.memory_space<vmem>> -> memref<128xi32, #tpu.memory_space<vmem>>
        %dma_wait3A_96 = arith.constant 0 : i32
        %dma_wait3A_97 = tpu.memref_slice %arg4[%add3A, %add3A_91, %dma_wait3A_96] : memref<32x124x128xi32, #tpu.memory_space<hbm>> -> memref<1x1x128xi32, #tpu.memory_space<hbm>>
        %dma_wait3A_98 = tpu.memref_squeeze %dma_wait3A_97 : memref<1x1x128xi32, #tpu.memory_space<hbm>> -> memref<128xi32, #tpu.memory_space<hbm>>
        %dma_wait3A_99 = arith.constant 0 : i32
        %dma_wait3A_100 = tpu.memref_slice %arg9[%dma_wait3A_92, %dma_wait3A_99] : memref<1x128xi32, #tpu.memory_space<vmem>> -> memref<1x128xi32, #tpu.memory_space<vmem>>
        %dma_wait3A_101 = tpu.memref_squeeze %dma_wait3A_100 : memref<1x128xi32, #tpu.memory_space<vmem>> -> memref<128xi32, #tpu.memory_space<vmem>>
        %dma_wait3A_102 = arith.constant 0 : i32
        %dma_wait3A_103 = tpu.memref_slice %arg4[%add3A, %add3A_91, %dma_wait3A_102] : memref<32x124x128xi32, #tpu.memory_space<hbm>> -> memref<1x1x128xi32, #tpu.memory_space<hbm>>
        %dma_wait3A_104 = tpu.memref_squeeze %dma_wait3A_103 : memref<1x1x128xi32, #tpu.memory_space<hbm>> -> memref<128xi32, #tpu.memory_space<hbm>>
        tpu.wait_dma2 semaphore(%arg14 : memref<!tpu.dma_semaphore, #tpu.memory_space<semaphore_mem>>) src(%dma_wait3A_104 : memref<128xi32, #tpu.memory_space<hbm>>) dst(%dma_wait3A_101 : memref<128xi32, #tpu.memory_space<vmem>>)
        %dma_start3A_105 = arith.constant 0 : i32
        %dma_start3A_106 = arith.constant 0 : i32
        %dma_start3A_107 = tpu.memref_slice %arg2[%dma_start3A_105, %dma_start3A_106] : memref<10000x64xf32, #tpu.memory_space<hbm>> -> memref<10000x64xf32, #tpu.memory_space<hbm>>
        tpu.enqueue_indirect_dma source(%dma_start3A_107 : memref<10000x64xf32, #tpu.memory_space<hbm>>) target(%arg11 : memref<128x64xf32, #tpu.memory_space<vmem>>) offsets(%arg7 : memref<128xi32, #tpu.memory_space<vmem>>) semaphore(%arg16 : memref<!tpu.dma_semaphore, #tpu.memory_space<semaphore_mem>>)
      } else {
      }
      %dma_wait3A_72 = arith.constant 0 : i32
      %dma_wait3A_73 = arith.constant 0 : i32
      %dma_wait3A_74 = tpu.memref_slice %arg2[%dma_wait3A_72, %dma_wait3A_73] : memref<10000x64xf32, #tpu.memory_space<hbm>> -> memref<10000x64xf32, #tpu.memory_space<hbm>>
      tpu.wait_indirect_dma semaphore(%arg17 : memref<!tpu.dma_semaphore, #tpu.memory_space<semaphore_mem>>) src(%dma_wait3A_74 : memref<10000x64xf32, #tpu.memory_space<hbm>>) dst(%arg12 : memref<128x64xf32, #tpu.memory_space<vmem>>)
      %run_scoped3A_75 = arith.constant 0 : i32
      "tpu.region"() ({
        %run_scoped3A_82 = tpu.sem_alloc : memref<!tpu.dma_semaphore, #tpu.memory_space<semaphore_mem>>
        %dma_start3A_83 = arith.constant 0 : i32
        %dma_start3A_84 = tpu.memref_slice %arg10[%run_scoped3A_75, %dma_start3A_83] : memref<1x128xi32, #tpu.memory_space<vmem>> -> memref<1x128xi32, #tpu.memory_space<vmem>>
        %dma_start3A_85 = tpu.memref_squeeze %dma_start3A_84 : memref<1x128xi32, #tpu.memory_space<vmem>> -> memref<128xi32, #tpu.memory_space<vmem>>
        %dma_start3A_86 = arith.constant 0 : i32
        %dma_start3A_87 = arith.constant 0 : i32
        %dma_start3A_88 = tpu.memref_slice %arg13[%dma_start3A_86, %dma_start3A_87] : memref<10112x64xf32, #tpu.memory_space<vmem_shared>> -> memref<10112x64xf32, #tpu.memory_space<vmem_shared>>
        tpu.enqueue_indirect_dma source(%arg12 : memref<128x64xf32, #tpu.memory_space<vmem>>) target(%dma_start3A_88 : memref<10112x64xf32, #tpu.memory_space<vmem_shared>>) offsets(%dma_start3A_85 : memref<128xi32, #tpu.memory_space<vmem>>) semaphore(%run_scoped3A_82 : memref<!tpu.dma_semaphore, #tpu.memory_space<semaphore_mem>>) {add = true}
        %dma_wait3A_89 = arith.constant 0 : i32
        %dma_wait3A_90 = tpu.memref_slice %arg10[%run_scoped3A_75, %dma_wait3A_89] : memref<1x128xi32, #tpu.memory_space<vmem>> -> memref<1x128xi32, #tpu.memory_space<vmem>>
        %dma_wait3A_91 = tpu.memref_squeeze %dma_wait3A_90 : memref<1x128xi32, #tpu.memory_space<vmem>> -> memref<128xi32, #tpu.memory_space<vmem>>
        %dma_wait3A_92 = arith.constant 0 : i32
        %dma_wait3A_93 = arith.constant 0 : i32
        %dma_wait3A_94 = tpu.memref_slice %arg13[%dma_wait3A_92, %dma_wait3A_93] : memref<10112x64xf32, #tpu.memory_space<vmem_shared>> -> memref<10112x64xf32, #tpu.memory_space<vmem_shared>>
        tpu.wait_indirect_dma semaphore(%run_scoped3A_82 : memref<!tpu.dma_semaphore, #tpu.memory_space<semaphore_mem>>) src(%arg12 : memref<128x64xf32, #tpu.memory_space<vmem>>) dst(%dma_wait3A_94 : memref<10112x64xf32, #tpu.memory_space<vmem_shared>>)
        tpu.yield
      }) : () -> ()
      %add3A_76 = arith.constant 2 : i32
      %add3A_77 = arith.addi %add3A_65, %add3A_76 : i32
      %lt3A_78 = arith.cmpi slt, %add3A_77, %select_n3A : i32
      %convert_element_type3A_79 = arith.extui %lt3A_78 : i1 to i32
      %cond3A_80 = arith.constant 0 : i32
      %cond3A_81 = arith.cmpi ne, %convert_element_type3A_79, %cond3A_80 : i32
      scf.if %cond3A_81 {
        %add3A_82 = arith.constant 2 : i32
        %add3A_83 = arith.addi %add3A_65, %add3A_82 : i32
        %dma_start3A_84 = arith.constant 0 : i32
        %dma_start3A_85 = tpu.memref_slice %arg3[%add3A, %add3A_83, %dma_start3A_84] : memref<32x124x128xi32, #tpu.memory_space<hbm>> -> memref<1x1x128xi32, #tpu.memory_space<hbm>>
        %dma_start3A_86 = tpu.memref_squeeze %dma_start3A_85 : memref<1x1x128xi32, #tpu.memory_space<hbm>> -> memref<128xi32, #tpu.memory_space<hbm>>
        %dma_start3A_87 = arith.constant 0 : i32
        %dma_start3A_88 = tpu.memref_slice %arg3[%add3A, %add3A_83, %dma_start3A_87] : memref<32x124x128xi32, #tpu.memory_space<hbm>> -> memref<1x1x128xi32, #tpu.memory_space<hbm>>
        %dma_start3A_89 = tpu.memref_squeeze %dma_start3A_88 : memref<1x1x128xi32, #tpu.memory_space<hbm>> -> memref<128xi32, #tpu.memory_space<hbm>>
        tpu.enqueue_dma source(%dma_start3A_89 : memref<128xi32, #tpu.memory_space<hbm>>) target(%arg8 : memref<128xi32, #tpu.memory_space<vmem>>) target_semaphore(%arg15 : memref<!tpu.dma_semaphore, #tpu.memory_space<semaphore_mem>>)
        %add3A_90 = arith.constant 2 : i32
        %add3A_91 = arith.addi %add3A_65, %add3A_90 : i32
        %dma_start3A_92 = arith.constant 0 : i32
        %dma_start3A_93 = arith.constant 0 : i32
        %dma_start3A_94 = tpu.memref_slice %arg10[%dma_start3A_92, %dma_start3A_93] : memref<1x128xi32, #tpu.memory_space<vmem>> -> memref<1x128xi32, #tpu.memory_space<vmem>>
        %dma_start3A_95 = tpu.memref_squeeze %dma_start3A_94 : memref<1x128xi32, #tpu.memory_space<vmem>> -> memref<128xi32, #tpu.memory_space<vmem>>
        %dma_start3A_96 = arith.constant 0 : i32
        %dma_start3A_97 = tpu.memref_slice %arg4[%add3A, %add3A_91, %dma_start3A_96] : memref<32x124x128xi32, #tpu.memory_space<hbm>> -> memref<1x1x128xi32, #tpu.memory_space<hbm>>
        %dma_start3A_98 = tpu.memref_squeeze %dma_start3A_97 : memref<1x1x128xi32, #tpu.memory_space<hbm>> -> memref<128xi32, #tpu.memory_space<hbm>>
        %dma_start3A_99 = arith.constant 0 : i32
        %dma_start3A_100 = tpu.memref_slice %arg10[%dma_start3A_92, %dma_start3A_99] : memref<1x128xi32, #tpu.memory_space<vmem>> -> memref<1x128xi32, #tpu.memory_space<vmem>>
        %dma_start3A_101 = tpu.memref_squeeze %dma_start3A_100 : memref<1x128xi32, #tpu.memory_space<vmem>> -> memref<128xi32, #tpu.memory_space<vmem>>
        %dma_start3A_102 = arith.constant 0 : i32
        %dma_start3A_103 = tpu.memref_slice %arg4[%add3A, %add3A_91, %dma_start3A_102] : memref<32x124x128xi32, #tpu.memory_space<hbm>> -> memref<1x1x128xi32, #tpu.memory_space<hbm>>
        %dma_start3A_104 = tpu.memref_squeeze %dma_start3A_103 : memref<1x1x128xi32, #tpu.memory_space<hbm>> -> memref<128xi32, #tpu.memory_space<hbm>>
        tpu.enqueue_dma source(%dma_start3A_104 : memref<128xi32, #tpu.memory_space<hbm>>) target(%dma_start3A_101 : memref<128xi32, #tpu.memory_space<vmem>>) target_semaphore(%arg15 : memref<!tpu.dma_semaphore, #tpu.memory_space<semaphore_mem>>)
      } else {
      }
    }
    %barrier3A_46 = arith.constant 0 : index
    tpu.barrier barrier_id(%barrier3A_46)
    "tpu.region"() ({
      %run_scoped3A_47 = tpu.sem_alloc : memref<!tpu.dma_semaphore, #tpu.memory_space<semaphore_mem>>
      %dma_start3A_48 = arith.constant 0 : i32
      %dma_start3A_49 = tpu.memref_slice %arg6[%arg0, %mul3A_4, %dma_start3A_48] : memref<2x10112x64xf32, #tpu.memory_space<hbm>> -> memref<1x632x64xf32, #tpu.memory_space<hbm>>
      %dma_start3A_50 = tpu.memref_squeeze %dma_start3A_49 : memref<1x632x64xf32, #tpu.memory_space<hbm>> -> memref<632x64xf32, #tpu.memory_space<hbm>>
      %dma_start3A_51 = arith.constant 0 : i32
      %dma_start3A_52 = tpu.memref_slice %arg13[%mul3A_4, %dma_start3A_51] : memref<10112x64xf32, #tpu.memory_space<vmem_shared>> -> memref<632x64xf32, #tpu.memory_space<vmem_shared>>
      tpu.enqueue_dma source(%dma_start3A_52 : memref<632x64xf32, #tpu.memory_space<vmem_shared>>) target(%dma_start3A_50 : memref<632x64xf32, #tpu.memory_space<hbm>>) target_semaphore(%run_scoped3A_47 : memref<!tpu.dma_semaphore, #tpu.memory_space<semaphore_mem>>)
      %dma_wait3A = arith.constant 0 : i32
      %dma_wait3A_53 = tpu.memref_slice %arg6[%arg0, %mul3A_4, %dma_wait3A] : memref<2x10112x64xf32, #tpu.memory_space<hbm>> -> memref<1x632x64xf32, #tpu.memory_space<hbm>>
      %dma_wait3A_54 = tpu.memref_squeeze %dma_wait3A_53 : memref<1x632x64xf32, #tpu.memory_space<hbm>> -> memref<632x64xf32, #tpu.memory_space<hbm>>
      %dma_wait3A_55 = arith.constant 0 : i32
      %dma_wait3A_56 = tpu.memref_slice %arg13[%mul3A_4, %dma_wait3A_55] : memref<10112x64xf32, #tpu.memory_space<vmem_shared>> -> memref<632x64xf32, #tpu.memory_space<vmem_shared>>
      tpu.wait_dma2 semaphore(%run_scoped3A_47 : memref<!tpu.dma_semaphore, #tpu.memory_space<semaphore_mem>>) src(%dma_wait3A_56 : memref<632x64xf32, #tpu.memory_space<vmem_shared>>) dst(%dma_wait3A_54 : memref<632x64xf32, #tpu.memory_space<hbm>>)
      tpu.yield
    }) : () -> ()
    return
  }
}

#map = affine_map<(d0, d1) -> (0, 0)>
#map1 = affine_map<(d0, d1) -> (0, 0, 0)>
module attributes {stable_mosaic.version = 14 : i64} {
  func.func @_scat_body(%arg0: i32, %arg1: i32, %arg2: memref<10000x128xf32, #tpu.memory_space<hbm>>, %arg3: memref<32x124x128xi32, #tpu.memory_space<hbm>>, %arg4: memref<32x124x128xi32, #tpu.memory_space<hbm>>, %arg5: memref<10112x128xf32, #tpu.memory_space<hbm>>, %arg6: memref<2x10112x128xf32, #tpu.memory_space<hbm>>, %arg7: memref<128xi32, #tpu.memory_space<vmem>>, %arg8: memref<128xi32, #tpu.memory_space<vmem>>, %arg9: memref<1x128xi32, #tpu.memory_space<vmem>>, %arg10: memref<1x128xi32, #tpu.memory_space<vmem>>, %arg11: memref<128x128xf32, #tpu.memory_space<vmem>>, %arg12: memref<128x128xf32, #tpu.memory_space<vmem>>, %arg13: memref<10112x128xf32, #tpu.memory_space<vmem_shared>>, %arg14: memref<!tpu.dma_semaphore, #tpu.memory_space<semaphore_mem>>, %arg15: memref<!tpu.dma_semaphore, #tpu.memory_space<semaphore_mem>>, %arg16: memref<!tpu.dma_semaphore, #tpu.memory_space<semaphore_mem>>, %arg17: memref<!tpu.dma_semaphore, #tpu.memory_space<semaphore_mem>>) attributes {dimension_semantics = [#tpu.dimension_semantics<core_parallel>, #tpu.dimension_semantics<subcore_parallel>], iteration_bounds = array<i64: 2, 16>, scalar_prefetch = 0 : i64, scratch_operands = 11 : i64, tpu.core_type = #tpu.core_type<sc_vector_subcore>, window_params = [{transform_indices = #map}, {transform_indices = #map1}, {transform_indices = #map1}, {transform_indices = #map}, {transform_indices = #map1}]} {
    %mul3A = arith.constant 16 : i32
    %mul3A_0 = arith.muli %arg0, %mul3A : i32
    %add3A = arith.addi %mul3A_0, %arg1 : i32
    %eq3A = arith.constant 0 : i32
    %eq3A_1 = arith.cmpi eq, %arg0, %eq3A : i32
    %jit3A = arith.constant 124 : i32
    %jit3A_2 = arith.constant 38 : i32
    %select_n3A = arith.select %eq3A_1, %jit3A, %jit3A_2 : i32
    %mul3A_3 = arith.constant 632 : i32
    %mul3A_4 = arith.muli %arg1, %mul3A_3 : i32
    "tpu.region"() ({
      %run_scoped3A_47 = tpu.sem_alloc : memref<!tpu.dma_semaphore, #tpu.memory_space<semaphore_mem>>
      %dma_start3A_48 = arith.constant 0 : i32
      %dma_start3A_49 = tpu.memref_slice %arg13[%mul3A_4, %dma_start3A_48] : memref<10112x128xf32, #tpu.memory_space<vmem_shared>> -> memref<632x128xf32, #tpu.memory_space<vmem_shared>>
      %dma_start3A_50 = arith.constant 0 : i32
      %dma_start3A_51 = tpu.memref_slice %arg5[%mul3A_4, %dma_start3A_50] : memref<10112x128xf32, #tpu.memory_space<hbm>> -> memref<632x128xf32, #tpu.memory_space<hbm>>
      tpu.enqueue_dma source(%dma_start3A_51 : memref<632x128xf32, #tpu.memory_space<hbm>>) target(%dma_start3A_49 : memref<632x128xf32, #tpu.memory_space<vmem_shared>>) target_semaphore(%run_scoped3A_47 : memref<!tpu.dma_semaphore, #tpu.memory_space<semaphore_mem>>)
      %dma_wait3A = arith.constant 0 : i32
      %dma_wait3A_52 = tpu.memref_slice %arg13[%mul3A_4, %dma_wait3A] : memref<10112x128xf32, #tpu.memory_space<vmem_shared>> -> memref<632x128xf32, #tpu.memory_space<vmem_shared>>
      %dma_wait3A_53 = arith.constant 0 : i32
      %dma_wait3A_54 = tpu.memref_slice %arg5[%mul3A_4, %dma_wait3A_53] : memref<10112x128xf32, #tpu.memory_space<hbm>> -> memref<632x128xf32, #tpu.memory_space<hbm>>
      tpu.wait_dma2 semaphore(%run_scoped3A_47 : memref<!tpu.dma_semaphore, #tpu.memory_space<semaphore_mem>>) src(%dma_wait3A_54 : memref<632x128xf32, #tpu.memory_space<hbm>>) dst(%dma_wait3A_52 : memref<632x128xf32, #tpu.memory_space<vmem_shared>>)
      tpu.yield
    }) : () -> ()
    %run_scoped3A = arith.constant 0 : i32
    "tpu.region"() ({
      %run_scoped3A_47 = tpu.sem_alloc : memref<!tpu.dma_semaphore, #tpu.memory_space<semaphore_mem>>
      %dma_start3A_48 = arith.constant 0 : i32
      %dma_start3A_49 = tpu.memref_slice %arg3[%add3A, %run_scoped3A, %dma_start3A_48] : memref<32x124x128xi32, #tpu.memory_space<hbm>> -> memref<1x1x128xi32, #tpu.memory_space<hbm>>
      %dma_start3A_50 = tpu.memref_squeeze %dma_start3A_49 : memref<1x1x128xi32, #tpu.memory_space<hbm>> -> memref<128xi32, #tpu.memory_space<hbm>>
      %dma_start3A_51 = arith.constant 0 : i32
      %dma_start3A_52 = tpu.memref_slice %arg3[%add3A, %run_scoped3A, %dma_start3A_51] : memref<32x124x128xi32, #tpu.memory_space<hbm>> -> memref<1x1x128xi32, #tpu.memory_space<hbm>>
      %dma_start3A_53 = tpu.memref_squeeze %dma_start3A_52 : memref<1x1x128xi32, #tpu.memory_space<hbm>> -> memref<128xi32, #tpu.memory_space<hbm>>
      tpu.enqueue_dma source(%dma_start3A_53 : memref<128xi32, #tpu.memory_space<hbm>>) target(%arg7 : memref<128xi32, #tpu.memory_space<vmem>>) target_semaphore(%run_scoped3A_47 : memref<!tpu.dma_semaphore, #tpu.memory_space<semaphore_mem>>)
      %dma_wait3A = arith.constant 0 : i32
      %dma_wait3A_54 = tpu.memref_slice %arg3[%add3A, %run_scoped3A, %dma_wait3A] : memref<32x124x128xi32, #tpu.memory_space<hbm>> -> memref<1x1x128xi32, #tpu.memory_space<hbm>>
      %dma_wait3A_55 = tpu.memref_squeeze %dma_wait3A_54 : memref<1x1x128xi32, #tpu.memory_space<hbm>> -> memref<128xi32, #tpu.memory_space<hbm>>
      %dma_wait3A_56 = arith.constant 0 : i32
      %dma_wait3A_57 = tpu.memref_slice %arg3[%add3A, %run_scoped3A, %dma_wait3A_56] : memref<32x124x128xi32, #tpu.memory_space<hbm>> -> memref<1x1x128xi32, #tpu.memory_space<hbm>>
      %dma_wait3A_58 = tpu.memref_squeeze %dma_wait3A_57 : memref<1x1x128xi32, #tpu.memory_space<hbm>> -> memref<128xi32, #tpu.memory_space<hbm>>
      tpu.wait_dma2 semaphore(%run_scoped3A_47 : memref<!tpu.dma_semaphore, #tpu.memory_space<semaphore_mem>>) src(%dma_wait3A_58 : memref<128xi32, #tpu.memory_space<hbm>>) dst(%arg7 : memref<128xi32, #tpu.memory_space<vmem>>)
      tpu.yield
    }) : () -> ()
    %run_scoped3A_5 = arith.constant 0 : i32
    %run_scoped3A_6 = arith.constant 0 : i32
    "tpu.region"() ({
      %run_scoped3A_47 = tpu.sem_alloc : memref<!tpu.dma_semaphore, #tpu.memory_space<semaphore_mem>>
      %dma_start3A_48 = arith.constant 0 : i32
      %dma_start3A_49 = tpu.memref_slice %arg9[%run_scoped3A_6, %dma_start3A_48] : memref<1x128xi32, #tpu.memory_space<vmem>> -> memref<1x128xi32, #tpu.memory_space<vmem>>
      %dma_start3A_50 = tpu.memref_squeeze %dma_start3A_49 : memref<1x128xi32, #tpu.memory_space<vmem>> -> memref<128xi32, #tpu.memory_space<vmem>>
      %dma_start3A_51 = arith.constant 0 : i32
      %dma_start3A_52 = tpu.memref_slice %arg4[%add3A, %run_scoped3A_5, %dma_start3A_51] : memref<32x124x128xi32, #tpu.memory_space<hbm>> -> memref<1x1x128xi32, #tpu.memory_space<hbm>>
      %dma_start3A_53 = tpu.memref_squeeze %dma_start3A_52 : memref<1x1x128xi32, #tpu.memory_space<hbm>> -> memref<128xi32, #tpu.memory_space<hbm>>
      %dma_start3A_54 = arith.constant 0 : i32
      %dma_start3A_55 = tpu.memref_slice %arg9[%run_scoped3A_6, %dma_start3A_54] : memref<1x128xi32, #tpu.memory_space<vmem>> -> memref<1x128xi32, #tpu.memory_space<vmem>>
      %dma_start3A_56 = tpu.memref_squeeze %dma_start3A_55 : memref<1x128xi32, #tpu.memory_space<vmem>> -> memref<128xi32, #tpu.memory_space<vmem>>
      %dma_start3A_57 = arith.constant 0 : i32
      %dma_start3A_58 = tpu.memref_slice %arg4[%add3A, %run_scoped3A_5, %dma_start3A_57] : memref<32x124x128xi32, #tpu.memory_space<hbm>> -> memref<1x1x128xi32, #tpu.memory_space<hbm>>
      %dma_start3A_59 = tpu.memref_squeeze %dma_start3A_58 : memref<1x1x128xi32, #tpu.memory_space<hbm>> -> memref<128xi32, #tpu.memory_space<hbm>>
      tpu.enqueue_dma source(%dma_start3A_59 : memref<128xi32, #tpu.memory_space<hbm>>) target(%dma_start3A_56 : memref<128xi32, #tpu.memory_space<vmem>>) target_semaphore(%run_scoped3A_47 : memref<!tpu.dma_semaphore, #tpu.memory_space<semaphore_mem>>)
      %dma_wait3A = arith.constant 0 : i32
      %dma_wait3A_60 = tpu.memref_slice %arg9[%run_scoped3A_6, %dma_wait3A] : memref<1x128xi32, #tpu.memory_space<vmem>> -> memref<1x128xi32, #tpu.memory_space<vmem>>
      %dma_wait3A_61 = tpu.memref_squeeze %dma_wait3A_60 : memref<1x128xi32, #tpu.memory_space<vmem>> -> memref<128xi32, #tpu.memory_space<vmem>>
      %dma_wait3A_62 = arith.constant 0 : i32
      %dma_wait3A_63 = tpu.memref_slice %arg4[%add3A, %run_scoped3A_5, %dma_wait3A_62] : memref<32x124x128xi32, #tpu.memory_space<hbm>> -> memref<1x1x128xi32, #tpu.memory_space<hbm>>
      %dma_wait3A_64 = tpu.memref_squeeze %dma_wait3A_63 : memref<1x1x128xi32, #tpu.memory_space<hbm>> -> memref<128xi32, #tpu.memory_space<hbm>>
      %dma_wait3A_65 = arith.constant 0 : i32
      %dma_wait3A_66 = tpu.memref_slice %arg9[%run_scoped3A_6, %dma_wait3A_65] : memref<1x128xi32, #tpu.memory_space<vmem>> -> memref<1x128xi32, #tpu.memory_space<vmem>>
      %dma_wait3A_67 = tpu.memref_squeeze %dma_wait3A_66 : memref<1x128xi32, #tpu.memory_space<vmem>> -> memref<128xi32, #tpu.memory_space<vmem>>
      %dma_wait3A_68 = arith.constant 0 : i32
      %dma_wait3A_69 = tpu.memref_slice %arg4[%add3A, %run_scoped3A_5, %dma_wait3A_68] : memref<32x124x128xi32, #tpu.memory_space<hbm>> -> memref<1x1x128xi32, #tpu.memory_space<hbm>>
      %dma_wait3A_70 = tpu.memref_squeeze %dma_wait3A_69 : memref<1x1x128xi32, #tpu.memory_space<hbm>> -> memref<128xi32, #tpu.memory_space<hbm>>
      tpu.wait_dma2 semaphore(%run_scoped3A_47 : memref<!tpu.dma_semaphore, #tpu.memory_space<semaphore_mem>>) src(%dma_wait3A_70 : memref<128xi32, #tpu.memory_space<hbm>>) dst(%dma_wait3A_67 : memref<128xi32, #tpu.memory_space<vmem>>)
      tpu.yield
    }) : () -> ()
    %dma_start3A = arith.constant 0 : i32
    %dma_start3A_7 = arith.constant 0 : i32
    %dma_start3A_8 = tpu.memref_slice %arg2[%dma_start3A, %dma_start3A_7] : memref<10000x128xf32, #tpu.memory_space<hbm>> -> memref<10000x128xf32, #tpu.memory_space<hbm>>
    tpu.enqueue_indirect_dma source(%dma_start3A_8 : memref<10000x128xf32, #tpu.memory_space<hbm>>) target(%arg11 : memref<128x128xf32, #tpu.memory_space<vmem>>) offsets(%arg7 : memref<128xi32, #tpu.memory_space<vmem>>) semaphore(%arg16 : memref<!tpu.dma_semaphore, #tpu.memory_space<semaphore_mem>>)
    %dma_start3A_9 = arith.constant 1 : i32
    %dma_start3A_10 = arith.constant 0 : i32
    %dma_start3A_11 = tpu.memref_slice %arg3[%add3A, %dma_start3A_9, %dma_start3A_10] : memref<32x124x128xi32, #tpu.memory_space<hbm>> -> memref<1x1x128xi32, #tpu.memory_space<hbm>>
    %dma_start3A_12 = tpu.memref_squeeze %dma_start3A_11 : memref<1x1x128xi32, #tpu.memory_space<hbm>> -> memref<128xi32, #tpu.memory_space<hbm>>
    %dma_start3A_13 = arith.constant 0 : i32
    %dma_start3A_14 = tpu.memref_slice %arg3[%add3A, %dma_start3A_9, %dma_start3A_13] : memref<32x124x128xi32, #tpu.memory_space<hbm>> -> memref<1x1x128xi32, #tpu.memory_space<hbm>>
    %dma_start3A_15 = tpu.memref_squeeze %dma_start3A_14 : memref<1x1x128xi32, #tpu.memory_space<hbm>> -> memref<128xi32, #tpu.memory_space<hbm>>
    tpu.enqueue_dma source(%dma_start3A_15 : memref<128xi32, #tpu.memory_space<hbm>>) target(%arg8 : memref<128xi32, #tpu.memory_space<vmem>>) target_semaphore(%arg15 : memref<!tpu.dma_semaphore, #tpu.memory_space<semaphore_mem>>)
    %dma_start3A_16 = arith.constant 1 : i32
    %dma_start3A_17 = arith.constant 0 : i32
    %dma_start3A_18 = arith.constant 0 : i32
    %dma_start3A_19 = tpu.memref_slice %arg10[%dma_start3A_17, %dma_start3A_18] : memref<1x128xi32, #tpu.memory_space<vmem>> -> memref<1x128xi32, #tpu.memory_space<vmem>>
    %dma_start3A_20 = tpu.memref_squeeze %dma_start3A_19 : memref<1x128xi32, #tpu.memory_space<vmem>> -> memref<128xi32, #tpu.memory_space<vmem>>
    %dma_start3A_21 = arith.constant 0 : i32
    %dma_start3A_22 = tpu.memref_slice %arg4[%add3A, %dma_start3A_16, %dma_start3A_21] : memref<32x124x128xi32, #tpu.memory_space<hbm>> -> memref<1x1x128xi32, #tpu.memory_space<hbm>>
    %dma_start3A_23 = tpu.memref_squeeze %dma_start3A_22 : memref<1x1x128xi32, #tpu.memory_space<hbm>> -> memref<128xi32, #tpu.memory_space<hbm>>
    %dma_start3A_24 = arith.constant 0 : i32
    %dma_start3A_25 = tpu.memref_slice %arg10[%dma_start3A_17, %dma_start3A_24] : memref<1x128xi32, #tpu.memory_space<vmem>> -> memref<1x128xi32, #tpu.memory_space<vmem>>
    %dma_start3A_26 = tpu.memref_squeeze %dma_start3A_25 : memref<1x128xi32, #tpu.memory_space<vmem>> -> memref<128xi32, #tpu.memory_space<vmem>>
    %dma_start3A_27 = arith.constant 0 : i32
    %dma_start3A_28 = tpu.memref_slice %arg4[%add3A, %dma_start3A_16, %dma_start3A_27] : memref<32x124x128xi32, #tpu.memory_space<hbm>> -> memref<1x1x128xi32, #tpu.memory_space<hbm>>
    %dma_start3A_29 = tpu.memref_squeeze %dma_start3A_28 : memref<1x1x128xi32, #tpu.memory_space<hbm>> -> memref<128xi32, #tpu.memory_space<hbm>>
    tpu.enqueue_dma source(%dma_start3A_29 : memref<128xi32, #tpu.memory_space<hbm>>) target(%dma_start3A_26 : memref<128xi32, #tpu.memory_space<vmem>>) target_semaphore(%arg15 : memref<!tpu.dma_semaphore, #tpu.memory_space<semaphore_mem>>)
    %barrier3A = arith.constant 0 : index
    tpu.barrier barrier_id(%barrier3A)
    %sub3A = arith.constant 0 : i32
    %sub3A_30 = arith.subi %select_n3A, %sub3A : i32
    %sub3A_31 = arith.constant 2 : i32
    %sub3A_32 = arith.constant 1 : i32
    %sub3A_33 = arith.subi %sub3A_31, %sub3A_32 : i32
    %add3A_34 = arith.addi %sub3A_30, %sub3A_33 : i32
    %div3A = arith.constant 2 : i32
    %div3A_35 = arith.divsi %add3A_34, %div3A : i32
    %while3A = arith.constant 2 : i32
    %while3A_36 = arith.constant 0 : i32
    %while3A_37 = arith.constant 0 : i32
    %while3A_38 = arith.subi %div3A_35, %while3A_37 : i32
    %while3A_39 = arith.addi %while3A_37, %while3A_38 : i32
    %while3A_40 = arith.constant 1 : i32
    %while3A_41 = arith.divsi %while3A_38, %while3A_40 : i32
    %while3A_42 = arith.muli %while3A_41, %while3A_40 : i32
    %while3A_43 = arith.addi %while3A_37, %while3A_42 : i32
    %while3A_44 = arith.constant 1 : i32
    scf.for %while3A_47 = %while3A_37 to %while3A_43 step %while3A_44  : i32 {
      %mul3A_48 = arith.muli %while3A_47, %while3A : i32
      %add3A_49 = arith.addi %while3A_36, %mul3A_48 : i32
      %add3A_50 = arith.constant 0 : i32
      %add3A_51 = arith.addi %add3A_49, %add3A_50 : i32
      %add3A_52 = arith.constant 1 : i32
      %add3A_53 = arith.addi %add3A_51, %add3A_52 : i32
      %lt3A = arith.cmpi slt, %add3A_53, %select_n3A : i32
      %convert_element_type3A = arith.extui %lt3A : i1 to i32
      %cond3A = arith.constant 0 : i32
      %cond3A_54 = arith.cmpi ne, %convert_element_type3A, %cond3A : i32
      scf.if %cond3A_54 {
        %add3A_82 = arith.constant 1 : i32
        %add3A_83 = arith.addi %add3A_51, %add3A_82 : i32
        %dma_wait3A_84 = arith.constant 0 : i32
        %dma_wait3A_85 = tpu.memref_slice %arg3[%add3A, %add3A_83, %dma_wait3A_84] : memref<32x124x128xi32, #tpu.memory_space<hbm>> -> memref<1x1x128xi32, #tpu.memory_space<hbm>>
        %dma_wait3A_86 = tpu.memref_squeeze %dma_wait3A_85 : memref<1x1x128xi32, #tpu.memory_space<hbm>> -> memref<128xi32, #tpu.memory_space<hbm>>
        %dma_wait3A_87 = arith.constant 0 : i32
        %dma_wait3A_88 = tpu.memref_slice %arg3[%add3A, %add3A_83, %dma_wait3A_87] : memref<32x124x128xi32, #tpu.memory_space<hbm>> -> memref<1x1x128xi32, #tpu.memory_space<hbm>>
        %dma_wait3A_89 = tpu.memref_squeeze %dma_wait3A_88 : memref<1x1x128xi32, #tpu.memory_space<hbm>> -> memref<128xi32, #tpu.memory_space<hbm>>
        tpu.wait_dma2 semaphore(%arg15 : memref<!tpu.dma_semaphore, #tpu.memory_space<semaphore_mem>>) src(%dma_wait3A_89 : memref<128xi32, #tpu.memory_space<hbm>>) dst(%arg8 : memref<128xi32, #tpu.memory_space<vmem>>)
        %add3A_90 = arith.constant 1 : i32
        %add3A_91 = arith.addi %add3A_51, %add3A_90 : i32
        %dma_wait3A_92 = arith.constant 0 : i32
        %dma_wait3A_93 = arith.constant 0 : i32
        %dma_wait3A_94 = tpu.memref_slice %arg10[%dma_wait3A_92, %dma_wait3A_93] : memref<1x128xi32, #tpu.memory_space<vmem>> -> memref<1x128xi32, #tpu.memory_space<vmem>>
        %dma_wait3A_95 = tpu.memref_squeeze %dma_wait3A_94 : memref<1x128xi32, #tpu.memory_space<vmem>> -> memref<128xi32, #tpu.memory_space<vmem>>
        %dma_wait3A_96 = arith.constant 0 : i32
        %dma_wait3A_97 = tpu.memref_slice %arg4[%add3A, %add3A_91, %dma_wait3A_96] : memref<32x124x128xi32, #tpu.memory_space<hbm>> -> memref<1x1x128xi32, #tpu.memory_space<hbm>>
        %dma_wait3A_98 = tpu.memref_squeeze %dma_wait3A_97 : memref<1x1x128xi32, #tpu.memory_space<hbm>> -> memref<128xi32, #tpu.memory_space<hbm>>
        %dma_wait3A_99 = arith.constant 0 : i32
        %dma_wait3A_100 = tpu.memref_slice %arg10[%dma_wait3A_92, %dma_wait3A_99] : memref<1x128xi32, #tpu.memory_space<vmem>> -> memref<1x128xi32, #tpu.memory_space<vmem>>
        %dma_wait3A_101 = tpu.memref_squeeze %dma_wait3A_100 : memref<1x128xi32, #tpu.memory_space<vmem>> -> memref<128xi32, #tpu.memory_space<vmem>>
        %dma_wait3A_102 = arith.constant 0 : i32
        %dma_wait3A_103 = tpu.memref_slice %arg4[%add3A, %add3A_91, %dma_wait3A_102] : memref<32x124x128xi32, #tpu.memory_space<hbm>> -> memref<1x1x128xi32, #tpu.memory_space<hbm>>
        %dma_wait3A_104 = tpu.memref_squeeze %dma_wait3A_103 : memref<1x1x128xi32, #tpu.memory_space<hbm>> -> memref<128xi32, #tpu.memory_space<hbm>>
        tpu.wait_dma2 semaphore(%arg15 : memref<!tpu.dma_semaphore, #tpu.memory_space<semaphore_mem>>) src(%dma_wait3A_104 : memref<128xi32, #tpu.memory_space<hbm>>) dst(%dma_wait3A_101 : memref<128xi32, #tpu.memory_space<vmem>>)
        %dma_start3A_105 = arith.constant 0 : i32
        %dma_start3A_106 = arith.constant 0 : i32
        %dma_start3A_107 = tpu.memref_slice %arg2[%dma_start3A_105, %dma_start3A_106] : memref<10000x128xf32, #tpu.memory_space<hbm>> -> memref<10000x128xf32, #tpu.memory_space<hbm>>
        tpu.enqueue_indirect_dma source(%dma_start3A_107 : memref<10000x128xf32, #tpu.memory_space<hbm>>) target(%arg12 : memref<128x128xf32, #tpu.memory_space<vmem>>) offsets(%arg8 : memref<128xi32, #tpu.memory_space<vmem>>) semaphore(%arg17 : memref<!tpu.dma_semaphore, #tpu.memory_space<semaphore_mem>>)
      } else {
      }
      %dma_wait3A = arith.constant 0 : i32
      %dma_wait3A_55 = arith.constant 0 : i32
      %dma_wait3A_56 = tpu.memref_slice %arg2[%dma_wait3A, %dma_wait3A_55] : memref<10000x128xf32, #tpu.memory_space<hbm>> -> memref<10000x128xf32, #tpu.memory_space<hbm>>
      tpu.wait_indirect_dma semaphore(%arg16 : memref<!tpu.dma_semaphore, #tpu.memory_space<semaphore_mem>>) src(%dma_wait3A_56 : memref<10000x128xf32, #tpu.memory_space<hbm>>) dst(%arg11 : memref<128x128xf32, #tpu.memory_space<vmem>>)
      %run_scoped3A_57 = arith.constant 0 : i32
      "tpu.region"() ({
        %run_scoped3A_82 = tpu.sem_alloc : memref<!tpu.dma_semaphore, #tpu.memory_space<semaphore_mem>>
        %dma_start3A_83 = arith.constant 0 : i32
        %dma_start3A_84 = tpu.memref_slice %arg9[%run_scoped3A_57, %dma_start3A_83] : memref<1x128xi32, #tpu.memory_space<vmem>> -> memref<1x128xi32, #tpu.memory_space<vmem>>
        %dma_start3A_85 = tpu.memref_squeeze %dma_start3A_84 : memref<1x128xi32, #tpu.memory_space<vmem>> -> memref<128xi32, #tpu.memory_space<vmem>>
        %dma_start3A_86 = arith.constant 0 : i32
        %dma_start3A_87 = arith.constant 0 : i32
        %dma_start3A_88 = tpu.memref_slice %arg13[%dma_start3A_86, %dma_start3A_87] : memref<10112x128xf32, #tpu.memory_space<vmem_shared>> -> memref<10112x128xf32, #tpu.memory_space<vmem_shared>>
        tpu.enqueue_indirect_dma source(%arg11 : memref<128x128xf32, #tpu.memory_space<vmem>>) target(%dma_start3A_88 : memref<10112x128xf32, #tpu.memory_space<vmem_shared>>) offsets(%dma_start3A_85 : memref<128xi32, #tpu.memory_space<vmem>>) semaphore(%run_scoped3A_82 : memref<!tpu.dma_semaphore, #tpu.memory_space<semaphore_mem>>) {add = true}
        %dma_wait3A_89 = arith.constant 0 : i32
        %dma_wait3A_90 = tpu.memref_slice %arg9[%run_scoped3A_57, %dma_wait3A_89] : memref<1x128xi32, #tpu.memory_space<vmem>> -> memref<1x128xi32, #tpu.memory_space<vmem>>
        %dma_wait3A_91 = tpu.memref_squeeze %dma_wait3A_90 : memref<1x128xi32, #tpu.memory_space<vmem>> -> memref<128xi32, #tpu.memory_space<vmem>>
        %dma_wait3A_92 = arith.constant 0 : i32
        %dma_wait3A_93 = arith.constant 0 : i32
        %dma_wait3A_94 = tpu.memref_slice %arg13[%dma_wait3A_92, %dma_wait3A_93] : memref<10112x128xf32, #tpu.memory_space<vmem_shared>> -> memref<10112x128xf32, #tpu.memory_space<vmem_shared>>
        tpu.wait_indirect_dma semaphore(%run_scoped3A_82 : memref<!tpu.dma_semaphore, #tpu.memory_space<semaphore_mem>>) src(%arg11 : memref<128x128xf32, #tpu.memory_space<vmem>>) dst(%dma_wait3A_94 : memref<10112x128xf32, #tpu.memory_space<vmem_shared>>)
        tpu.yield
      }) : () -> ()
      %add3A_58 = arith.constant 2 : i32
      %add3A_59 = arith.addi %add3A_51, %add3A_58 : i32
      %lt3A_60 = arith.cmpi slt, %add3A_59, %select_n3A : i32
      %convert_element_type3A_61 = arith.extui %lt3A_60 : i1 to i32
      %cond3A_62 = arith.constant 0 : i32
      %cond3A_63 = arith.cmpi ne, %convert_element_type3A_61, %cond3A_62 : i32
      scf.if %cond3A_63 {
        %add3A_82 = arith.constant 2 : i32
        %add3A_83 = arith.addi %add3A_51, %add3A_82 : i32
        %dma_start3A_84 = arith.constant 0 : i32
        %dma_start3A_85 = tpu.memref_slice %arg3[%add3A, %add3A_83, %dma_start3A_84] : memref<32x124x128xi32, #tpu.memory_space<hbm>> -> memref<1x1x128xi32, #tpu.memory_space<hbm>>
        %dma_start3A_86 = tpu.memref_squeeze %dma_start3A_85 : memref<1x1x128xi32, #tpu.memory_space<hbm>> -> memref<128xi32, #tpu.memory_space<hbm>>
        %dma_start3A_87 = arith.constant 0 : i32
        %dma_start3A_88 = tpu.memref_slice %arg3[%add3A, %add3A_83, %dma_start3A_87] : memref<32x124x128xi32, #tpu.memory_space<hbm>> -> memref<1x1x128xi32, #tpu.memory_space<hbm>>
        %dma_start3A_89 = tpu.memref_squeeze %dma_start3A_88 : memref<1x1x128xi32, #tpu.memory_space<hbm>> -> memref<128xi32, #tpu.memory_space<hbm>>
        tpu.enqueue_dma source(%dma_start3A_89 : memref<128xi32, #tpu.memory_space<hbm>>) target(%arg7 : memref<128xi32, #tpu.memory_space<vmem>>) target_semaphore(%arg14 : memref<!tpu.dma_semaphore, #tpu.memory_space<semaphore_mem>>)
        %add3A_90 = arith.constant 2 : i32
        %add3A_91 = arith.addi %add3A_51, %add3A_90 : i32
        %dma_start3A_92 = arith.constant 0 : i32
        %dma_start3A_93 = arith.constant 0 : i32
        %dma_start3A_94 = tpu.memref_slice %arg9[%dma_start3A_92, %dma_start3A_93] : memref<1x128xi32, #tpu.memory_space<vmem>> -> memref<1x128xi32, #tpu.memory_space<vmem>>
        %dma_start3A_95 = tpu.memref_squeeze %dma_start3A_94 : memref<1x128xi32, #tpu.memory_space<vmem>> -> memref<128xi32, #tpu.memory_space<vmem>>
        %dma_start3A_96 = arith.constant 0 : i32
        %dma_start3A_97 = tpu.memref_slice %arg4[%add3A, %add3A_91, %dma_start3A_96] : memref<32x124x128xi32, #tpu.memory_space<hbm>> -> memref<1x1x128xi32, #tpu.memory_space<hbm>>
        %dma_start3A_98 = tpu.memref_squeeze %dma_start3A_97 : memref<1x1x128xi32, #tpu.memory_space<hbm>> -> memref<128xi32, #tpu.memory_space<hbm>>
        %dma_start3A_99 = arith.constant 0 : i32
        %dma_start3A_100 = tpu.memref_slice %arg9[%dma_start3A_92, %dma_start3A_99] : memref<1x128xi32, #tpu.memory_space<vmem>> -> memref<1x128xi32, #tpu.memory_space<vmem>>
        %dma_start3A_101 = tpu.memref_squeeze %dma_start3A_100 : memref<1x128xi32, #tpu.memory_space<vmem>> -> memref<128xi32, #tpu.memory_space<vmem>>
        %dma_start3A_102 = arith.constant 0 : i32
        %dma_start3A_103 = tpu.memref_slice %arg4[%add3A, %add3A_91, %dma_start3A_102] : memref<32x124x128xi32, #tpu.memory_space<hbm>> -> memref<1x1x128xi32, #tpu.memory_space<hbm>>
        %dma_start3A_104 = tpu.memref_squeeze %dma_start3A_103 : memref<1x1x128xi32, #tpu.memory_space<hbm>> -> memref<128xi32, #tpu.memory_space<hbm>>
        tpu.enqueue_dma source(%dma_start3A_104 : memref<128xi32, #tpu.memory_space<hbm>>) target(%dma_start3A_101 : memref<128xi32, #tpu.memory_space<vmem>>) target_semaphore(%arg14 : memref<!tpu.dma_semaphore, #tpu.memory_space<semaphore_mem>>)
      } else {
      }
      %add3A_64 = arith.constant 1 : i32
      %add3A_65 = arith.addi %add3A_49, %add3A_64 : i32
      %add3A_66 = arith.constant 1 : i32
      %add3A_67 = arith.addi %add3A_65, %add3A_66 : i32
      %lt3A_68 = arith.cmpi slt, %add3A_67, %select_n3A : i32
      %convert_element_type3A_69 = arith.extui %lt3A_68 : i1 to i32
      %cond3A_70 = arith.constant 0 : i32
      %cond3A_71 = arith.cmpi ne, %convert_element_type3A_69, %cond3A_70 : i32
      scf.if %cond3A_71 {
        %add3A_82 = arith.constant 1 : i32
        %add3A_83 = arith.addi %add3A_65, %add3A_82 : i32
        %dma_wait3A_84 = arith.constant 0 : i32
        %dma_wait3A_85 = tpu.memref_slice %arg3[%add3A, %add3A_83, %dma_wait3A_84] : memref<32x124x128xi32, #tpu.memory_space<hbm>> -> memref<1x1x128xi32, #tpu.memory_space<hbm>>
        %dma_wait3A_86 = tpu.memref_squeeze %dma_wait3A_85 : memref<1x1x128xi32, #tpu.memory_space<hbm>> -> memref<128xi32, #tpu.memory_space<hbm>>
        %dma_wait3A_87 = arith.constant 0 : i32
        %dma_wait3A_88 = tpu.memref_slice %arg3[%add3A, %add3A_83, %dma_wait3A_87] : memref<32x124x128xi32, #tpu.memory_space<hbm>> -> memref<1x1x128xi32, #tpu.memory_space<hbm>>
        %dma_wait3A_89 = tpu.memref_squeeze %dma_wait3A_88 : memref<1x1x128xi32, #tpu.memory_space<hbm>> -> memref<128xi32, #tpu.memory_space<hbm>>
        tpu.wait_dma2 semaphore(%arg14 : memref<!tpu.dma_semaphore, #tpu.memory_space<semaphore_mem>>) src(%dma_wait3A_89 : memref<128xi32, #tpu.memory_space<hbm>>) dst(%arg7 : memref<128xi32, #tpu.memory_space<vmem>>)
        %add3A_90 = arith.constant 1 : i32
        %add3A_91 = arith.addi %add3A_65, %add3A_90 : i32
        %dma_wait3A_92 = arith.constant 0 : i32
        %dma_wait3A_93 = arith.constant 0 : i32
        %dma_wait3A_94 = tpu.memref_slice %arg9[%dma_wait3A_92, %dma_wait3A_93] : memref<1x128xi32, #tpu.memory_space<vmem>> -> memref<1x128xi32, #tpu.memory_space<vmem>>
        %dma_wait3A_95 = tpu.memref_squeeze %dma_wait3A_94 : memref<1x128xi32, #tpu.memory_space<vmem>> -> memref<128xi32, #tpu.memory_space<vmem>>
        %dma_wait3A_96 = arith.constant 0 : i32
        %dma_wait3A_97 = tpu.memref_slice %arg4[%add3A, %add3A_91, %dma_wait3A_96] : memref<32x124x128xi32, #tpu.memory_space<hbm>> -> memref<1x1x128xi32, #tpu.memory_space<hbm>>
        %dma_wait3A_98 = tpu.memref_squeeze %dma_wait3A_97 : memref<1x1x128xi32, #tpu.memory_space<hbm>> -> memref<128xi32, #tpu.memory_space<hbm>>
        %dma_wait3A_99 = arith.constant 0 : i32
        %dma_wait3A_100 = tpu.memref_slice %arg9[%dma_wait3A_92, %dma_wait3A_99] : memref<1x128xi32, #tpu.memory_space<vmem>> -> memref<1x128xi32, #tpu.memory_space<vmem>>
        %dma_wait3A_101 = tpu.memref_squeeze %dma_wait3A_100 : memref<1x128xi32, #tpu.memory_space<vmem>> -> memref<128xi32, #tpu.memory_space<vmem>>
        %dma_wait3A_102 = arith.constant 0 : i32
        %dma_wait3A_103 = tpu.memref_slice %arg4[%add3A, %add3A_91, %dma_wait3A_102] : memref<32x124x128xi32, #tpu.memory_space<hbm>> -> memref<1x1x128xi32, #tpu.memory_space<hbm>>
        %dma_wait3A_104 = tpu.memref_squeeze %dma_wait3A_103 : memref<1x1x128xi32, #tpu.memory_space<hbm>> -> memref<128xi32, #tpu.memory_space<hbm>>
        tpu.wait_dma2 semaphore(%arg14 : memref<!tpu.dma_semaphore, #tpu.memory_space<semaphore_mem>>) src(%dma_wait3A_104 : memref<128xi32, #tpu.memory_space<hbm>>) dst(%dma_wait3A_101 : memref<128xi32, #tpu.memory_space<vmem>>)
        %dma_start3A_105 = arith.constant 0 : i32
        %dma_start3A_106 = arith.constant 0 : i32
        %dma_start3A_107 = tpu.memref_slice %arg2[%dma_start3A_105, %dma_start3A_106] : memref<10000x128xf32, #tpu.memory_space<hbm>> -> memref<10000x128xf32, #tpu.memory_space<hbm>>
        tpu.enqueue_indirect_dma source(%dma_start3A_107 : memref<10000x128xf32, #tpu.memory_space<hbm>>) target(%arg11 : memref<128x128xf32, #tpu.memory_space<vmem>>) offsets(%arg7 : memref<128xi32, #tpu.memory_space<vmem>>) semaphore(%arg16 : memref<!tpu.dma_semaphore, #tpu.memory_space<semaphore_mem>>)
      } else {
      }
      %dma_wait3A_72 = arith.constant 0 : i32
      %dma_wait3A_73 = arith.constant 0 : i32
      %dma_wait3A_74 = tpu.memref_slice %arg2[%dma_wait3A_72, %dma_wait3A_73] : memref<10000x128xf32, #tpu.memory_space<hbm>> -> memref<10000x128xf32, #tpu.memory_space<hbm>>
      tpu.wait_indirect_dma semaphore(%arg17 : memref<!tpu.dma_semaphore, #tpu.memory_space<semaphore_mem>>) src(%dma_wait3A_74 : memref<10000x128xf32, #tpu.memory_space<hbm>>) dst(%arg12 : memref<128x128xf32, #tpu.memory_space<vmem>>)
      %run_scoped3A_75 = arith.constant 0 : i32
      "tpu.region"() ({
        %run_scoped3A_82 = tpu.sem_alloc : memref<!tpu.dma_semaphore, #tpu.memory_space<semaphore_mem>>
        %dma_start3A_83 = arith.constant 0 : i32
        %dma_start3A_84 = tpu.memref_slice %arg10[%run_scoped3A_75, %dma_start3A_83] : memref<1x128xi32, #tpu.memory_space<vmem>> -> memref<1x128xi32, #tpu.memory_space<vmem>>
        %dma_start3A_85 = tpu.memref_squeeze %dma_start3A_84 : memref<1x128xi32, #tpu.memory_space<vmem>> -> memref<128xi32, #tpu.memory_space<vmem>>
        %dma_start3A_86 = arith.constant 0 : i32
        %dma_start3A_87 = arith.constant 0 : i32
        %dma_start3A_88 = tpu.memref_slice %arg13[%dma_start3A_86, %dma_start3A_87] : memref<10112x128xf32, #tpu.memory_space<vmem_shared>> -> memref<10112x128xf32, #tpu.memory_space<vmem_shared>>
        tpu.enqueue_indirect_dma source(%arg12 : memref<128x128xf32, #tpu.memory_space<vmem>>) target(%dma_start3A_88 : memref<10112x128xf32, #tpu.memory_space<vmem_shared>>) offsets(%dma_start3A_85 : memref<128xi32, #tpu.memory_space<vmem>>) semaphore(%run_scoped3A_82 : memref<!tpu.dma_semaphore, #tpu.memory_space<semaphore_mem>>) {add = true}
        %dma_wait3A_89 = arith.constant 0 : i32
        %dma_wait3A_90 = tpu.memref_slice %arg10[%run_scoped3A_75, %dma_wait3A_89] : memref<1x128xi32, #tpu.memory_space<vmem>> -> memref<1x128xi32, #tpu.memory_space<vmem>>
        %dma_wait3A_91 = tpu.memref_squeeze %dma_wait3A_90 : memref<1x128xi32, #tpu.memory_space<vmem>> -> memref<128xi32, #tpu.memory_space<vmem>>
        %dma_wait3A_92 = arith.constant 0 : i32
        %dma_wait3A_93 = arith.constant 0 : i32
        %dma_wait3A_94 = tpu.memref_slice %arg13[%dma_wait3A_92, %dma_wait3A_93] : memref<10112x128xf32, #tpu.memory_space<vmem_shared>> -> memref<10112x128xf32, #tpu.memory_space<vmem_shared>>
        tpu.wait_indirect_dma semaphore(%run_scoped3A_82 : memref<!tpu.dma_semaphore, #tpu.memory_space<semaphore_mem>>) src(%arg12 : memref<128x128xf32, #tpu.memory_space<vmem>>) dst(%dma_wait3A_94 : memref<10112x128xf32, #tpu.memory_space<vmem_shared>>)
        tpu.yield
      }) : () -> ()
      %add3A_76 = arith.constant 2 : i32
      %add3A_77 = arith.addi %add3A_65, %add3A_76 : i32
      %lt3A_78 = arith.cmpi slt, %add3A_77, %select_n3A : i32
      %convert_element_type3A_79 = arith.extui %lt3A_78 : i1 to i32
      %cond3A_80 = arith.constant 0 : i32
      %cond3A_81 = arith.cmpi ne, %convert_element_type3A_79, %cond3A_80 : i32
      scf.if %cond3A_81 {
        %add3A_82 = arith.constant 2 : i32
        %add3A_83 = arith.addi %add3A_65, %add3A_82 : i32
        %dma_start3A_84 = arith.constant 0 : i32
        %dma_start3A_85 = tpu.memref_slice %arg3[%add3A, %add3A_83, %dma_start3A_84] : memref<32x124x128xi32, #tpu.memory_space<hbm>> -> memref<1x1x128xi32, #tpu.memory_space<hbm>>
        %dma_start3A_86 = tpu.memref_squeeze %dma_start3A_85 : memref<1x1x128xi32, #tpu.memory_space<hbm>> -> memref<128xi32, #tpu.memory_space<hbm>>
        %dma_start3A_87 = arith.constant 0 : i32
        %dma_start3A_88 = tpu.memref_slice %arg3[%add3A, %add3A_83, %dma_start3A_87] : memref<32x124x128xi32, #tpu.memory_space<hbm>> -> memref<1x1x128xi32, #tpu.memory_space<hbm>>
        %dma_start3A_89 = tpu.memref_squeeze %dma_start3A_88 : memref<1x1x128xi32, #tpu.memory_space<hbm>> -> memref<128xi32, #tpu.memory_space<hbm>>
        tpu.enqueue_dma source(%dma_start3A_89 : memref<128xi32, #tpu.memory_space<hbm>>) target(%arg8 : memref<128xi32, #tpu.memory_space<vmem>>) target_semaphore(%arg15 : memref<!tpu.dma_semaphore, #tpu.memory_space<semaphore_mem>>)
        %add3A_90 = arith.constant 2 : i32
        %add3A_91 = arith.addi %add3A_65, %add3A_90 : i32
        %dma_start3A_92 = arith.constant 0 : i32
        %dma_start3A_93 = arith.constant 0 : i32
        %dma_start3A_94 = tpu.memref_slice %arg10[%dma_start3A_92, %dma_start3A_93] : memref<1x128xi32, #tpu.memory_space<vmem>> -> memref<1x128xi32, #tpu.memory_space<vmem>>
        %dma_start3A_95 = tpu.memref_squeeze %dma_start3A_94 : memref<1x128xi32, #tpu.memory_space<vmem>> -> memref<128xi32, #tpu.memory_space<vmem>>
        %dma_start3A_96 = arith.constant 0 : i32
        %dma_start3A_97 = tpu.memref_slice %arg4[%add3A, %add3A_91, %dma_start3A_96] : memref<32x124x128xi32, #tpu.memory_space<hbm>> -> memref<1x1x128xi32, #tpu.memory_space<hbm>>
        %dma_start3A_98 = tpu.memref_squeeze %dma_start3A_97 : memref<1x1x128xi32, #tpu.memory_space<hbm>> -> memref<128xi32, #tpu.memory_space<hbm>>
        %dma_start3A_99 = arith.constant 0 : i32
        %dma_start3A_100 = tpu.memref_slice %arg10[%dma_start3A_92, %dma_start3A_99] : memref<1x128xi32, #tpu.memory_space<vmem>> -> memref<1x128xi32, #tpu.memory_space<vmem>>
        %dma_start3A_101 = tpu.memref_squeeze %dma_start3A_100 : memref<1x128xi32, #tpu.memory_space<vmem>> -> memref<128xi32, #tpu.memory_space<vmem>>
        %dma_start3A_102 = arith.constant 0 : i32
        %dma_start3A_103 = tpu.memref_slice %arg4[%add3A, %add3A_91, %dma_start3A_102] : memref<32x124x128xi32, #tpu.memory_space<hbm>> -> memref<1x1x128xi32, #tpu.memory_space<hbm>>
        %dma_start3A_104 = tpu.memref_squeeze %dma_start3A_103 : memref<1x1x128xi32, #tpu.memory_space<hbm>> -> memref<128xi32, #tpu.memory_space<hbm>>
        tpu.enqueue_dma source(%dma_start3A_104 : memref<128xi32, #tpu.memory_space<hbm>>) target(%dma_start3A_101 : memref<128xi32, #tpu.memory_space<vmem>>) target_semaphore(%arg15 : memref<!tpu.dma_semaphore, #tpu.memory_space<semaphore_mem>>)
      } else {
      }
    }
    %while3A_45 = arith.constant 1 : i32
    scf.for %while3A_47 = %while3A_43 to %while3A_39 step %while3A_45  : i32 {
      %mul3A_48 = arith.muli %while3A_47, %while3A : i32
      %add3A_49 = arith.addi %while3A_36, %mul3A_48 : i32
      %add3A_50 = arith.constant 0 : i32
      %add3A_51 = arith.addi %add3A_49, %add3A_50 : i32
      %add3A_52 = arith.constant 1 : i32
      %add3A_53 = arith.addi %add3A_51, %add3A_52 : i32
      %lt3A = arith.cmpi slt, %add3A_53, %select_n3A : i32
      %convert_element_type3A = arith.extui %lt3A : i1 to i32
      %cond3A = arith.constant 0 : i32
      %cond3A_54 = arith.cmpi ne, %convert_element_type3A, %cond3A : i32
      scf.if %cond3A_54 {
        %add3A_82 = arith.constant 1 : i32
        %add3A_83 = arith.addi %add3A_51, %add3A_82 : i32
        %dma_wait3A_84 = arith.constant 0 : i32
        %dma_wait3A_85 = tpu.memref_slice %arg3[%add3A, %add3A_83, %dma_wait3A_84] : memref<32x124x128xi32, #tpu.memory_space<hbm>> -> memref<1x1x128xi32, #tpu.memory_space<hbm>>
        %dma_wait3A_86 = tpu.memref_squeeze %dma_wait3A_85 : memref<1x1x128xi32, #tpu.memory_space<hbm>> -> memref<128xi32, #tpu.memory_space<hbm>>
        %dma_wait3A_87 = arith.constant 0 : i32
        %dma_wait3A_88 = tpu.memref_slice %arg3[%add3A, %add3A_83, %dma_wait3A_87] : memref<32x124x128xi32, #tpu.memory_space<hbm>> -> memref<1x1x128xi32, #tpu.memory_space<hbm>>
        %dma_wait3A_89 = tpu.memref_squeeze %dma_wait3A_88 : memref<1x1x128xi32, #tpu.memory_space<hbm>> -> memref<128xi32, #tpu.memory_space<hbm>>
        tpu.wait_dma2 semaphore(%arg15 : memref<!tpu.dma_semaphore, #tpu.memory_space<semaphore_mem>>) src(%dma_wait3A_89 : memref<128xi32, #tpu.memory_space<hbm>>) dst(%arg8 : memref<128xi32, #tpu.memory_space<vmem>>)
        %add3A_90 = arith.constant 1 : i32
        %add3A_91 = arith.addi %add3A_51, %add3A_90 : i32
        %dma_wait3A_92 = arith.constant 0 : i32
        %dma_wait3A_93 = arith.constant 0 : i32
        %dma_wait3A_94 = tpu.memref_slice %arg10[%dma_wait3A_92, %dma_wait3A_93] : memref<1x128xi32, #tpu.memory_space<vmem>> -> memref<1x128xi32, #tpu.memory_space<vmem>>
        %dma_wait3A_95 = tpu.memref_squeeze %dma_wait3A_94 : memref<1x128xi32, #tpu.memory_space<vmem>> -> memref<128xi32, #tpu.memory_space<vmem>>
        %dma_wait3A_96 = arith.constant 0 : i32
        %dma_wait3A_97 = tpu.memref_slice %arg4[%add3A, %add3A_91, %dma_wait3A_96] : memref<32x124x128xi32, #tpu.memory_space<hbm>> -> memref<1x1x128xi32, #tpu.memory_space<hbm>>
        %dma_wait3A_98 = tpu.memref_squeeze %dma_wait3A_97 : memref<1x1x128xi32, #tpu.memory_space<hbm>> -> memref<128xi32, #tpu.memory_space<hbm>>
        %dma_wait3A_99 = arith.constant 0 : i32
        %dma_wait3A_100 = tpu.memref_slice %arg10[%dma_wait3A_92, %dma_wait3A_99] : memref<1x128xi32, #tpu.memory_space<vmem>> -> memref<1x128xi32, #tpu.memory_space<vmem>>
        %dma_wait3A_101 = tpu.memref_squeeze %dma_wait3A_100 : memref<1x128xi32, #tpu.memory_space<vmem>> -> memref<128xi32, #tpu.memory_space<vmem>>
        %dma_wait3A_102 = arith.constant 0 : i32
        %dma_wait3A_103 = tpu.memref_slice %arg4[%add3A, %add3A_91, %dma_wait3A_102] : memref<32x124x128xi32, #tpu.memory_space<hbm>> -> memref<1x1x128xi32, #tpu.memory_space<hbm>>
        %dma_wait3A_104 = tpu.memref_squeeze %dma_wait3A_103 : memref<1x1x128xi32, #tpu.memory_space<hbm>> -> memref<128xi32, #tpu.memory_space<hbm>>
        tpu.wait_dma2 semaphore(%arg15 : memref<!tpu.dma_semaphore, #tpu.memory_space<semaphore_mem>>) src(%dma_wait3A_104 : memref<128xi32, #tpu.memory_space<hbm>>) dst(%dma_wait3A_101 : memref<128xi32, #tpu.memory_space<vmem>>)
        %dma_start3A_105 = arith.constant 0 : i32
        %dma_start3A_106 = arith.constant 0 : i32
        %dma_start3A_107 = tpu.memref_slice %arg2[%dma_start3A_105, %dma_start3A_106] : memref<10000x128xf32, #tpu.memory_space<hbm>> -> memref<10000x128xf32, #tpu.memory_space<hbm>>
        tpu.enqueue_indirect_dma source(%dma_start3A_107 : memref<10000x128xf32, #tpu.memory_space<hbm>>) target(%arg12 : memref<128x128xf32, #tpu.memory_space<vmem>>) offsets(%arg8 : memref<128xi32, #tpu.memory_space<vmem>>) semaphore(%arg17 : memref<!tpu.dma_semaphore, #tpu.memory_space<semaphore_mem>>)
      } else {
      }
      %dma_wait3A = arith.constant 0 : i32
      %dma_wait3A_55 = arith.constant 0 : i32
      %dma_wait3A_56 = tpu.memref_slice %arg2[%dma_wait3A, %dma_wait3A_55] : memref<10000x128xf32, #tpu.memory_space<hbm>> -> memref<10000x128xf32, #tpu.memory_space<hbm>>
      tpu.wait_indirect_dma semaphore(%arg16 : memref<!tpu.dma_semaphore, #tpu.memory_space<semaphore_mem>>) src(%dma_wait3A_56 : memref<10000x128xf32, #tpu.memory_space<hbm>>) dst(%arg11 : memref<128x128xf32, #tpu.memory_space<vmem>>)
      %run_scoped3A_57 = arith.constant 0 : i32
      "tpu.region"() ({
        %run_scoped3A_82 = tpu.sem_alloc : memref<!tpu.dma_semaphore, #tpu.memory_space<semaphore_mem>>
        %dma_start3A_83 = arith.constant 0 : i32
        %dma_start3A_84 = tpu.memref_slice %arg9[%run_scoped3A_57, %dma_start3A_83] : memref<1x128xi32, #tpu.memory_space<vmem>> -> memref<1x128xi32, #tpu.memory_space<vmem>>
        %dma_start3A_85 = tpu.memref_squeeze %dma_start3A_84 : memref<1x128xi32, #tpu.memory_space<vmem>> -> memref<128xi32, #tpu.memory_space<vmem>>
        %dma_start3A_86 = arith.constant 0 : i32
        %dma_start3A_87 = arith.constant 0 : i32
        %dma_start3A_88 = tpu.memref_slice %arg13[%dma_start3A_86, %dma_start3A_87] : memref<10112x128xf32, #tpu.memory_space<vmem_shared>> -> memref<10112x128xf32, #tpu.memory_space<vmem_shared>>
        tpu.enqueue_indirect_dma source(%arg11 : memref<128x128xf32, #tpu.memory_space<vmem>>) target(%dma_start3A_88 : memref<10112x128xf32, #tpu.memory_space<vmem_shared>>) offsets(%dma_start3A_85 : memref<128xi32, #tpu.memory_space<vmem>>) semaphore(%run_scoped3A_82 : memref<!tpu.dma_semaphore, #tpu.memory_space<semaphore_mem>>) {add = true}
        %dma_wait3A_89 = arith.constant 0 : i32
        %dma_wait3A_90 = tpu.memref_slice %arg9[%run_scoped3A_57, %dma_wait3A_89] : memref<1x128xi32, #tpu.memory_space<vmem>> -> memref<1x128xi32, #tpu.memory_space<vmem>>
        %dma_wait3A_91 = tpu.memref_squeeze %dma_wait3A_90 : memref<1x128xi32, #tpu.memory_space<vmem>> -> memref<128xi32, #tpu.memory_space<vmem>>
        %dma_wait3A_92 = arith.constant 0 : i32
        %dma_wait3A_93 = arith.constant 0 : i32
        %dma_wait3A_94 = tpu.memref_slice %arg13[%dma_wait3A_92, %dma_wait3A_93] : memref<10112x128xf32, #tpu.memory_space<vmem_shared>> -> memref<10112x128xf32, #tpu.memory_space<vmem_shared>>
        tpu.wait_indirect_dma semaphore(%run_scoped3A_82 : memref<!tpu.dma_semaphore, #tpu.memory_space<semaphore_mem>>) src(%arg11 : memref<128x128xf32, #tpu.memory_space<vmem>>) dst(%dma_wait3A_94 : memref<10112x128xf32, #tpu.memory_space<vmem_shared>>)
        tpu.yield
      }) : () -> ()
      %add3A_58 = arith.constant 2 : i32
      %add3A_59 = arith.addi %add3A_51, %add3A_58 : i32
      %lt3A_60 = arith.cmpi slt, %add3A_59, %select_n3A : i32
      %convert_element_type3A_61 = arith.extui %lt3A_60 : i1 to i32
      %cond3A_62 = arith.constant 0 : i32
      %cond3A_63 = arith.cmpi ne, %convert_element_type3A_61, %cond3A_62 : i32
      scf.if %cond3A_63 {
        %add3A_82 = arith.constant 2 : i32
        %add3A_83 = arith.addi %add3A_51, %add3A_82 : i32
        %dma_start3A_84 = arith.constant 0 : i32
        %dma_start3A_85 = tpu.memref_slice %arg3[%add3A, %add3A_83, %dma_start3A_84] : memref<32x124x128xi32, #tpu.memory_space<hbm>> -> memref<1x1x128xi32, #tpu.memory_space<hbm>>
        %dma_start3A_86 = tpu.memref_squeeze %dma_start3A_85 : memref<1x1x128xi32, #tpu.memory_space<hbm>> -> memref<128xi32, #tpu.memory_space<hbm>>
        %dma_start3A_87 = arith.constant 0 : i32
        %dma_start3A_88 = tpu.memref_slice %arg3[%add3A, %add3A_83, %dma_start3A_87] : memref<32x124x128xi32, #tpu.memory_space<hbm>> -> memref<1x1x128xi32, #tpu.memory_space<hbm>>
        %dma_start3A_89 = tpu.memref_squeeze %dma_start3A_88 : memref<1x1x128xi32, #tpu.memory_space<hbm>> -> memref<128xi32, #tpu.memory_space<hbm>>
        tpu.enqueue_dma source(%dma_start3A_89 : memref<128xi32, #tpu.memory_space<hbm>>) target(%arg7 : memref<128xi32, #tpu.memory_space<vmem>>) target_semaphore(%arg14 : memref<!tpu.dma_semaphore, #tpu.memory_space<semaphore_mem>>)
        %add3A_90 = arith.constant 2 : i32
        %add3A_91 = arith.addi %add3A_51, %add3A_90 : i32
        %dma_start3A_92 = arith.constant 0 : i32
        %dma_start3A_93 = arith.constant 0 : i32
        %dma_start3A_94 = tpu.memref_slice %arg9[%dma_start3A_92, %dma_start3A_93] : memref<1x128xi32, #tpu.memory_space<vmem>> -> memref<1x128xi32, #tpu.memory_space<vmem>>
        %dma_start3A_95 = tpu.memref_squeeze %dma_start3A_94 : memref<1x128xi32, #tpu.memory_space<vmem>> -> memref<128xi32, #tpu.memory_space<vmem>>
        %dma_start3A_96 = arith.constant 0 : i32
        %dma_start3A_97 = tpu.memref_slice %arg4[%add3A, %add3A_91, %dma_start3A_96] : memref<32x124x128xi32, #tpu.memory_space<hbm>> -> memref<1x1x128xi32, #tpu.memory_space<hbm>>
        %dma_start3A_98 = tpu.memref_squeeze %dma_start3A_97 : memref<1x1x128xi32, #tpu.memory_space<hbm>> -> memref<128xi32, #tpu.memory_space<hbm>>
        %dma_start3A_99 = arith.constant 0 : i32
        %dma_start3A_100 = tpu.memref_slice %arg9[%dma_start3A_92, %dma_start3A_99] : memref<1x128xi32, #tpu.memory_space<vmem>> -> memref<1x128xi32, #tpu.memory_space<vmem>>
        %dma_start3A_101 = tpu.memref_squeeze %dma_start3A_100 : memref<1x128xi32, #tpu.memory_space<vmem>> -> memref<128xi32, #tpu.memory_space<vmem>>
        %dma_start3A_102 = arith.constant 0 : i32
        %dma_start3A_103 = tpu.memref_slice %arg4[%add3A, %add3A_91, %dma_start3A_102] : memref<32x124x128xi32, #tpu.memory_space<hbm>> -> memref<1x1x128xi32, #tpu.memory_space<hbm>>
        %dma_start3A_104 = tpu.memref_squeeze %dma_start3A_103 : memref<1x1x128xi32, #tpu.memory_space<hbm>> -> memref<128xi32, #tpu.memory_space<hbm>>
        tpu.enqueue_dma source(%dma_start3A_104 : memref<128xi32, #tpu.memory_space<hbm>>) target(%dma_start3A_101 : memref<128xi32, #tpu.memory_space<vmem>>) target_semaphore(%arg14 : memref<!tpu.dma_semaphore, #tpu.memory_space<semaphore_mem>>)
      } else {
      }
      %add3A_64 = arith.constant 1 : i32
      %add3A_65 = arith.addi %add3A_49, %add3A_64 : i32
      %add3A_66 = arith.constant 1 : i32
      %add3A_67 = arith.addi %add3A_65, %add3A_66 : i32
      %lt3A_68 = arith.cmpi slt, %add3A_67, %select_n3A : i32
      %convert_element_type3A_69 = arith.extui %lt3A_68 : i1 to i32
      %cond3A_70 = arith.constant 0 : i32
      %cond3A_71 = arith.cmpi ne, %convert_element_type3A_69, %cond3A_70 : i32
      scf.if %cond3A_71 {
        %add3A_82 = arith.constant 1 : i32
        %add3A_83 = arith.addi %add3A_65, %add3A_82 : i32
        %dma_wait3A_84 = arith.constant 0 : i32
        %dma_wait3A_85 = tpu.memref_slice %arg3[%add3A, %add3A_83, %dma_wait3A_84] : memref<32x124x128xi32, #tpu.memory_space<hbm>> -> memref<1x1x128xi32, #tpu.memory_space<hbm>>
        %dma_wait3A_86 = tpu.memref_squeeze %dma_wait3A_85 : memref<1x1x128xi32, #tpu.memory_space<hbm>> -> memref<128xi32, #tpu.memory_space<hbm>>
        %dma_wait3A_87 = arith.constant 0 : i32
        %dma_wait3A_88 = tpu.memref_slice %arg3[%add3A, %add3A_83, %dma_wait3A_87] : memref<32x124x128xi32, #tpu.memory_space<hbm>> -> memref<1x1x128xi32, #tpu.memory_space<hbm>>
        %dma_wait3A_89 = tpu.memref_squeeze %dma_wait3A_88 : memref<1x1x128xi32, #tpu.memory_space<hbm>> -> memref<128xi32, #tpu.memory_space<hbm>>
        tpu.wait_dma2 semaphore(%arg14 : memref<!tpu.dma_semaphore, #tpu.memory_space<semaphore_mem>>) src(%dma_wait3A_89 : memref<128xi32, #tpu.memory_space<hbm>>) dst(%arg7 : memref<128xi32, #tpu.memory_space<vmem>>)
        %add3A_90 = arith.constant 1 : i32
        %add3A_91 = arith.addi %add3A_65, %add3A_90 : i32
        %dma_wait3A_92 = arith.constant 0 : i32
        %dma_wait3A_93 = arith.constant 0 : i32
        %dma_wait3A_94 = tpu.memref_slice %arg9[%dma_wait3A_92, %dma_wait3A_93] : memref<1x128xi32, #tpu.memory_space<vmem>> -> memref<1x128xi32, #tpu.memory_space<vmem>>
        %dma_wait3A_95 = tpu.memref_squeeze %dma_wait3A_94 : memref<1x128xi32, #tpu.memory_space<vmem>> -> memref<128xi32, #tpu.memory_space<vmem>>
        %dma_wait3A_96 = arith.constant 0 : i32
        %dma_wait3A_97 = tpu.memref_slice %arg4[%add3A, %add3A_91, %dma_wait3A_96] : memref<32x124x128xi32, #tpu.memory_space<hbm>> -> memref<1x1x128xi32, #tpu.memory_space<hbm>>
        %dma_wait3A_98 = tpu.memref_squeeze %dma_wait3A_97 : memref<1x1x128xi32, #tpu.memory_space<hbm>> -> memref<128xi32, #tpu.memory_space<hbm>>
        %dma_wait3A_99 = arith.constant 0 : i32
        %dma_wait3A_100 = tpu.memref_slice %arg9[%dma_wait3A_92, %dma_wait3A_99] : memref<1x128xi32, #tpu.memory_space<vmem>> -> memref<1x128xi32, #tpu.memory_space<vmem>>
        %dma_wait3A_101 = tpu.memref_squeeze %dma_wait3A_100 : memref<1x128xi32, #tpu.memory_space<vmem>> -> memref<128xi32, #tpu.memory_space<vmem>>
        %dma_wait3A_102 = arith.constant 0 : i32
        %dma_wait3A_103 = tpu.memref_slice %arg4[%add3A, %add3A_91, %dma_wait3A_102] : memref<32x124x128xi32, #tpu.memory_space<hbm>> -> memref<1x1x128xi32, #tpu.memory_space<hbm>>
        %dma_wait3A_104 = tpu.memref_squeeze %dma_wait3A_103 : memref<1x1x128xi32, #tpu.memory_space<hbm>> -> memref<128xi32, #tpu.memory_space<hbm>>
        tpu.wait_dma2 semaphore(%arg14 : memref<!tpu.dma_semaphore, #tpu.memory_space<semaphore_mem>>) src(%dma_wait3A_104 : memref<128xi32, #tpu.memory_space<hbm>>) dst(%dma_wait3A_101 : memref<128xi32, #tpu.memory_space<vmem>>)
        %dma_start3A_105 = arith.constant 0 : i32
        %dma_start3A_106 = arith.constant 0 : i32
        %dma_start3A_107 = tpu.memref_slice %arg2[%dma_start3A_105, %dma_start3A_106] : memref<10000x128xf32, #tpu.memory_space<hbm>> -> memref<10000x128xf32, #tpu.memory_space<hbm>>
        tpu.enqueue_indirect_dma source(%dma_start3A_107 : memref<10000x128xf32, #tpu.memory_space<hbm>>) target(%arg11 : memref<128x128xf32, #tpu.memory_space<vmem>>) offsets(%arg7 : memref<128xi32, #tpu.memory_space<vmem>>) semaphore(%arg16 : memref<!tpu.dma_semaphore, #tpu.memory_space<semaphore_mem>>)
      } else {
      }
      %dma_wait3A_72 = arith.constant 0 : i32
      %dma_wait3A_73 = arith.constant 0 : i32
      %dma_wait3A_74 = tpu.memref_slice %arg2[%dma_wait3A_72, %dma_wait3A_73] : memref<10000x128xf32, #tpu.memory_space<hbm>> -> memref<10000x128xf32, #tpu.memory_space<hbm>>
      tpu.wait_indirect_dma semaphore(%arg17 : memref<!tpu.dma_semaphore, #tpu.memory_space<semaphore_mem>>) src(%dma_wait3A_74 : memref<10000x128xf32, #tpu.memory_space<hbm>>) dst(%arg12 : memref<128x128xf32, #tpu.memory_space<vmem>>)
      %run_scoped3A_75 = arith.constant 0 : i32
      "tpu.region"() ({
        %run_scoped3A_82 = tpu.sem_alloc : memref<!tpu.dma_semaphore, #tpu.memory_space<semaphore_mem>>
        %dma_start3A_83 = arith.constant 0 : i32
        %dma_start3A_84 = tpu.memref_slice %arg10[%run_scoped3A_75, %dma_start3A_83] : memref<1x128xi32, #tpu.memory_space<vmem>> -> memref<1x128xi32, #tpu.memory_space<vmem>>
        %dma_start3A_85 = tpu.memref_squeeze %dma_start3A_84 : memref<1x128xi32, #tpu.memory_space<vmem>> -> memref<128xi32, #tpu.memory_space<vmem>>
        %dma_start3A_86 = arith.constant 0 : i32
        %dma_start3A_87 = arith.constant 0 : i32
        %dma_start3A_88 = tpu.memref_slice %arg13[%dma_start3A_86, %dma_start3A_87] : memref<10112x128xf32, #tpu.memory_space<vmem_shared>> -> memref<10112x128xf32, #tpu.memory_space<vmem_shared>>
        tpu.enqueue_indirect_dma source(%arg12 : memref<128x128xf32, #tpu.memory_space<vmem>>) target(%dma_start3A_88 : memref<10112x128xf32, #tpu.memory_space<vmem_shared>>) offsets(%dma_start3A_85 : memref<128xi32, #tpu.memory_space<vmem>>) semaphore(%run_scoped3A_82 : memref<!tpu.dma_semaphore, #tpu.memory_space<semaphore_mem>>) {add = true}
        %dma_wait3A_89 = arith.constant 0 : i32
        %dma_wait3A_90 = tpu.memref_slice %arg10[%run_scoped3A_75, %dma_wait3A_89] : memref<1x128xi32, #tpu.memory_space<vmem>> -> memref<1x128xi32, #tpu.memory_space<vmem>>
        %dma_wait3A_91 = tpu.memref_squeeze %dma_wait3A_90 : memref<1x128xi32, #tpu.memory_space<vmem>> -> memref<128xi32, #tpu.memory_space<vmem>>
        %dma_wait3A_92 = arith.constant 0 : i32
        %dma_wait3A_93 = arith.constant 0 : i32
        %dma_wait3A_94 = tpu.memref_slice %arg13[%dma_wait3A_92, %dma_wait3A_93] : memref<10112x128xf32, #tpu.memory_space<vmem_shared>> -> memref<10112x128xf32, #tpu.memory_space<vmem_shared>>
        tpu.wait_indirect_dma semaphore(%run_scoped3A_82 : memref<!tpu.dma_semaphore, #tpu.memory_space<semaphore_mem>>) src(%arg12 : memref<128x128xf32, #tpu.memory_space<vmem>>) dst(%dma_wait3A_94 : memref<10112x128xf32, #tpu.memory_space<vmem_shared>>)
        tpu.yield
      }) : () -> ()
      %add3A_76 = arith.constant 2 : i32
      %add3A_77 = arith.addi %add3A_65, %add3A_76 : i32
      %lt3A_78 = arith.cmpi slt, %add3A_77, %select_n3A : i32
      %convert_element_type3A_79 = arith.extui %lt3A_78 : i1 to i32
      %cond3A_80 = arith.constant 0 : i32
      %cond3A_81 = arith.cmpi ne, %convert_element_type3A_79, %cond3A_80 : i32
      scf.if %cond3A_81 {
        %add3A_82 = arith.constant 2 : i32
        %add3A_83 = arith.addi %add3A_65, %add3A_82 : i32
        %dma_start3A_84 = arith.constant 0 : i32
        %dma_start3A_85 = tpu.memref_slice %arg3[%add3A, %add3A_83, %dma_start3A_84] : memref<32x124x128xi32, #tpu.memory_space<hbm>> -> memref<1x1x128xi32, #tpu.memory_space<hbm>>
        %dma_start3A_86 = tpu.memref_squeeze %dma_start3A_85 : memref<1x1x128xi32, #tpu.memory_space<hbm>> -> memref<128xi32, #tpu.memory_space<hbm>>
        %dma_start3A_87 = arith.constant 0 : i32
        %dma_start3A_88 = tpu.memref_slice %arg3[%add3A, %add3A_83, %dma_start3A_87] : memref<32x124x128xi32, #tpu.memory_space<hbm>> -> memref<1x1x128xi32, #tpu.memory_space<hbm>>
        %dma_start3A_89 = tpu.memref_squeeze %dma_start3A_88 : memref<1x1x128xi32, #tpu.memory_space<hbm>> -> memref<128xi32, #tpu.memory_space<hbm>>
        tpu.enqueue_dma source(%dma_start3A_89 : memref<128xi32, #tpu.memory_space<hbm>>) target(%arg8 : memref<128xi32, #tpu.memory_space<vmem>>) target_semaphore(%arg15 : memref<!tpu.dma_semaphore, #tpu.memory_space<semaphore_mem>>)
        %add3A_90 = arith.constant 2 : i32
        %add3A_91 = arith.addi %add3A_65, %add3A_90 : i32
        %dma_start3A_92 = arith.constant 0 : i32
        %dma_start3A_93 = arith.constant 0 : i32
        %dma_start3A_94 = tpu.memref_slice %arg10[%dma_start3A_92, %dma_start3A_93] : memref<1x128xi32, #tpu.memory_space<vmem>> -> memref<1x128xi32, #tpu.memory_space<vmem>>
        %dma_start3A_95 = tpu.memref_squeeze %dma_start3A_94 : memref<1x128xi32, #tpu.memory_space<vmem>> -> memref<128xi32, #tpu.memory_space<vmem>>
        %dma_start3A_96 = arith.constant 0 : i32
        %dma_start3A_97 = tpu.memref_slice %arg4[%add3A, %add3A_91, %dma_start3A_96] : memref<32x124x128xi32, #tpu.memory_space<hbm>> -> memref<1x1x128xi32, #tpu.memory_space<hbm>>
        %dma_start3A_98 = tpu.memref_squeeze %dma_start3A_97 : memref<1x1x128xi32, #tpu.memory_space<hbm>> -> memref<128xi32, #tpu.memory_space<hbm>>
        %dma_start3A_99 = arith.constant 0 : i32
        %dma_start3A_100 = tpu.memref_slice %arg10[%dma_start3A_92, %dma_start3A_99] : memref<1x128xi32, #tpu.memory_space<vmem>> -> memref<1x128xi32, #tpu.memory_space<vmem>>
        %dma_start3A_101 = tpu.memref_squeeze %dma_start3A_100 : memref<1x128xi32, #tpu.memory_space<vmem>> -> memref<128xi32, #tpu.memory_space<vmem>>
        %dma_start3A_102 = arith.constant 0 : i32
        %dma_start3A_103 = tpu.memref_slice %arg4[%add3A, %add3A_91, %dma_start3A_102] : memref<32x124x128xi32, #tpu.memory_space<hbm>> -> memref<1x1x128xi32, #tpu.memory_space<hbm>>
        %dma_start3A_104 = tpu.memref_squeeze %dma_start3A_103 : memref<1x1x128xi32, #tpu.memory_space<hbm>> -> memref<128xi32, #tpu.memory_space<hbm>>
        tpu.enqueue_dma source(%dma_start3A_104 : memref<128xi32, #tpu.memory_space<hbm>>) target(%dma_start3A_101 : memref<128xi32, #tpu.memory_space<vmem>>) target_semaphore(%arg15 : memref<!tpu.dma_semaphore, #tpu.memory_space<semaphore_mem>>)
      } else {
      }
    }
    %barrier3A_46 = arith.constant 0 : index
    tpu.barrier barrier_id(%barrier3A_46)
    "tpu.region"() ({
      %run_scoped3A_47 = tpu.sem_alloc : memref<!tpu.dma_semaphore, #tpu.memory_space<semaphore_mem>>
      %dma_start3A_48 = arith.constant 0 : i32
      %dma_start3A_49 = tpu.memref_slice %arg6[%arg0, %mul3A_4, %dma_start3A_48] : memref<2x10112x128xf32, #tpu.memory_space<hbm>> -> memref<1x632x128xf32, #tpu.memory_space<hbm>>
      %dma_start3A_50 = tpu.memref_squeeze %dma_start3A_49 : memref<1x632x128xf32, #tpu.memory_space<hbm>> -> memref<632x128xf32, #tpu.memory_space<hbm>>
      %dma_start3A_51 = arith.constant 0 : i32
      %dma_start3A_52 = tpu.memref_slice %arg13[%mul3A_4, %dma_start3A_51] : memref<10112x128xf32, #tpu.memory_space<vmem_shared>> -> memref<632x128xf32, #tpu.memory_space<vmem_shared>>
      tpu.enqueue_dma source(%dma_start3A_52 : memref<632x128xf32, #tpu.memory_space<vmem_shared>>) target(%dma_start3A_50 : memref<632x128xf32, #tpu.memory_space<hbm>>) target_semaphore(%run_scoped3A_47 : memref<!tpu.dma_semaphore, #tpu.memory_space<semaphore_mem>>)
      %dma_wait3A = arith.constant 0 : i32
      %dma_wait3A_53 = tpu.memref_slice %arg6[%arg0, %mul3A_4, %dma_wait3A] : memref<2x10112x128xf32, #tpu.memory_space<hbm>> -> memref<1x632x128xf32, #tpu.memory_space<hbm>>
      %dma_wait3A_54 = tpu.memref_squeeze %dma_wait3A_53 : memref<1x632x128xf32, #tpu.memory_space<hbm>> -> memref<632x128xf32, #tpu.memory_space<hbm>>
      %dma_wait3A_55 = arith.constant 0 : i32
      %dma_wait3A_56 = tpu.memref_slice %arg13[%mul3A_4, %dma_wait3A_55] : memref<10112x128xf32, #tpu.memory_space<vmem_shared>> -> memref<632x128xf32, #tpu.memory_space<vmem_shared>>
      tpu.wait_dma2 semaphore(%run_scoped3A_47 : memref<!tpu.dma_semaphore, #tpu.memory_space<semaphore_mem>>) src(%dma_wait3A_56 : memref<632x128xf32, #tpu.memory_space<vmem_shared>>) dst(%dma_wait3A_54 : memref<632x128xf32, #tpu.memory_space<hbm>>)
      tpu.yield
    }) : () -> ()
    return
  }
}

module attributes {stable_mosaic.version = 14 : i64} {
  func.func @_mm1_body(%arg0: i32, %arg1: memref<1000x128xf32, #tpu.memory_space<vmem>>, %arg2: memref<128x128xf32, #tpu.memory_space<vmem>>, %arg3: memref<1000x16xf32, #tpu.memory_space<vmem>>, %arg4: memref<1000x16xf32, #tpu.memory_space<vmem>>, %arg5: memref<1000x128xf32, #tpu.memory_space<vmem>>) attributes {dimension_semantics = [#tpu.dimension_semantics<arbitrary>], iteration_bounds = array<i64: 10>, scalar_prefetch = 0 : i64, scratch_operands = 0 : i64, tpu.core_type = #tpu.core_type<tc>, window_params = [{transform_indices = @transform_0, window_bounds = array<i64: 1000, 128>}, {pipeline_mode = #tpu.pipeline_mode<synchronous>, transform_indices = @transform_1, window_bounds = array<i64: 128, 128>}, {transform_indices = @transform_2, window_bounds = array<i64: 1000, 16>}, {transform_indices = @transform_3, window_bounds = array<i64: 1000, 16>}, {transform_indices = @transform_4, window_bounds = array<i64: 1000, 128>}]} {
    %get3A = arith.constant 0 : index
    %get3A_0 = arith.constant 0 : index
    %get3A_1 = vector.load %arg3[%get3A, %get3A_0] : memref<1000x16xf32, #tpu.memory_space<vmem>>, vector<1000x16xf32>
    %slice3A = vector.extract_strided_slice %get3A_1 {offsets = [0, 0], sizes = [1000, 1], strides = [1, 1]} : vector<1000x16xf32> to vector<1000x1xf32>
    %get3A_2 = arith.constant 0 : index
    %get3A_3 = arith.constant 0 : index
    %get3A_4 = vector.load %arg4[%get3A_2, %get3A_3] : memref<1000x16xf32, #tpu.memory_space<vmem>>, vector<1000x16xf32>
    %slice3A_5 = vector.extract_strided_slice %get3A_4 {offsets = [0, 0], sizes = [1000, 1], strides = [1, 1]} : vector<1000x16xf32> to vector<1000x1xf32>
    %add3A = arith.addf %slice3A, %slice3A_5 : vector<1000x1xf32>
    %rsqrt3A = math.rsqrt %add3A : vector<1000x1xf32>
    %get3A_6 = arith.constant 0 : index
    %get3A_7 = arith.constant 0 : index
    %get3A_8 = vector.load %arg1[%get3A_6, %get3A_7] : memref<1000x128xf32, #tpu.memory_space<vmem>>, vector<1000x128xf32>
    %get3A_9 = arith.constant 0 : index
    %get3A_10 = arith.constant 0 : index
    %get3A_11 = vector.load %arg2[%get3A_9, %get3A_10] : memref<128x128xf32, #tpu.memory_space<vmem>>, vector<128x128xf32>
    %dot_general3A = arith.constant dense<0.000000e+00> : vector<1000x128xf32>
    %dot_general3A_12 = tpu.matmul %get3A_8, %get3A_11, %dot_general3A {dimension_numbers = #tpu.dot_dimension_numbers<[1], [0], [0], [1], [0, 0, 1, 1], [], []>, transpose_lhs_hint = false} : vector<1000x128xf32>, vector<128x128xf32>, vector<1000x128xf32> -> vector<1000x128xf32>
    %mul3A = vector.broadcast %rsqrt3A : vector<1000x1xf32> to vector<1000x128xf32>
    %mul3A_13 = arith.mulf %dot_general3A_12, %mul3A : vector<1000x128xf32>
    %swap3A = arith.constant 0 : index
    %swap3A_14 = arith.constant 0 : index
    %swap3A_15 = vector.load %arg5[%swap3A, %swap3A_14] : memref<1000x128xf32, #tpu.memory_space<vmem>>, vector<1000x128xf32>
    tpu.vector_store %arg5[%swap3A, %swap3A_14], %mul3A_13 {strides = array<i32>} : memref<1000x128xf32, #tpu.memory_space<vmem>>, vector<1000x128xf32>,
    return
  }
  func.func @transform_0(%arg0: i32) -> (i32, i32) {
    %c0_i32 = arith.constant 0 : i32
    %c0_i32_0 = arith.constant 0 : i32
    return %arg0, %c0_i32 : i32, i32
  }
  func.func @transform_1(%arg0: i32) -> (i32, i32) {
    %c0_i32 = arith.constant 0 : i32
    %c0_i32_0 = arith.constant 0 : i32
    %c0_i32_1 = arith.constant 0 : i32
    return %c0_i32, %c0_i32_0 : i32, i32
  }
  func.func @transform_2(%arg0: i32) -> (i32, i32) {
    %c0_i32 = arith.constant 0 : i32
    %c0_i32_0 = arith.constant 0 : i32
    return %arg0, %c0_i32 : i32, i32
  }
  func.func @transform_3(%arg0: i32) -> (i32, i32) {
    %c0_i32 = arith.constant 0 : i32
    %c0_i32_0 = arith.constant 0 : i32
    return %arg0, %c0_i32 : i32, i32
  }
  func.func @transform_4(%arg0: i32) -> (i32, i32) {
    %c0_i32 = arith.constant 0 : i32
    %c0_i32_0 = arith.constant 0 : i32
    return %arg0, %c0_i32 : i32, i32
  }
}

module attributes {stable_mosaic.version = 14 : i64} {
  func.func @_mid_body(%arg0: i32, %arg1: memref<1000x128xf32, #tpu.memory_space<vmem>>, %arg2: memref<1000x128xf32, #tpu.memory_space<vmem>>, %arg3: memref<1000x16xf32, #tpu.memory_space<vmem>>, %arg4: memref<1000x16xf32, #tpu.memory_space<vmem>>, %arg5: memref<1x128xf32, #tpu.memory_space<vmem>>, %arg6: memref<128x64xf32, #tpu.memory_space<vmem>>, %arg7: memref<1000x64xf32, #tpu.memory_space<vmem>>) attributes {dimension_semantics = [#tpu.dimension_semantics<arbitrary>], iteration_bounds = array<i64: 10>, scalar_prefetch = 0 : i64, scratch_operands = 0 : i64, tpu.core_type = #tpu.core_type<tc>, window_params = [{transform_indices = @transform_0, window_bounds = array<i64: 1000, 128>}, {transform_indices = @transform_1, window_bounds = array<i64: 1000, 128>}, {transform_indices = @transform_2, window_bounds = array<i64: 1000, 16>}, {transform_indices = @transform_3, window_bounds = array<i64: 1000, 16>}, {pipeline_mode = #tpu.pipeline_mode<synchronous>, transform_indices = @transform_4, window_bounds = array<i64: 1, 128>}, {pipeline_mode = #tpu.pipeline_mode<synchronous>, transform_indices = @transform_5, window_bounds = array<i64: 128, 64>}, {transform_indices = @transform_6, window_bounds = array<i64: 1000, 64>}]} {
    %get3A = arith.constant 0 : index
    %get3A_0 = arith.constant 0 : index
    %get3A_1 = vector.load %arg3[%get3A, %get3A_0] : memref<1000x16xf32, #tpu.memory_space<vmem>>, vector<1000x16xf32>
    %slice3A = vector.extract_strided_slice %get3A_1 {offsets = [0, 0], sizes = [1000, 1], strides = [1, 1]} : vector<1000x16xf32> to vector<1000x1xf32>
    %get3A_2 = arith.constant 0 : index
    %get3A_3 = arith.constant 0 : index
    %get3A_4 = vector.load %arg4[%get3A_2, %get3A_3] : memref<1000x16xf32, #tpu.memory_space<vmem>>, vector<1000x16xf32>
    %slice3A_5 = vector.extract_strided_slice %get3A_4 {offsets = [0, 0], sizes = [1000, 1], strides = [1, 1]} : vector<1000x16xf32> to vector<1000x1xf32>
    %add3A = arith.addf %slice3A, %slice3A_5 : vector<1000x1xf32>
    %rsqrt3A = math.rsqrt %add3A : vector<1000x1xf32>
    %get3A_6 = arith.constant 0 : index
    %get3A_7 = arith.constant 0 : index
    %get3A_8 = vector.load %arg1[%get3A_6, %get3A_7] : memref<1000x128xf32, #tpu.memory_space<vmem>>, vector<1000x128xf32>
    %get3A_9 = arith.constant 0 : index
    %get3A_10 = arith.constant 0 : index
    %get3A_11 = vector.load %arg2[%get3A_9, %get3A_10] : memref<1000x128xf32, #tpu.memory_space<vmem>>, vector<1000x128xf32>
    %add3A_12 = arith.addf %get3A_8, %get3A_11 : vector<1000x128xf32>
    %mul3A = vector.broadcast %rsqrt3A : vector<1000x1xf32> to vector<1000x128xf32>
    %mul3A_13 = arith.mulf %add3A_12, %mul3A : vector<1000x128xf32>
    %get3A_14 = arith.constant 0 : index
    %get3A_15 = arith.constant 0 : index
    %get3A_16 = vector.load %arg5[%get3A_14, %get3A_15] : memref<1x128xf32, #tpu.memory_space<vmem>>, vector<1x128xf32>
    %add3A_17 = vector.broadcast %get3A_16 : vector<1x128xf32> to vector<1000x128xf32>
    %add3A_18 = arith.addf %mul3A_13, %add3A_17 : vector<1000x128xf32>
    %max3A = arith.constant 0.000000e+00 : f32
    %max3A_19 = vector.broadcast %max3A : f32 to vector<1000x128xf32>
    %max3A_20 = arith.maximumf %add3A_18, %max3A_19 : vector<1000x128xf32>
    %get3A_21 = arith.constant 0 : index
    %get3A_22 = arith.constant 0 : index
    %get3A_23 = vector.load %arg6[%get3A_21, %get3A_22] : memref<128x64xf32, #tpu.memory_space<vmem>>, vector<128x64xf32>
    %dot_general3A = arith.constant dense<0.000000e+00> : vector<1000x64xf32>
    %dot_general3A_24 = tpu.matmul %max3A_20, %get3A_23, %dot_general3A {dimension_numbers = #tpu.dot_dimension_numbers<[1], [0], [0], [1], [0, 0, 1, 1], [], []>, transpose_lhs_hint = false} : vector<1000x128xf32>, vector<128x64xf32>, vector<1000x64xf32> -> vector<1000x64xf32>
    %mul3A_25 = vector.broadcast %rsqrt3A : vector<1000x1xf32> to vector<1000x64xf32>
    %mul3A_26 = arith.mulf %dot_general3A_24, %mul3A_25 : vector<1000x64xf32>
    %swap3A = arith.constant 0 : index
    %swap3A_27 = arith.constant 0 : index
    %swap3A_28 = vector.load %arg7[%swap3A, %swap3A_27] : memref<1000x64xf32, #tpu.memory_space<vmem>>, vector<1000x64xf32>
    tpu.vector_store %arg7[%swap3A, %swap3A_27], %mul3A_26 {strides = array<i32>} : memref<1000x64xf32, #tpu.memory_space<vmem>>, vector<1000x64xf32>,
    return
  }
  func.func @transform_0(%arg0: i32) -> (i32, i32) {
    %c0_i32 = arith.constant 0 : i32
    %c0_i32_0 = arith.constant 0 : i32
    return %arg0, %c0_i32 : i32, i32
  }
  func.func @transform_1(%arg0: i32) -> (i32, i32) {
    %c0_i32 = arith.constant 0 : i32
    %c0_i32_0 = arith.constant 0 : i32
    return %arg0, %c0_i32 : i32, i32
  }
  func.func @transform_2(%arg0: i32) -> (i32, i32) {
    %c0_i32 = arith.constant 0 : i32
    %c0_i32_0 = arith.constant 0 : i32
    return %arg0, %c0_i32 : i32, i32
  }
  func.func @transform_3(%arg0: i32) -> (i32, i32) {
    %c0_i32 = arith.constant 0 : i32
    %c0_i32_0 = arith.constant 0 : i32
    return %arg0, %c0_i32 : i32, i32
  }
  func.func @transform_4(%arg0: i32) -> (i32, i32) {
    %c0_i32 = arith.constant 0 : i32
    %c0_i32_0 = arith.constant 0 : i32
    %c0_i32_1 = arith.constant 0 : i32
    return %c0_i32, %c0_i32_0 : i32, i32
  }
  func.func @transform_5(%arg0: i32) -> (i32, i32) {
    %c0_i32 = arith.constant 0 : i32
    %c0_i32_0 = arith.constant 0 : i32
    %c0_i32_1 = arith.constant 0 : i32
    return %c0_i32, %c0_i32_0 : i32, i32
  }
  func.func @transform_6(%arg0: i32) -> (i32, i32) {
    %c0_i32 = arith.constant 0 : i32
    %c0_i32_0 = arith.constant 0 : i32
    return %arg0, %c0_i32 : i32, i32
  }
}

module attributes {stable_mosaic.version = 14 : i64} {
  func.func @_out_body(%arg0: i32, %arg1: memref<1000x64xf32, #tpu.memory_space<vmem>>, %arg2: memref<1000x64xf32, #tpu.memory_space<vmem>>, %arg3: memref<1000x16xf32, #tpu.memory_space<vmem>>, %arg4: memref<1000x16xf32, #tpu.memory_space<vmem>>, %arg5: memref<1x64xf32, #tpu.memory_space<vmem>>, %arg6: memref<1000x64xf32, #tpu.memory_space<vmem>>) attributes {dimension_semantics = [#tpu.dimension_semantics<arbitrary>], iteration_bounds = array<i64: 10>, scalar_prefetch = 0 : i64, scratch_operands = 0 : i64, tpu.core_type = #tpu.core_type<tc>, window_params = [{transform_indices = @transform_0, window_bounds = array<i64: 1000, 64>}, {transform_indices = @transform_1, window_bounds = array<i64: 1000, 64>}, {transform_indices = @transform_2, window_bounds = array<i64: 1000, 16>}, {transform_indices = @transform_3, window_bounds = array<i64: 1000, 16>}, {pipeline_mode = #tpu.pipeline_mode<synchronous>, transform_indices = @transform_4, window_bounds = array<i64: 1, 64>}, {transform_indices = @transform_5, window_bounds = array<i64: 1000, 64>}]} {
    %get3A = arith.constant 0 : index
    %get3A_0 = arith.constant 0 : index
    %get3A_1 = vector.load %arg3[%get3A, %get3A_0] : memref<1000x16xf32, #tpu.memory_space<vmem>>, vector<1000x16xf32>
    %slice3A = vector.extract_strided_slice %get3A_1 {offsets = [0, 0], sizes = [1000, 1], strides = [1, 1]} : vector<1000x16xf32> to vector<1000x1xf32>
    %get3A_2 = arith.constant 0 : index
    %get3A_3 = arith.constant 0 : index
    %get3A_4 = vector.load %arg4[%get3A_2, %get3A_3] : memref<1000x16xf32, #tpu.memory_space<vmem>>, vector<1000x16xf32>
    %slice3A_5 = vector.extract_strided_slice %get3A_4 {offsets = [0, 0], sizes = [1000, 1], strides = [1, 1]} : vector<1000x16xf32> to vector<1000x1xf32>
    %add3A = arith.addf %slice3A, %slice3A_5 : vector<1000x1xf32>
    %rsqrt3A = math.rsqrt %add3A : vector<1000x1xf32>
    %get3A_6 = arith.constant 0 : index
    %get3A_7 = arith.constant 0 : index
    %get3A_8 = vector.load %arg1[%get3A_6, %get3A_7] : memref<1000x64xf32, #tpu.memory_space<vmem>>, vector<1000x64xf32>
    %get3A_9 = arith.constant 0 : index
    %get3A_10 = arith.constant 0 : index
    %get3A_11 = vector.load %arg2[%get3A_9, %get3A_10] : memref<1000x64xf32, #tpu.memory_space<vmem>>, vector<1000x64xf32>
    %add3A_12 = arith.addf %get3A_8, %get3A_11 : vector<1000x64xf32>
    %mul3A = vector.broadcast %rsqrt3A : vector<1000x1xf32> to vector<1000x64xf32>
    %mul3A_13 = arith.mulf %add3A_12, %mul3A : vector<1000x64xf32>
    %get3A_14 = arith.constant 0 : index
    %get3A_15 = arith.constant 0 : index
    %get3A_16 = vector.load %arg5[%get3A_14, %get3A_15] : memref<1x64xf32, #tpu.memory_space<vmem>>, vector<1x64xf32>
    %add3A_17 = vector.broadcast %get3A_16 : vector<1x64xf32> to vector<1000x64xf32>
    %add3A_18 = arith.addf %mul3A_13, %add3A_17 : vector<1000x64xf32>
    %swap3A = arith.constant 0 : index
    %swap3A_19 = arith.constant 0 : index
    %swap3A_20 = vector.load %arg6[%swap3A, %swap3A_19] : memref<1000x64xf32, #tpu.memory_space<vmem>>, vector<1000x64xf32>
    tpu.vector_store %arg6[%swap3A, %swap3A_19], %add3A_18 {strides = array<i32>} : memref<1000x64xf32, #tpu.memory_space<vmem>>, vector<1000x64xf32>,
    return
  }
  func.func @transform_0(%arg0: i32) -> (i32, i32) {
    %c0_i32 = arith.constant 0 : i32
    %c0_i32_0 = arith.constant 0 : i32
    return %arg0, %c0_i32 : i32, i32
  }
  func.func @transform_1(%arg0: i32) -> (i32, i32) {
    %c0_i32 = arith.constant 0 : i32
    %c0_i32_0 = arith.constant 0 : i32
    return %arg0, %c0_i32 : i32, i32
  }
  func.func @transform_2(%arg0: i32) -> (i32, i32) {
    %c0_i32 = arith.constant 0 : i32
    %c0_i32_0 = arith.constant 0 : i32
    return %arg0, %c0_i32 : i32, i32
  }
  func.func @transform_3(%arg0: i32) -> (i32, i32) {
    %c0_i32 = arith.constant 0 : i32
    %c0_i32_0 = arith.constant 0 : i32
    return %arg0, %c0_i32 : i32, i32
  }
  func.func @transform_4(%arg0: i32) -> (i32, i32) {
    %c0_i32 = arith.constant 0 : i32
    %c0_i32_0 = arith.constant 0 : i32
    %c0_i32_1 = arith.constant 0 : i32
    return %c0_i32, %c0_i32_0 : i32, i32
  }
  func.func @transform_5(%arg0: i32) -> (i32, i32) {
    %c0_i32 = arith.constant 0 : i32
    %c0_i32_0 = arith.constant 0 : i32
    return %arg0, %c0_i32 : i32, i32
  }
}

</mosaic_0001>

<sc_bundles>
// kernel: kernel.11.cloned.1.call-start
scs
__scs_entry_jumppad:
0x0: {  	(pc) =	sbr.rel $0x88, $3  }
0x1: {  	(tag) =	ssettag $0x0;
	lr =	simm.s32 $0x1  }
0x2: {  	[smem:$0x3F9B] =	sst lr;
	_ =	strace $0xD0000000  }
0x3: {  	_ = 	snop  }
0x4: {  	_ = 	snop  }
0x5: {  	_ = 	snop  }
0x6: {  	_ = 	snop  }
0x7: {  	_ = 	snop  }
__scs_overlays_trampoline_lowered:
0x8: {  	[smem:$0x3FAA] =	sst s0  }
0x9: {  	[smem:$0x3FAB] =	sst s1  }
0xa: {  	[smem:$0x3FAC] =	sst s2  }
0xb: {  	[smem:$0x3FAD] =	sst s3  }
0xc: {  	[smem:$0x3FAE] =	sst s4  }
0xd: {  	[smem:$0x3FAF] =	sst s5  }
0xe: {  	[smem:$0x3FB0] =	sst s6  }
0xf: {  	[smem:$0x3FB1] =	sst s7  }
0x10: {  	[smem:$0x3FB2] =	sst s8  }
0x11: {  	[smem:$0x3FB3] =	sst s9;
	s0 =	simm.s32 @!p0 $0x0  }
0x12: {  	s1 =	sld [smem:$0x3F99];
	s0 =	simm.s32 @p0 $0x1  }
0x13: {  	[smem:$0x3FB4] =	sst s0;
	s0 =	simm.s32 @!p1 $0x0  }
0x14: {  	s2 =	sld [smem:$0x3F98];
	s0 =	simm.s32 @p1 $0x1  }
0x15: {  	[smem:$0x3FB5] =	sst s0;
	s0 =	simm.s32 @!p2 $0x0  }
0x16: {  	s3 =	sld [smem:$0x3FDB];
	s0 =	simm.s32 @p2 $0x1  }
0x17: {  	s4 =	simm.s32 $0x1BF5;
	[smem:$0x3FB7] =	sst s0  }
0x18: {  	s0 =	sld [smem:$0x3F9A];
	_ =	swait.ge [sflag:s4], $0x0  }
0x19: {  	s7 =	sld [smem:$0x3F9B]  }
0x1a: {  	s8 =	sadd.s32 $0xFFFFE003, lr  }
0x1b: {  	s9 =	sadd.s32 $0xFFFFFEF7, lr;
	s5 =	simm.s32 $0xFFFFFFFF;
	p2 =	slt.u32 s8, $0xFFFFF086  }
0x1c: {  	p1 =	slt.u32 s9, $0xF7A;
	s5 =	simm.s32 @!p2 $0x0  }
0x1d: {  	s5 =	simm.s32 @p1 $0x1;
	p0 =	seq.s32 s7, s2  }
0x1e: {  	s7 =	smul.u32 @!p0 $0xF7A, s2;
	p2 =	seq.s32 @!p0 s5, $0x0  }
0x1f: {  	s9 =	smul.u32 $0xF7A, s1;
	s8 =	simm.s32 @!p0 $0x1BF5;
	p2 =	por !p2, p0  }
0x20: {  	[sflag:s8] =	ssyncset.s32 @!p0 $0xFFFFF086;
	s6 =	sadd.s32 @!p0 s3, s7;
	s7 =	simm.s32 @!p0 $0x108  }
0x21: {  	s3 =	sadd.s32 s3, s9;
	s6 =	sadd.s32 @!p0 $0x88, s6;
	s7 =	simm.s32 @p2 $0x1082  }
0x22: {  	[simem:s7], [sflag:s8] =	dma.local @!p0 [hbm:s6], $0xF7A  }
0x23: {  	s9 =	sor.u32 $0xD0000000, s2;
	s6 =	simm.s32 $0x108;
	_ =	swait.ge @!p0 [sflag:s8], $0x0  }
0x24: {  	s3 =	sadd.s32 $0x88, s3;
	s6 =	simm.s32 @!p1 $0x1082;
	[sflag:s4] =	ssyncset.s32 $0xFFFFF086  }
0x25: {  	[simem:s6], [sflag:s4] =	dma.local [hbm:s3], $0xF7A  }
0x26: {  	[smem:$0x3F9B] =	sst s1;
	(tag) =	ssettag s2;
	_ =	strace s9  }
0x27: {  	s1 =	sld [smem:$0x3FAB]  }
0x28: {  	s2 =	sld [smem:$0x3FAC]  }
0x29: {  	s4 =	sld [smem:$0x3FAE]  }
0x2a: {  	p0 =	seq.s32 s5, $0x0;
	s5 =	sld [smem:$0x3FAF]  }
0x2b: {  	s6 =	sld [smem:$0x3FB0]  }
0x2c: {  	s7 =	sld [smem:$0x3FB1]  }
0x2d: {  	s3 =	simm.s32 $0x108;
	s8 =	sld [smem:$0x3FB2]  }
0x2e: {  	s3 =	simm.s32 @!p0 $0x1082;
	s9 =	sld [smem:$0x3FB3]  }
0x2f: {  	lr =	sadd.s32 s0, s3;
	s0 =	sld [smem:$0x3FAA]  }
0x30: {  	s3 =	sld [smem:$0x3FAD]  }
0x31: {  	[smem:$0x3FB6] =	sst s10  }
0x32: {  	s10 =	sld [smem:$0x3FB4];
	_ =	sdelay $0x3  }
0x33: {  	p0 =	seq.s32 s10, $0x1;
	s10 =	sld [smem:$0x3FB6];
	_ =	sdelay $0x3  }
0x34: {  	[smem:$0x3FB6] =	sst s10  }
0x35: {  	s10 =	sld [smem:$0x3FB5];
	_ =	sdelay $0x3  }
0x36: {  	p1 =	seq.s32 s10, $0x1;
	s10 =	sld [smem:$0x3FB6];
	_ =	sdelay $0x3  }
0x37: {  	[smem:$0x3FB6] =	sst s10  }
0x38: {  	s10 =	sld [smem:$0x3FB7]  }
0x39: {  	_ = 	snop;
	(pc) =	sbr.ind lr, $3  }
0x3a: {  	_ = 	snop  }
0x3b: {  	_ = 	snop  }
0x3c: {  	p2 =	seq.s32 s10, $0x1;
	s10 =	sld [smem:$0x3FB6]  }
0x3d: {  	_ =	shalt  }
0x3e: {  	_ =	shalt  }
0x3f: {  	_ =	shalt  }
0x40: {  	_ =	shalt  }
0x41: {  	_ =	shalt  }
0x42: {  	_ =	shalt  }
0x43: {  	_ =	shalt  }
0x44: {  	_ =	shalt  }
0x45: {  	_ =	shalt  }
0x46: {  	_ =	shalt  }
0x47: {  	_ =	shalt  }
0x48: {  	_ =	shalt  }
0x49: {  	_ =	shalt  }
0x4a: {  	_ =	shalt  }
0x4b: {  	_ =	shalt  }
0x4c: {  	_ =	shalt  }
0x4d: {  	_ =	shalt  }
0x4e: {  	_ =	shalt  }
0x4f: {  	_ =	shalt  }
0x50: {  	_ =	shalt  }
0x51: {  	_ =	shalt  }
0x52: {  	_ =	shalt  }
0x53: {  	_ =	shalt  }
0x54: {  	_ =	shalt  }
0x55: {  	_ =	shalt  }
0x56: {  	_ =	shalt  }
0x57: {  	_ =	shalt  }
0x58: {  	_ =	shalt  }
0x59: {  	_ =	shalt  }
0x5a: {  	_ =	shalt  }
0x5b: {  	_ =	shalt  }
0x5c: {  	_ =	shalt  }
0x5d: {  	_ =	shalt  }
0x5e: {  	_ =	shalt  }
0x5f: {  	_ =	shalt  }
0x60: {  	_ =	shalt  }
0x61: {  	_ =	shalt  }
0x62: {  	_ =	shalt  }
0x63: {  	_ =	shalt  }
0x64: {  	_ =	shalt  }
0x65: {  	_ =	shalt  }
0x66: {  	_ =	shalt  }
0x67: {  	_ =	shalt  }
0x68: {  	_ =	shalt  }
0x69: {  	_ =	shalt  }
0x6a: {  	_ =	shalt  }
0x6b: {  	_ =	shalt  }
0x6c: {  	_ =	shalt  }
0x6d: {  	_ =	shalt  }
0x6e: {  	_ =	shalt  }
0x6f: {  	_ =	shalt  }
0x70: {  	_ =	shalt  }
0x71: {  	_ =	shalt  }
0x72: {  	_ =	shalt  }
0x73: {  	_ =	shalt  }
0x74: {  	_ =	shalt  }
0x75: {  	_ =	shalt  }
0x76: {  	_ =	shalt  }
0x77: {  	_ =	shalt  }
0x78: {  	_ =	shalt  }
0x79: {  	_ =	shalt  }
0x7a: {  	_ =	shalt  }
0x7b: {  	_ =	shalt  }
0x7c: {  	_ =	shalt  }
0x7d: {  	_ =	shalt  }
0x7e: {  	_ =	shalt  }
0x7f: {  	_ =	shalt  }
0x80: {  	_ =	shalt  }
0x81: {  	_ =	shalt  }
0x82: {  	_ =	shalt  }
0x83: {  	_ =	shalt  }
0x84: {  	_ =	shalt  }
0x85: {  	_ =	shalt  }
0x86: {  	_ =	shalt  }
0x87: {  	_ =	shalt  }
.Lfunc_end0:
.L_simem_size_0:
called_computation.1_lowered:
.L_overlay_start_0:
0x88: {  	s2 =	sld [smem:$0x3FD9]  }
0x89: {  	s3 =	sld [smem:$0x3FFE];
	_ =	sdelay $0x1  }
0x8a: {  	s1 =	srdreg.scid  }
0x8b: {  	s0 =	sand.u32 $0x1, s1  }
0x8c: {  	s16 =	sshll.u32 s0, $0xA;
	s2 =	sadd.s32 s3, s2  }
0x8d: {  	s2 =	sadd.s32 s2, s16  }
0x8e: {  	[smem:$0x3FC2] =	sst s2  }
0x8f: {  	_ = 	snop  }
0x90: {  	(tm) =	ssettm $0x1  }
0x91: {  	s17 =	sld [smem:$0x3FFB];
	_ =	sdelay $0x3  }
0x92: {  	_ =	strace s17  }
0x93: {  	s2 =	sld [smem:$0x3FFC];
	_ =	sdelay $0x3  }
0x94: {  	_ =	strace s2  }
0x95: {  	s2 =	sld [smem:$0x3FFD];
	_ =	sdelay $0x3  }
0x96: {  	_ =	strace s2  }
0x97: {  	_ =	strace $0x8FFFFFFF  }
0x98: {  	s18 =	sld [smem:$0x3FDB];
	_ =	sdelay $0x1  }
0x99: {  	s19 =	simm.s32 $_scs_section_size  }
0x9a: {  	s4 =	simm.s32 $_size__tile_overlayer_lowered;
	s5 =	simm.s32 $_tile_overlayer_lowered  }
0x9b: {  	s22 =	simm.s32 $0x1BFF;
	s21 =	sshll.u32 s5, $0x1;
	s2 =	sadd.s32 s19, s18  }
0x9c: {  	s6 =	simm.s32 $0x0;
	s20 =	sshll.u32 s4, $0x1;
	s4 =	sadd.s32 s21, s2  }
0x9d: {  	[timem:s6], [sflag:s22] =	dma.local [hbm:s4], s20  }
0x9e: {  	_ =	swait.ge [sflag:s22], s20  }
0x9f: {  	s3 =	ssub.s32 $0x0, s20;
	[sflag:s22] =	ssyncset.done $0x0  }
0xa0: {  	[sflag:s22] =	ssyncadd.s32 s3;
	_ =	sdelay $0x1  }
0xa1: {  	s23 =	simm.s32 $0x1B8B  }
0xa2: {  	_ =	swait.ge [sflag:s23], $0x1  }
0xa3: {  	[sflag:s23] =	ssyncset.done $0x0  }
0xa4: {  	s25 =	simm.s32 $0x1B8E;
	s24 =	sld [smem:$0x3FFE];
	[sflag:s23] =	ssyncadd.s32 $0xFFFFFFFF  }
0xa5: {  	s26 =	simm.s32 $execute0_lowered;
	[smem:$0x3FD2] =	sst s25  }
0xa6: {  	s4 =	sshll.u32 s26, $0x1;
	_ =	strace $0x80000049;
	[dreg:$0x1] =	wrdreg $0xFFFFFFFF  }
0xa7: {  	s28 =	simm.s32 $_size_execute0_lowered;
	s2 =	sadd.s32 s2, s4;
	[dreg:$0x0] =	wrdreg $0x0  }
0xa8: {  	s4 =	sshll.u32 s28, $0x1;
	[dreg:$0x2] =	wrdreg s2  }
0xa9: {  	[dreg:$0x3] =	wrdreg s4  }
0xaa: {  	[dreg:$0x4] =	wrdreg $0xC0  }
0xab: {  	_ =	task [dreg:s6], $0x5FFFF  }
0xac: {  	[dreg:$0x1] =	wrdreg $0xFFFFFFFF  }
0xad: {  	[dreg:$0x0] =	wrdreg $0x60  }
0xae: {  	[dreg:$0x2] =	wrdreg s24  }
0xaf: {  	[dreg:$0x3] =	wrdreg $0x82000  }
0xb0: {  	[dreg:$0x4] =	wrdreg $0x9  }
0xb1: {  	_ =	task.clear_ibuf [dreg:s6], $0x5FFFF;
	_ =	strace $0x90000049  }
0xb2: {  	s29 =	simm.s32 $0x9;
	_ =	strace $0x8000004B  }
0xb3: {  	_ =	swait.ge [sflag:s29], $0x1  }
0xb4: {  	[sflag:s29] =	ssyncadd.s32 $0xFFFFFFFF  }
0xb5: {  	_ =	strace $0x9000004B  }
0xb6: {  	_ =	sfence  }
0xb7: {  	s30 =	sld [smem:$0x0];
	_ =	sdelay $0x2  }
0xb8: {  	s31 =	sshll.u32 s1, $0xD;
	s1 =	sshrl.u32 s1, $0x2  }
0xb9: {  	s3 =	sand.u32 $0x4000, s31;
	s1 =	sadd.s32 s1, s30  }
0xba: {  	s0 =	sor.u32 s3, s0;
	s1 =	sshll.u32 s1, $0x11  }
0xbb: {  	s0 =	sor.u32 s1, s0  }
0xbc: {  	s0 =	sadd.s32 $0x8F2B, s0  }
0xbd: {  	[sflag:s0] =	ssyncadd.remote.s32 $0x1  }
0xbe: {  	_ =	sfence.sel $0xFFFF  }
0xbf: {  	[dreg:$0x0] =	wrdreg $0xFFFFFFFF;
	(pc) =	sbr.abs _section_cstart, $3  }
0xc0: {  	[dreg:$0x1] =	wrdreg $0xFFFFFFFF  }
0xc1: {  	_ =	task.clear_ibuf [dreg:s6], $0x2FFFF;
	_ =	strace $0x9FFFFFFF  }
0xc2: {  	(tm) =	ssettm $0x7FFFFFFF  }
0xc3: {  	_ =	shalt  }
tec
execute0_lowered:
.L_overlay_start_1:
0x0: {  	(tag) =	ssettag $0x1  }
0x1: {  	s0 =	rddreg [dreg:$0x0]  }
0x2: {  	s2 =	rddreg [dreg:$0x1]  }
0x3: {  	s11 =	stileid.u32;
	s1 =	srdreg.scid  }
0x4: {  	s3 =	simm.s32 $0x0;
	s28 =	simm.s32 $0x4;
	s29 =	simm.s32 $0x4200  }
0x5: {  	s30 =	simm.s32 $0x0;
	s6 =	smul.u32 $0x13C00, s11;
	s1 =	sand.u32 $0x1, s1  }
0x6: {  	[smem:$0x7FF] =	sst s3;
	s4 =	sadd.s32 $0x61200, s0;
	s20 =	sadd.s32 $0x1B000, s0  }
0x7: {  	s19 =	sadd.s32 $0x2A800, s0;
	s18 =	sshll.u32 s11, $0x6;
	s12 =	smul.u32 $0x3E00, s11  }
0x8: {  	s5 =	smul.u32 $0x13C000, s1;
	_ =	strace $0x8000004A;
	s8 =	ssub.s32 $0x2, s1  }
0x9: {  	s10 =	sshll.u32 s1, $0x4;
	p0 =	seq.s32 s1, $0x0;
	s1 =	smul.u32 $0x3E000, s1  }
0xa: {  	s7 =	sshrl.u32 s6, $0x3;
	s9 =	sshrl.u32 s8, $0x1;
	s10 =	sor.u32 s11, s10  }
0xb: {  	s5 =	sadd.s32 s6, s5;
	s7 =	sadd.s32 s7, s0;
	s15 =	ssub.s32 s8, s9  }
0xc: {  	s16 =	smul.u32 $0x3E00, s10;
	s6 =	sadd.s32 s6, s2;
	s8 =	sor.u32 $0x1C05, s18  }
0xd: {  	s1 =	sadd.s32 s12, s1;
	s5 =	sshrl.u32 s5, $0x3;
	[dreg:$0x7] =	wrdreg s6  }
0xe: {  	s17 =	sadd.s32 $0x88400, s7;
	s15 =	smax.u32 s15, $0x1;
	s24 =	sadd.s32 $0x200, s1  }
0xf: {  	s18 =	sor.u32 $0x100, s1;
	s0 =	sadd.s32 s5, s0;
	s5 =	simm.s32 $0x7C  }
0x10: {  	[dreg:$0x8] =	wrdreg s17;
	s10 =	sshrl.u32 s16, $0x3;
	s16 =	sadd.s32 $0x280, s1  }
0x11: {  	s1 =	sor.u32 $0x180, s1;
	s5 =	simm.s32 @!p0 $0x26;
	s21 =	sadd.s32 s20, s10  }
0x12: {  	s13 =	sor.u32 $0x10, s10;
	s22 =	sadd.s32 s19, s10;
	s14 =	sadd.s32 $0xAFC00, s0  }
0x13: {  	s17 =	sshrl.u32 s16, $0x3;
	s1 =	sshrl.u32 s1, $0x3;
	[dreg:$0x9] =	wrdreg s21  }
0x14: {  	[dreg:$0xa] =	wrdreg s22;
	s11 =	sadd.s32 s20, s13;
	s12 =	sadd.s32 s19, s13  }
0x15: {  	s13 =	sadd.s32 $0xFFFFFFFF, s5;
	s23 =	sshll.u32 s5, $0x4;
	s16 =	sadd.s32 s17, s19  }
0x16: {  	s17 =	sadd.s32 s17, s20;
	s22 =	sshrl.u32 s18, $0x3;
	s31 =	sadd.s32 s1, s19  }
0x17: {  	s0 =	sadd.s32 $0xFFFFFFE0, s23;
	s16 =	sadd.s32 $0xFFFFFFE0, s16;
	[dreg:$0x6] =	wrdreg s31  }
0x18: {  	s17 =	sadd.s32 $0xFFFFFFE0, s17;
	s25 =	sadd.s32 s22, s19;
	[dreg:$0x3] =	wrdreg s0  }
0x19: {  	s26 =	sadd.s32 s22, s20;
	s22 =	simm.s32 $0x100;
	[dreg:$0x4] =	wrdreg s25  }
0x1a: {  	s23 =	simm.s32 $0x80;
	s0 =	sshrl.u32 s24, $0x3;
	[dreg:$0x5] =	wrdreg s26  }
0x1b: {  	s24 =	simm.s32 $0x200;
	s25 =	simm.s32 $0x180;
	s26 =	simm.s32 $0x3  }
0x1c: {  	s21 =	sadd.s32 s0, s19;
	s0 =	sadd.s32 s0, s20;
	s20 =	sadd.s32 s1, s20  }
0x1d: {  	s18 =	sadd.s32 $0xFFFFFFE0, s21;
	s19 =	sadd.s32 $0xFFFFFFE0, s0;
	s21 =	simm.s32 $0x5  }
.LBB2_1:
0x1e: {  	s0 =	rddreg [dreg:$0x7]  }
0x1f: {  	s7 =	rddreg [dreg:$0x8];
	s31 =	sshrl.u32 s0, $0x3  }
0x20: {  	[spmem:s31], [sflag:s8] =	dma.local [hbm:s7], $0x2780  }
0x21: {  	_ =	swait.ge [sflag:s21], $0x2780  }
0x22: {  	[sflag:s21] =	ssyncset.done $0x0  }
0x23: {  	s9 =	rddreg [dreg:$0x9];
	[sflag:s21] =	ssyncadd.s32 $0xFFFFD880  }
0x24: {  	[tilespmem:s3], [sflag:$0x5] =	stream.linear.gather [hbm4b:s9+s3], $0x80, $0x38;
	[tilespmem:$0x1BE00] =	vst v63  }
0x25: {  	_ =	swait.ge [sflag:s21], $0x80  }
0x26: {  	[sflag:s21] =	ssyncset.done $0x0  }
0x27: {  	s10 =	rddreg [dreg:$0xa];
	[sflag:s21] =	ssyncadd.s32 $0xFFFFFF80  }
0x28: {  	[tilespmem:s22], [sflag:$0x5] =	stream.linear.gather [hbm4b:s10+s3], $0x80, $0x38;
	[tilespmem:$0x1BE00] =	vst v63  }
0x29: {  	_ =	swait.ge [sflag:s21], $0x80  }
0x2a: {  	[sflag:s21] =	ssyncset.done $0x0  }
0x2b: {  	[sflag:s21] =	ssyncadd.s32 $0xFFFFFF80  }
0x2c: {  	[tilespmem:s24], [sflag:$0x3] =	stream.indirect.gather [hbm4b:s4+s23], $0x80, s3, s23, $0xb8;
	[tilespmem:$0x1BE00] =	vst v63  }
0x2d: {  	_ = 	snop  }
0x2e: {  	[tilespmem:s23], [sflag:$0x2] =	stream.linear.gather [hbm4b:s11+s3], $0x80, $0x38;
	[tilespmem:$0x1BE00] =	vst v63  }
0x2f: {  	_ = 	snop  }
0x30: {  	[tilespmem:s25], [sflag:$0x2] =	stream.linear.gather [hbm4b:s12+s3], $0x80, $0x38;
	[tilespmem:$0x1BE00] =	vst v63  }
0x31: {  	s1 =	simm.s32 $0x3;
	s0 =	simm.s32 $0x0;
	[bflag:$0x0] =	sbarrier.arrive $0xFFFF  }
.LBB2_2:
0x32: {  	s6 =	sadd.s32 $0xFFFFFFFD, s1  }
0x33: {  	p0 =	sge.u32 s6, s13  }
0x34: {  	s6 =	simm.s32 @!p0 $0x2  }
0x35: {  	_ =	swait.ge @!p0 [sflag:s6], $0x80  }
0x36: {  	[sflag:s6] =	ssyncset.done @!p0 $0x0  }
0x37: {  	[sflag:s6] =	ssyncadd.s32 @!p0 $0xFFFFFF80  }
0x38: {  	_ =	swait.ge @!p0 [sflag:s6], $0x80  }
0x39: {  	[sflag:s6] =	ssyncset.done @!p0 $0x0  }
0x3a: {  	s7 =	simm.s32 @!p0 $0x4200;
	[sflag:s6] =	ssyncadd.s32 @!p0 $0xFFFFFF80;
	s6 =	simm.s32 @!p0 $0x80  }
0x3b: {  	[tilespmem:s7], [sflag:$0x4] =	stream.indirect.gather @!p0 [hbm4b:s4+s6], $0x80, s6, s6, $0xb8;
	[tilespmem:$0x1BE00] =	vst v63  }
0x3c: {  	_ =	swait.ge [sflag:s26], $0x4000  }
0x3d: {  	[sflag:s26] =	ssyncset.done $0x0  }
0x3e: {  	s10 =	sadd.s32 $0xFFFFFFFF, s1;
	[sflag:s26] =	ssyncadd.s32 $0xFFFFC000  }
0x3f: {  	[spmem:s2] =	stream.indirect.scatter.add.f32 [tilespmem:s24], [sflag:$0x5], $0x80, s22, s23, $0xb8;
	[tilespmem:$0x1BE00] =	vst v63  }
0x40: {  	p0 =	sge.u32 s10, s5;
	_ =	swait.ge [sflag:s21], $0x4000  }
0x41: {  	s9 =	simm.s32 @!p0 $0x0;
	s6 =	rddreg [dreg:$0x5];
	[sflag:s21] =	ssyncset.done $0x0  }
0x42: {  	s7 =	rddreg [dreg:$0x4];
	[sflag:s21] =	ssyncadd.s32 $0xFFFFC000;
	s6 =	sadd.s32 @!p0 s0, s6  }
0x43: {  	[tilespmem:s9], [sflag:$0x1] =	stream.linear.gather @!p0 [hbm4b:s6+s9], $0x80, $0x38;
	[tilespmem:$0x1BE00] =	vst v63  }
0x44: {  	s6 =	sadd.s32 @!p0 s0, s7;
	s7 =	simm.s32 @!p0 $0x100  }
0x45: {  	[tilespmem:s7], [sflag:$0x1] =	stream.linear.gather @!p0 [hbm4b:s6+s9], $0x80, $0x38;
	[tilespmem:$0x1BE00] =	vst v63  }
0x46: {  	s6 =	simm.s32 @!p0 $0x1  }
0x47: {  	_ =	swait.ge @!p0 [sflag:s6], $0x80  }
0x48: {  	[sflag:s6] =	ssyncset.done @!p0 $0x0  }
0x49: {  	[sflag:s6] =	ssyncadd.s32 @!p0 $0xFFFFFF80  }
0x4a: {  	_ =	swait.ge @!p0 [sflag:s6], $0x80  }
0x4b: {  	[sflag:s6] =	ssyncset.done @!p0 $0x0  }
0x4c: {  	s7 =	simm.s32 @!p0 $0x200;
	[sflag:s6] =	ssyncadd.s32 @!p0 $0xFFFFFF80;
	s6 =	simm.s32 @!p0 $0x80  }
0x4d: {  	[tilespmem:s7], [sflag:$0x3] =	stream.indirect.gather @!p0 [hbm4b:s4+s6], $0x80, s9, s6, $0xb8;
	[tilespmem:$0x1BE00] =	vst v63  }
0x4e: {  	_ =	swait.ge [sflag:s28], $0x4000  }
0x4f: {  	[sflag:s28] =	ssyncset.done $0x0  }
0x50: {  	p0 =	sge.u32 s1, s5;
	[sflag:s28] =	ssyncadd.s32 $0xFFFFC000  }
0x51: {  	[spmem:s2] =	stream.indirect.scatter.add.f32 [tilespmem:s29], [sflag:$0x5], $0x80, s25, s23, $0xb8;
	[tilespmem:$0x1BE00] =	vst v63  }
0x52: {  	s7 =	sadd.s32 @!p0 s0, s20;
	_ =	swait.ge [sflag:s21], $0x4000  }
0x53: {  	s9 =	simm.s32 @!p0 $0x0;
	[sflag:s21] =	ssyncset.done $0x0;
	s6 =	rddreg [dreg:$0x6]  }
0x54: {  	s10 =	simm.s32 @!p0 $0x80;
	[sflag:s21] =	ssyncadd.s32 $0xFFFFC000;
	s6 =	sadd.s32 @!p0 s0, s6  }
0x55: {  	[tilespmem:s10], [sflag:$0x2] =	stream.linear.gather @!p0 [hbm4b:s7+s9], $0x80, $0x38;
	[tilespmem:$0x1BE00] =	vst v63  }
0x56: {  	s0 =	sadd.s32 $0x20, s0;
	s7 =	simm.s32 @!p0 $0x180;
	s10 =	rddreg [dreg:$0x3]  }
0x57: {  	[tilespmem:s7], [sflag:$0x2] =	stream.linear.gather @!p0 [hbm4b:s6+s9], $0x80, $0x38;
	[tilespmem:$0x1BE00] =	vst v63  }
0x58: {  	p0 =	sne.s32 s10, s0  }
.Ltmp0:
0x59: {  	_ = 	snop;
	(pc) =	sbr.rel @p0 .LBB2_2-.Ltmp0, $2  }
0x5a: {  	_ =	sdelay $0x2  }
0x5b: {  	s1 =	sadd.s32 $0x2, s1  }
0x5c: {  	s6 =	sadd.s32 $0xFFFFFFFD, s1  }
0x5d: {  	p0 =	sge.u32 s6, s13  }
0x5e: {  	s6 =	simm.s32 @!p0 $0x2  }
0x5f: {  	_ =	swait.ge @!p0 [sflag:s6], $0x80  }
0x60: {  	[sflag:s6] =	ssyncset.done @!p0 $0x0  }
0x61: {  	[sflag:s6] =	ssyncadd.s32 @!p0 $0xFFFFFF80  }
0x62: {  	_ =	swait.ge @!p0 [sflag:s6], $0x80  }
0x63: {  	[sflag:s6] =	ssyncset.done @!p0 $0x0  }
0x64: {  	s7 =	simm.s32 @!p0 $0x4200;
	[sflag:s6] =	ssyncadd.s32 @!p0 $0xFFFFFF80;
	s6 =	simm.s32 @!p0 $0x80  }
0x65: {  	[tilespmem:s7], [sflag:$0x4] =	stream.indirect.gather @!p0 [hbm4b:s4+s6], $0x80, s6, s6, $0xb8;
	[tilespmem:$0x1BE00] =	vst v63  }
0x66: {  	_ =	swait.ge [sflag:s26], $0x4000  }
0x67: {  	[sflag:s26] =	ssyncset.done $0x0  }
0x68: {  	[sflag:s26] =	ssyncadd.s32 $0xFFFFC000  }
0x69: {  	[spmem:s2] =	stream.indirect.scatter.add.f32 [tilespmem:s24], [sflag:$0x5], $0x80, s22, s23, $0xb8;
	[tilespmem:$0x1BE00] =	vst v63  }
0x6a: {  	s10 =	sadd.s32 $0xFFFFFFFF, s1;
	_ =	swait.ge [sflag:s21], $0x4000  }
0x6b: {  	p0 =	sge.u32 s10, s5;
	[sflag:s21] =	ssyncset.done $0x0  }
0x6c: {  	s6 =	sadd.s32 @!p0 s0, s19;
	s7 =	simm.s32 @!p0 $0x0;
	[sflag:s21] =	ssyncadd.s32 $0xFFFFC000  }
0x6d: {  	[tilespmem:s7], [sflag:$0x1] =	stream.linear.gather @!p0 [hbm4b:s6+s7], $0x80, $0x38;
	[tilespmem:$0x1BE00] =	vst v63  }
0x6e: {  	s9 =	simm.s32 @!p0 $0x100;
	s6 =	sadd.s32 @!p0 s0, s18  }
0x6f: {  	[tilespmem:s9], [sflag:$0x1] =	stream.linear.gather @!p0 [hbm4b:s6+s7], $0x80, $0x38;
	[tilespmem:$0x1BE00] =	vst v63  }
0x70: {  	s6 =	simm.s32 @!p0 $0x1  }
0x71: {  	_ =	swait.ge @!p0 [sflag:s6], $0x80  }
0x72: {  	[sflag:s6] =	ssyncset.done @!p0 $0x0  }
0x73: {  	[sflag:s6] =	ssyncadd.s32 @!p0 $0xFFFFFF80  }
0x74: {  	_ =	swait.ge @!p0 [sflag:s6], $0x80  }
0x75: {  	[sflag:s6] =	ssyncset.done @!p0 $0x0  }
0x76: {  	s9 =	simm.s32 @!p0 $0x200;
	[sflag:s6] =	ssyncadd.s32 @!p0 $0xFFFFFF80;
	s6 =	simm.s32 @!p0 $0x80  }
0x77: {  	[tilespmem:s9], [sflag:$0x3] =	stream.indirect.gather @!p0 [hbm4b:s4+s6], $0x80, s7, s6, $0xb8;
	[tilespmem:$0x1BE00] =	vst v63  }
0x78: {  	_ =	swait.ge [sflag:s28], $0x4000  }
0x79: {  	[sflag:s28] =	ssyncset.done $0x0  }
0x7a: {  	[sflag:s28] =	ssyncadd.s32 $0xFFFFC000  }
0x7b: {  	[spmem:s2] =	stream.indirect.scatter.add.f32 [tilespmem:s29], [sflag:$0x5], $0x80, s25, s23, $0xb8;
	[tilespmem:$0x1BE00] =	vst v63  }
0x7c: {  	p0 =	sge.u32 s1, s5;
	_ =	swait.ge [sflag:s21], $0x4000  }
0x7d: {  	s1 =	sadd.s32 @!p0 s0, s17;
	[sflag:s21] =	ssyncset.done $0x0  }
0x7e: {  	s6 =	simm.s32 @!p0 $0x0;
	s7 =	simm.s32 @!p0 $0x80;
	[sflag:s21] =	ssyncadd.s32 $0xFFFFC000  }
0x7f: {  	[tilespmem:s7], [sflag:$0x2] =	stream.linear.gather @!p0 [hbm4b:s1+s6], $0x80, $0x38;
	[tilespmem:$0x1BE00] =	vst v63  }
0x80: {  	s30 =	sadd.s32 $0x1, s30;
	s0 =	sadd.s32 @!p0 s0, s16;
	s1 =	simm.s32 @!p0 $0x180  }
0x81: {  	[tilespmem:s1], [sflag:$0x2] =	stream.linear.gather @!p0 [hbm4b:s0+s6], $0x80, $0x38;
	[tilespmem:$0x1BE00] =	vst v63  }
0x82: {  	p0 =	sne.s32 s30, s15  }
.Ltmp1:
0x83: {  	[bflag:$0x0] =	sbarrier.arrive $0xFFFF;
	(pc) =	sbr.rel @p0 .LBB2_1-.Ltmp1, $4  }
0x84: {  	[hbm:s14], [sflag:s8] =	dma.local [spmem:s31], $0x2780  }
0x85: {  	_ =	swait.ge [sflag:s21], $0x2780  }
0x86: {  	[sflag:s21] =	ssyncset.done $0x0  }
0x87: {  	[sflag:s21] =	ssyncadd.s32 $0xFFFFD880  }
0x88: {  	_ =	sfence.sel $0x180000  }
0x89: {  	[bflag:$0x0] =	sbarrier.arrive $0xFFFF  }
0x8a: {  	_ =	strace $0x9000004A  }
0x8b: {  	s0 =	stileid.u32;
	[bflag:$0x2] =	sbarrier.arrive $0xFFFF  }
0x8c: {  	p0 =	sne.s32 s0, $0x0;
	s0 =	rddreg [dreg:$0x2]  }
0x8d: {  	s0 =	sadd.s32 @!p0 $0x100000, s0  }
0x8e: {  	[sflag:s0] =	ssyncadd.tile.s32 @!p0 $0x1;
	_ =	shalt  }
.Lfunc_end2:
_tile_overlayer_lowered:
.L_overlay_start_2:
0x8f: {  	(tag) =	ssettag $0x2  }
0x90: {  	s0 =	rddreg [dreg:$0x0];
	s2 =	stileid.u32  }
0x91: {  	s1 =	rddreg [dreg:$0x1];
	p0 =	sne.s32 s2, $0x0  }
0x92: {  	s3 =	rddreg [dreg:$0x2];
	[bflag:$0x3] =	sbarrier.arrive $0xFFFF;
	s2 =	simm.s32 @!p0 $0x1C05  }
0x93: {  	[timem:s3], [sflag:s2] =	dma.local @!p0 [hbm:s0], s1  }
0x94: {  	s0 =	simm.s32 @!p0 $0x5  }
0x95: {  	_ =	swait.ge @!p0 [sflag:s0], s1  }
0x96: {  	s1 =	ssub.s32 @!p0 $0x0, s1;
	[sflag:s0] =	ssyncset.done @!p0 $0x0  }
0x97: {  	[sflag:s0] =	ssyncadd.s32 @!p0 s1  }
0x98: {  	[bflag:$0x3] =	sbarrier.arrive $0xFFFF  }
0x99: {  	_ =	shalt  }

// kernel: kernel.14.cloned.1.call-start
scs
__scs_entry_jumppad:
0x0: {  	(pc) =	sbr.rel $0x88, $3  }
0x1: {  	(tag) =	ssettag $0x0;
	lr =	simm.s32 $0x1  }
0x2: {  	[smem:$0x3F9B] =	sst lr;
	_ =	strace $0xD0000000  }
0x3: {  	_ = 	snop  }
0x4: {  	_ = 	snop  }
0x5: {  	_ = 	snop  }
0x6: {  	_ = 	snop  }
0x7: {  	_ = 	snop  }
__scs_overlays_trampoline_lowered:
0x8: {  	[smem:$0x3FAA] =	sst s0  }
0x9: {  	[smem:$0x3FAB] =	sst s1  }
0xa: {  	[smem:$0x3FAC] =	sst s2  }
0xb: {  	[smem:$0x3FAD] =	sst s3  }
0xc: {  	[smem:$0x3FAE] =	sst s4  }
0xd: {  	[smem:$0x3FAF] =	sst s5  }
0xe: {  	[smem:$0x3FB0] =	sst s6  }
0xf: {  	[smem:$0x3FB1] =	sst s7  }
0x10: {  	[smem:$0x3FB2] =	sst s8  }
0x11: {  	[smem:$0x3FB3] =	sst s9;
	s0 =	simm.s32 @!p0 $0x0  }
0x12: {  	s1 =	sld [smem:$0x3F99];
	s0 =	simm.s32 @p0 $0x1  }
0x13: {  	[smem:$0x3FB4] =	sst s0;
	s0 =	simm.s32 @!p1 $0x0  }
0x14: {  	s2 =	sld [smem:$0x3F98];
	s0 =	simm.s32 @p1 $0x1  }
0x15: {  	[smem:$0x3FB5] =	sst s0;
	s0 =	simm.s32 @!p2 $0x0  }
0x16: {  	s3 =	sld [smem:$0x3FDB];
	s0 =	simm.s32 @p2 $0x1  }
0x17: {  	s4 =	simm.s32 $0x1BF5;
	[smem:$0x3FB7] =	sst s0  }
0x18: {  	s0 =	sld [smem:$0x3F9A];
	_ =	swait.ge [sflag:s4], $0x0  }
0x19: {  	s7 =	sld [smem:$0x3F9B]  }
0x1a: {  	s8 =	sadd.s32 $0xFFFFE003, lr  }
0x1b: {  	s9 =	sadd.s32 $0xFFFFFEF7, lr;
	s5 =	simm.s32 $0xFFFFFFFF;
	p2 =	slt.u32 s8, $0xFFFFF086  }
0x1c: {  	p1 =	slt.u32 s9, $0xF7A;
	s5 =	simm.s32 @!p2 $0x0  }
0x1d: {  	s5 =	simm.s32 @p1 $0x1;
	p0 =	seq.s32 s7, s2  }
0x1e: {  	s7 =	smul.u32 @!p0 $0xF7A, s2;
	p2 =	seq.s32 @!p0 s5, $0x0  }
0x1f: {  	s9 =	smul.u32 $0xF7A, s1;
	s8 =	simm.s32 @!p0 $0x1BF5;
	p2 =	por !p2, p0  }
0x20: {  	[sflag:s8] =	ssyncset.s32 @!p0 $0xFFFFF086;
	s6 =	sadd.s32 @!p0 s3, s7;
	s7 =	simm.s32 @!p0 $0x108  }
0x21: {  	s3 =	sadd.s32 s3, s9;
	s6 =	sadd.s32 @!p0 $0x88, s6;
	s7 =	simm.s32 @p2 $0x1082  }
0x22: {  	[simem:s7], [sflag:s8] =	dma.local @!p0 [hbm:s6], $0xF7A  }
0x23: {  	s9 =	sor.u32 $0xD0000000, s2;
	s6 =	simm.s32 $0x108;
	_ =	swait.ge @!p0 [sflag:s8], $0x0  }
0x24: {  	s3 =	sadd.s32 $0x88, s3;
	s6 =	simm.s32 @!p1 $0x1082;
	[sflag:s4] =	ssyncset.s32 $0xFFFFF086  }
0x25: {  	[simem:s6], [sflag:s4] =	dma.local [hbm:s3], $0xF7A  }
0x26: {  	[smem:$0x3F9B] =	sst s1;
	(tag) =	ssettag s2;
	_ =	strace s9  }
0x27: {  	s1 =	sld [smem:$0x3FAB]  }
0x28: {  	s2 =	sld [smem:$0x3FAC]  }
0x29: {  	s4 =	sld [smem:$0x3FAE]  }
0x2a: {  	p0 =	seq.s32 s5, $0x0;
	s5 =	sld [smem:$0x3FAF]  }
0x2b: {  	s6 =	sld [smem:$0x3FB0]  }
0x2c: {  	s7 =	sld [smem:$0x3FB1]  }
0x2d: {  	s3 =	simm.s32 $0x108;
	s8 =	sld [smem:$0x3FB2]  }
0x2e: {  	s3 =	simm.s32 @!p0 $0x1082;
	s9 =	sld [smem:$0x3FB3]  }
0x2f: {  	lr =	sadd.s32 s0, s3;
	s0 =	sld [smem:$0x3FAA]  }
0x30: {  	s3 =	sld [smem:$0x3FAD]  }
0x31: {  	[smem:$0x3FB6] =	sst s10  }
0x32: {  	s10 =	sld [smem:$0x3FB4];
	_ =	sdelay $0x3  }
0x33: {  	p0 =	seq.s32 s10, $0x1;
	s10 =	sld [smem:$0x3FB6];
	_ =	sdelay $0x3  }
0x34: {  	[smem:$0x3FB6] =	sst s10  }
0x35: {  	s10 =	sld [smem:$0x3FB5];
	_ =	sdelay $0x3  }
0x36: {  	p1 =	seq.s32 s10, $0x1;
	s10 =	sld [smem:$0x3FB6];
	_ =	sdelay $0x3  }
0x37: {  	[smem:$0x3FB6] =	sst s10  }
0x38: {  	s10 =	sld [smem:$0x3FB7]  }
0x39: {  	_ = 	snop;
	(pc) =	sbr.ind lr, $3  }
0x3a: {  	_ = 	snop  }
0x3b: {  	_ = 	snop  }
0x3c: {  	p2 =	seq.s32 s10, $0x1;
	s10 =	sld [smem:$0x3FB6]  }
0x3d: {  	_ =	shalt  }
0x3e: {  	_ =	shalt  }
0x3f: {  	_ =	shalt  }
0x40: {  	_ =	shalt  }
0x41: {  	_ =	shalt  }
0x42: {  	_ =	shalt  }
0x43: {  	_ =	shalt  }
0x44: {  	_ =	shalt  }
0x45: {  	_ =	shalt  }
0x46: {  	_ =	shalt  }
0x47: {  	_ =	shalt  }
0x48: {  	_ =	shalt  }
0x49: {  	_ =	shalt  }
0x4a: {  	_ =	shalt  }
0x4b: {  	_ =	shalt  }
0x4c: {  	_ =	shalt  }
0x4d: {  	_ =	shalt  }
0x4e: {  	_ =	shalt  }
0x4f: {  	_ =	shalt  }
0x50: {  	_ =	shalt  }
0x51: {  	_ =	shalt  }
0x52: {  	_ =	shalt  }
0x53: {  	_ =	shalt  }
0x54: {  	_ =	shalt  }
0x55: {  	_ =	shalt  }
0x56: {  	_ =	shalt  }
0x57: {  	_ =	shalt  }
0x58: {  	_ =	shalt  }
0x59: {  	_ =	shalt  }
0x5a: {  	_ =	shalt  }
0x5b: {  	_ =	shalt  }
0x5c: {  	_ =	shalt  }
0x5d: {  	_ =	shalt  }
0x5e: {  	_ =	shalt  }
0x5f: {  	_ =	shalt  }
0x60: {  	_ =	shalt  }
0x61: {  	_ =	shalt  }
0x62: {  	_ =	shalt  }
0x63: {  	_ =	shalt  }
0x64: {  	_ =	shalt  }
0x65: {  	_ =	shalt  }
0x66: {  	_ =	shalt  }
0x67: {  	_ =	shalt  }
0x68: {  	_ =	shalt  }
0x69: {  	_ =	shalt  }
0x6a: {  	_ =	shalt  }
0x6b: {  	_ =	shalt  }
0x6c: {  	_ =	shalt  }
0x6d: {  	_ =	shalt  }
0x6e: {  	_ =	shalt  }
0x6f: {  	_ =	shalt  }
0x70: {  	_ =	shalt  }
0x71: {  	_ =	shalt  }
0x72: {  	_ =	shalt  }
0x73: {  	_ =	shalt  }
0x74: {  	_ =	shalt  }
0x75: {  	_ =	shalt  }
0x76: {  	_ =	shalt  }
0x77: {  	_ =	shalt  }
0x78: {  	_ =	shalt  }
0x79: {  	_ =	shalt  }
0x7a: {  	_ =	shalt  }
0x7b: {  	_ =	shalt  }
0x7c: {  	_ =	shalt  }
0x7d: {  	_ =	shalt  }
0x7e: {  	_ =	shalt  }
0x7f: {  	_ =	shalt  }
0x80: {  	_ =	shalt  }
0x81: {  	_ =	shalt  }
0x82: {  	_ =	shalt  }
0x83: {  	_ =	shalt  }
0x84: {  	_ =	shalt  }
0x85: {  	_ =	shalt  }
0x86: {  	_ =	shalt  }
0x87: {  	_ =	shalt  }
.Lfunc_end0:
.L_simem_size_0:
called_computation.2_lowered:
.L_overlay_start_0:
0x88: {  	s2 =	sld [smem:$0x3FD9]  }
0x89: {  	s3 =	sld [smem:$0x3FFE];
	_ =	sdelay $0x1  }
0x8a: {  	s1 =	srdreg.scid  }
0x8b: {  	s0 =	sand.u32 $0x1, s1  }
0x8c: {  	s17 =	sshll.u32 s0, $0xA;
	s2 =	sadd.s32 s3, s2  }
0x8d: {  	s2 =	sadd.s32 s2, s17  }
0x8e: {  	[smem:$0x3FC2] =	sst s2  }
0x8f: {  	_ = 	snop  }
0x90: {  	s2 =	sld [smem:$0x3FD0];
	(tm) =	ssettm $0x1  }
0x91: {  	s18 =	sld [smem:$0x3FFB];
	_ =	sdelay $0x3  }
0x92: {  	_ =	strace s18  }
0x93: {  	s3 =	sld [smem:$0x3FFC];
	_ =	sdelay $0x3  }
0x94: {  	_ =	strace s3  }
0x95: {  	s3 =	sld [smem:$0x3FFD];
	_ =	sdelay $0x3  }
0x96: {  	_ =	strace s3  }
0x97: {  	_ =	strace $0x8FFFFFFF  }
0x98: {  	s19 =	sld [smem:$0x3FDB];
	_ =	sdelay $0x1  }
0x99: {  	s4 =	simm.s32 $_scs_section_size  }
0x9a: {  	s5 =	simm.s32 $_size__tile_overlayer_lowered;
	s6 =	simm.s32 $_tile_overlayer_lowered  }
0x9b: {  	s22 =	simm.s32 $0x1BFF;
	s21 =	sshll.u32 s6, $0x1;
	s3 =	sadd.s32 s4, s19  }
0x9c: {  	s7 =	simm.s32 $0x0;
	s20 =	sshll.u32 s5, $0x1;
	s5 =	sadd.s32 s21, s3  }
0x9d: {  	[timem:s7], [sflag:s22] =	dma.local [hbm:s5], s20  }
0x9e: {  	_ =	swait.ge [sflag:s22], s20  }
0x9f: {  	s4 =	ssub.s32 $0x0, s20;
	[sflag:s22] =	ssyncset.done $0x0  }
0xa0: {  	[sflag:s22] =	ssyncadd.s32 s4;
	_ =	sdelay $0x1  }
0xa1: {  	s23 =	simm.s32 $0x1B8B  }
0xa2: {  	_ =	swait.ge [sflag:s23], $0x1  }
0xa3: {  	[sflag:s23] =	ssyncset.done $0x0  }
0xa4: {  	s25 =	simm.s32 $0x1B8E;
	s24 =	sld [smem:$0x3FFE];
	[sflag:s23] =	ssyncadd.s32 $0xFFFFFFFF  }
0xa5: {  	s26 =	simm.s32 $execute0_lowered;
	[smem:$0x3FD2] =	sst s25  }
0xa6: {  	s5 =	sshll.u32 s26, $0x1;
	_ =	strace $0x8000004C;
	[dreg:$0x1] =	wrdreg $0xFFFFFFFF  }
0xa7: {  	s28 =	simm.s32 $_size_execute0_lowered;
	s3 =	sadd.s32 s3, s5;
	[dreg:$0x0] =	wrdreg $0x0  }
0xa8: {  	s5 =	sshll.u32 s28, $0x1;
	[dreg:$0x2] =	wrdreg s3  }
0xa9: {  	[dreg:$0x3] =	wrdreg s5  }
0xaa: {  	[dreg:$0x4] =	wrdreg $0xC0  }
0xab: {  	_ =	task [dreg:s7], $0x5FFFF  }
0xac: {  	[dreg:$0x1] =	wrdreg $0xFFFFFFFF  }
0xad: {  	[dreg:$0x0] =	wrdreg $0x60  }
0xae: {  	[dreg:$0x2] =	wrdreg s24  }
0xaf: {  	[dreg:$0x3] =	wrdreg s2  }
0xb0: {  	[dreg:$0x4] =	wrdreg $0x42000  }
0xb1: {  	[dreg:$0x5] =	wrdreg $0x9  }
0xb2: {  	_ =	task.clear_ibuf [dreg:s7], $0x6FFFF;
	_ =	strace $0x9000004C  }
0xb3: {  	s29 =	simm.s32 $0x9;
	_ =	strace $0x8000004E  }
0xb4: {  	_ =	swait.ge [sflag:s29], $0x1  }
0xb5: {  	[sflag:s29] =	ssyncadd.s32 $0xFFFFFFFF  }
0xb6: {  	_ =	strace $0x9000004E  }
0xb7: {  	_ =	sfence  }
0xb8: {  	s30 =	sld [smem:$0x0];
	_ =	sdelay $0x2  }
0xb9: {  	s31 =	sshll.u32 s1, $0xD;
	s1 =	sshrl.u32 s1, $0x2  }
0xba: {  	s3 =	sand.u32 $0x4000, s31;
	s1 =	sadd.s32 s1, s30  }
0xbb: {  	s0 =	sor.u32 s3, s0;
	s1 =	sshll.u32 s1, $0x11  }
0xbc: {  	s0 =	sor.u32 s1, s0  }
0xbd: {  	s0 =	sadd.s32 $0x8F2B, s0  }
0xbe: {  	[sflag:s0] =	ssyncadd.remote.s32 $0x1  }
0xbf: {  	_ =	sfence.sel $0xFFFF  }
0xc0: {  	[dreg:$0x0] =	wrdreg $0xFFFFFFFF;
	(pc) =	sbr.abs _section_cstart, $3  }
0xc1: {  	[dreg:$0x1] =	wrdreg $0xFFFFFFFF  }
0xc2: {  	_ =	task.clear_ibuf [dreg:s7], $0x2FFFF;
	_ =	strace $0x9FFFFFFF  }
0xc3: {  	(tm) =	ssettm $0x7FFFFFFF  }
tec
execute0_lowered:
.L_overlay_start_1:
0x0: {  	(tag) =	ssettag $0x1  }
0x1: {  	s0 =	rddreg [dreg:$0x0]  }
0x2: {  	s1 =	rddreg [dreg:$0x1]  }
0x3: {  	s2 =	rddreg [dreg:$0x2];
	s4 =	srdreg.scid  }
0x4: {  	s11 =	stileid.u32;
	s3 =	simm.s32 $0x0;
	s28 =	simm.s32 $0x4  }
0x5: {  	s29 =	simm.s32 $0x2200;
	s30 =	simm.s32 $0x0;
	s8 =	sand.u32 $0x1, s4  }
0x6: {  	s6 =	smul.u32 $0x9E00, s11;
	[smem:$0x7FF] =	sst s3;
	s4 =	sadd.s32 $0x1600, s0  }
0x7: {  	s20 =	sadd.s32 $0x1B000, s0;
	s19 =	sadd.s32 $0x2A800, s0;
	s12 =	smul.u32 $0x3E00, s11  }
0x8: {  	s18 =	sshll.u32 s11, $0x6;
	s5 =	smul.u32 $0x9E000, s8;
	_ =	strace $0x8000004D  }
0x9: {  	s7 =	ssub.s32 $0x2, s8;
	s14 =	sshll.u32 s8, $0x4;
	p0 =	seq.s32 s8, $0x0  }
0xa: {  	s17 =	smul.u32 $0x3E000, s8;
	s8 =	sor.u32 $0x1C05, s18;
	s9 =	sshrl.u32 s7, $0x1  }
0xb: {  	s16 =	sshrl.u32 s6, $0x3;
	s5 =	sadd.s32 s6, s5;
	s15 =	ssub.s32 s7, s9  }
0xc: {  	s7 =	sor.u32 s11, s14;
	s6 =	sadd.s32 s6, s2;
	s1 =	sadd.s32 s1, s16  }
0xd: {  	s5 =	sshrl.u32 s5, $0x3;
	s10 =	smul.u32 $0x3E00, s7;
	[dreg:$0x8] =	wrdreg s6  }
0xe: {  	[dreg:$0x9] =	wrdreg s1;
	s1 =	sadd.s32 s12, s17;
	s15 =	smax.u32 s15, $0x1  }
0xf: {  	s0 =	sadd.s32 s5, s0;
	s5 =	simm.s32 $0x7C;
	s16 =	sadd.s32 $0x280, s1  }
0x10: {  	s24 =	sadd.s32 $0x200, s1;
	s18 =	sor.u32 $0x100, s1;
	s1 =	sor.u32 $0x180, s1  }
0x11: {  	s5 =	simm.s32 @!p0 $0x26;
	s10 =	sshrl.u32 s10, $0x3;
	s14 =	sadd.s32 $0x61200, s0  }
0x12: {  	s17 =	sshrl.u32 s16, $0x3;
	s1 =	sshrl.u32 s1, $0x3;
	s21 =	sadd.s32 s20, s10  }
0x13: {  	s13 =	sor.u32 $0x10, s10;
	s22 =	sadd.s32 s19, s10;
	s23 =	sshll.u32 s5, $0x4  }
0x14: {  	s16 =	sadd.s32 s17, s19;
	s17 =	sadd.s32 s17, s20;
	[dreg:$0xa] =	wrdreg s21  }
0x15: {  	s31 =	sadd.s32 s1, s19;
	[dreg:$0xb] =	wrdreg s22;
	s11 =	sadd.s32 s20, s13  }
0x16: {  	s12 =	sadd.s32 s19, s13;
	s13 =	sadd.s32 $0xFFFFFFFF, s5;
	s0 =	sadd.s32 $0xFFFFFFE0, s23  }
0x17: {  	s16 =	sadd.s32 $0xFFFFFFE0, s16;
	s17 =	sadd.s32 $0xFFFFFFE0, s17;
	[dreg:$0x7] =	wrdreg s31  }
0x18: {  	s22 =	sshrl.u32 s18, $0x3;
	s23 =	simm.s32 $0x80;
	[dreg:$0x4] =	wrdreg s0  }
0x19: {  	s0 =	sshrl.u32 s24, $0x3;
	s25 =	sadd.s32 s22, s19;
	s26 =	sadd.s32 s22, s20  }
0x1a: {  	s22 =	simm.s32 $0x100;
	s24 =	simm.s32 $0x200;
	[dreg:$0x5] =	wrdreg s25  }
0x1b: {  	s21 =	sadd.s32 s0, s19;
	s0 =	sadd.s32 s0, s20;
	[dreg:$0x6] =	wrdreg s26  }
0x1c: {  	s20 =	sadd.s32 s1, s20;
	s25 =	simm.s32 $0x180;
	s26 =	simm.s32 $0x3  }
0x1d: {  	s18 =	sadd.s32 $0xFFFFFFE0, s21;
	s19 =	sadd.s32 $0xFFFFFFE0, s0;
	s21 =	simm.s32 $0x5  }
.LBB2_1:
0x1e: {  	s0 =	rddreg [dreg:$0x8]  }
0x1f: {  	s7 =	rddreg [dreg:$0x9];
	s31 =	sshrl.u32 s0, $0x3  }
0x20: {  	[spmem:s31], [sflag:s8] =	dma.local [hbm:s7], $0x13C0  }
0x21: {  	_ =	swait.ge [sflag:s21], $0x13C0  }
0x22: {  	[sflag:s21] =	ssyncset.done $0x0  }
0x23: {  	s9 =	rddreg [dreg:$0xa];
	[sflag:s21] =	ssyncadd.s32 $0xFFFFEC40  }
0x24: {  	[tilespmem:s3], [sflag:$0x5] =	stream.linear.gather [hbm4b:s9+s3], $0x80, $0x38;
	[tilespmem:$0xE000] =	vst v63  }
0x25: {  	_ =	swait.ge [sflag:s21], $0x80  }
0x26: {  	[sflag:s21] =	ssyncset.done $0x0  }
0x27: {  	s10 =	rddreg [dreg:$0xb];
	[sflag:s21] =	ssyncadd.s32 $0xFFFFFF80  }
0x28: {  	[tilespmem:s22], [sflag:$0x5] =	stream.linear.gather [hbm4b:s10+s3], $0x80, $0x38;
	[tilespmem:$0xE000] =	vst v63  }
0x29: {  	_ =	swait.ge [sflag:s21], $0x80  }
0x2a: {  	[sflag:s21] =	ssyncset.done $0x0  }
0x2b: {  	[sflag:s21] =	ssyncadd.s32 $0xFFFFFF80  }
0x2c: {  	[tilespmem:s24], [sflag:$0x3] =	stream.indirect.gather [hbm4b:s4+s23], $0x40, s3, s23, $0xb8;
	[tilespmem:$0xE000] =	vst v63  }
0x2d: {  	_ = 	snop  }
0x2e: {  	[tilespmem:s23], [sflag:$0x2] =	stream.linear.gather [hbm4b:s11+s3], $0x80, $0x38;
	[tilespmem:$0xE000] =	vst v63  }
0x2f: {  	_ = 	snop  }
0x30: {  	[tilespmem:s25], [sflag:$0x2] =	stream.linear.gather [hbm4b:s12+s3], $0x80, $0x38;
	[tilespmem:$0xE000] =	vst v63  }
0x31: {  	s1 =	simm.s32 $0x3;
	s0 =	simm.s32 $0x0;
	[bflag:$0x0] =	sbarrier.arrive $0xFFFF  }
.LBB2_2:
0x32: {  	s6 =	sadd.s32 $0xFFFFFFFD, s1  }
0x33: {  	p0 =	sge.u32 s6, s13  }
0x34: {  	s6 =	simm.s32 @!p0 $0x2  }
0x35: {  	_ =	swait.ge @!p0 [sflag:s6], $0x80  }
0x36: {  	[sflag:s6] =	ssyncset.done @!p0 $0x0  }
0x37: {  	[sflag:s6] =	ssyncadd.s32 @!p0 $0xFFFFFF80  }
0x38: {  	_ =	swait.ge @!p0 [sflag:s6], $0x80  }
0x39: {  	[sflag:s6] =	ssyncset.done @!p0 $0x0  }
0x3a: {  	s7 =	simm.s32 @!p0 $0x2200;
	[sflag:s6] =	ssyncadd.s32 @!p0 $0xFFFFFF80;
	s6 =	simm.s32 @!p0 $0x80  }
0x3b: {  	[tilespmem:s7], [sflag:$0x4] =	stream.indirect.gather @!p0 [hbm4b:s4+s6], $0x40, s6, s6, $0xb8;
	[tilespmem:$0xE000] =	vst v63  }
0x3c: {  	_ =	swait.ge [sflag:s26], $0x2000  }
0x3d: {  	[sflag:s26] =	ssyncset.done $0x0  }
0x3e: {  	s10 =	sadd.s32 $0xFFFFFFFF, s1;
	[sflag:s26] =	ssyncadd.s32 $0xFFFFE000  }
0x3f: {  	[spmem:s2] =	stream.indirect.scatter.add.f32 [tilespmem:s24], [sflag:$0x5], $0x40, s22, s23, $0xb8;
	[tilespmem:$0xE000] =	vst v63  }
0x40: {  	p0 =	sge.u32 s10, s5;
	_ =	swait.ge [sflag:s21], $0x2000  }
0x41: {  	s9 =	simm.s32 @!p0 $0x0;
	s6 =	rddreg [dreg:$0x6];
	[sflag:s21] =	ssyncset.done $0x0  }
0x42: {  	s7 =	rddreg [dreg:$0x5];
	[sflag:s21] =	ssyncadd.s32 $0xFFFFE000;
	s6 =	sadd.s32 @!p0 s0, s6  }
0x43: {  	[tilespmem:s9], [sflag:$0x1] =	stream.linear.gather @!p0 [hbm4b:s6+s9], $0x80, $0x38;
	[tilespmem:$0xE000] =	vst v63  }
0x44: {  	s6 =	sadd.s32 @!p0 s0, s7;
	s7 =	simm.s32 @!p0 $0x100  }
0x45: {  	[tilespmem:s7], [sflag:$0x1] =	stream.linear.gather @!p0 [hbm4b:s6+s9], $0x80, $0x38;
	[tilespmem:$0xE000] =	vst v63  }
0x46: {  	s6 =	simm.s32 @!p0 $0x1  }
0x47: {  	_ =	swait.ge @!p0 [sflag:s6], $0x80  }
0x48: {  	[sflag:s6] =	ssyncset.done @!p0 $0x0  }
0x49: {  	[sflag:s6] =	ssyncadd.s32 @!p0 $0xFFFFFF80  }
0x4a: {  	_ =	swait.ge @!p0 [sflag:s6], $0x80  }
0x4b: {  	[sflag:s6] =	ssyncset.done @!p0 $0x0  }
0x4c: {  	s7 =	simm.s32 @!p0 $0x200;
	[sflag:s6] =	ssyncadd.s32 @!p0 $0xFFFFFF80;
	s6 =	simm.s32 @!p0 $0x80  }
0x4d: {  	[tilespmem:s7], [sflag:$0x3] =	stream.indirect.gather @!p0 [hbm4b:s4+s6], $0x40, s9, s6, $0xb8;
	[tilespmem:$0xE000] =	vst v63  }
0x4e: {  	_ =	swait.ge [sflag:s28], $0x2000  }
0x4f: {  	[sflag:s28] =	ssyncset.done $0x0  }
0x50: {  	p0 =	sge.u32 s1, s5;
	[sflag:s28] =	ssyncadd.s32 $0xFFFFE000  }
0x51: {  	[spmem:s2] =	stream.indirect.scatter.add.f32 [tilespmem:s29], [sflag:$0x5], $0x40, s25, s23, $0xb8;
	[tilespmem:$0xE000] =	vst v63  }
0x52: {  	s7 =	sadd.s32 @!p0 s0, s20;
	_ =	swait.ge [sflag:s21], $0x2000  }
0x53: {  	s9 =	simm.s32 @!p0 $0x0;
	[sflag:s21] =	ssyncset.done $0x0;
	s6 =	rddreg [dreg:$0x7]  }
0x54: {  	s10 =	simm.s32 @!p0 $0x80;
	[sflag:s21] =	ssyncadd.s32 $0xFFFFE000;
	s6 =	sadd.s32 @!p0 s0, s6  }
0x55: {  	[tilespmem:s10], [sflag:$0x2] =	stream.linear.gather @!p0 [hbm4b:s7+s9], $0x80, $0x38;
	[tilespmem:$0xE000] =	vst v63  }
0x56: {  	s0 =	sadd.s32 $0x20, s0;
	s7 =	simm.s32 @!p0 $0x180;
	s10 =	rddreg [dreg:$0x4]  }
0x57: {  	[tilespmem:s7], [sflag:$0x2] =	stream.linear.gather @!p0 [hbm4b:s6+s9], $0x80, $0x38;
	[tilespmem:$0xE000] =	vst v63  }
0x58: {  	p0 =	sne.s32 s10, s0  }
.Ltmp0:
0x59: {  	_ = 	snop;
	(pc) =	sbr.rel @p0 .LBB2_2-.Ltmp0, $2  }
0x5a: {  	_ =	sdelay $0x2  }
0x5b: {  	s1 =	sadd.s32 $0x2, s1  }
0x5c: {  	s6 =	sadd.s32 $0xFFFFFFFD, s1  }
0x5d: {  	p0 =	sge.u32 s6, s13  }
0x5e: {  	s6 =	simm.s32 @!p0 $0x2  }
0x5f: {  	_ =	swait.ge @!p0 [sflag:s6], $0x80  }
0x60: {  	[sflag:s6] =	ssyncset.done @!p0 $0x0  }
0x61: {  	[sflag:s6] =	ssyncadd.s32 @!p0 $0xFFFFFF80  }
0x62: {  	_ =	swait.ge @!p0 [sflag:s6], $0x80  }
0x63: {  	[sflag:s6] =	ssyncset.done @!p0 $0x0  }
0x64: {  	s7 =	simm.s32 @!p0 $0x2200;
	[sflag:s6] =	ssyncadd.s32 @!p0 $0xFFFFFF80;
	s6 =	simm.s32 @!p0 $0x80  }
0x65: {  	[tilespmem:s7], [sflag:$0x4] =	stream.indirect.gather @!p0 [hbm4b:s4+s6], $0x40, s6, s6, $0xb8;
	[tilespmem:$0xE000] =	vst v63  }
0x66: {  	_ =	swait.ge [sflag:s26], $0x2000  }
0x67: {  	[sflag:s26] =	ssyncset.done $0x0  }
0x68: {  	[sflag:s26] =	ssyncadd.s32 $0xFFFFE000  }
0x69: {  	[spmem:s2] =	stream.indirect.scatter.add.f32 [tilespmem:s24], [sflag:$0x5], $0x40, s22, s23, $0xb8;
	[tilespmem:$0xE000] =	vst v63  }
0x6a: {  	s10 =	sadd.s32 $0xFFFFFFFF, s1;
	_ =	swait.ge [sflag:s21], $0x2000  }
0x6b: {  	p0 =	sge.u32 s10, s5;
	[sflag:s21] =	ssyncset.done $0x0  }
0x6c: {  	s6 =	sadd.s32 @!p0 s0, s19;
	s7 =	simm.s32 @!p0 $0x0;
	[sflag:s21] =	ssyncadd.s32 $0xFFFFE000  }
0x6d: {  	[tilespmem:s7], [sflag:$0x1] =	stream.linear.gather @!p0 [hbm4b:s6+s7], $0x80, $0x38;
	[tilespmem:$0xE000] =	vst v63  }
0x6e: {  	s9 =	simm.s32 @!p0 $0x100;
	s6 =	sadd.s32 @!p0 s0, s18  }
0x6f: {  	[tilespmem:s9], [sflag:$0x1] =	stream.linear.gather @!p0 [hbm4b:s6+s7], $0x80, $0x38;
	[tilespmem:$0xE000] =	vst v63  }
0x70: {  	s6 =	simm.s32 @!p0 $0x1  }
0x71: {  	_ =	swait.ge @!p0 [sflag:s6], $0x80  }
0x72: {  	[sflag:s6] =	ssyncset.done @!p0 $0x0  }
0x73: {  	[sflag:s6] =	ssyncadd.s32 @!p0 $0xFFFFFF80  }
0x74: {  	_ =	swait.ge @!p0 [sflag:s6], $0x80  }
0x75: {  	[sflag:s6] =	ssyncset.done @!p0 $0x0  }
0x76: {  	s9 =	simm.s32 @!p0 $0x200;
	[sflag:s6] =	ssyncadd.s32 @!p0 $0xFFFFFF80;
	s6 =	simm.s32 @!p0 $0x80  }
0x77: {  	[tilespmem:s9], [sflag:$0x3] =	stream.indirect.gather @!p0 [hbm4b:s4+s6], $0x40, s7, s6, $0xb8;
	[tilespmem:$0xE000] =	vst v63  }
0x78: {  	_ =	swait.ge [sflag:s28], $0x2000  }
0x79: {  	[sflag:s28] =	ssyncset.done $0x0  }
0x7a: {  	[sflag:s28] =	ssyncadd.s32 $0xFFFFE000  }
0x7b: {  	[spmem:s2] =	stream.indirect.scatter.add.f32 [tilespmem:s29], [sflag:$0x5], $0x40, s25, s23, $0xb8;
	[tilespmem:$0xE000] =	vst v63  }
0x7c: {  	p0 =	sge.u32 s1, s5;
	_ =	swait.ge [sflag:s21], $0x2000  }
0x7d: {  	s1 =	sadd.s32 @!p0 s0, s17;
	[sflag:s21] =	ssyncset.done $0x0  }
0x7e: {  	s6 =	simm.s32 @!p0 $0x0;
	s7 =	simm.s32 @!p0 $0x80;
	[sflag:s21] =	ssyncadd.s32 $0xFFFFE000  }
0x7f: {  	[tilespmem:s7], [sflag:$0x2] =	stream.linear.gather @!p0 [hbm4b:s1+s6], $0x80, $0x38;
	[tilespmem:$0xE000] =	vst v63  }
0x80: {  	s30 =	sadd.s32 $0x1, s30;
	s0 =	sadd.s32 @!p0 s0, s16;
	s1 =	simm.s32 @!p0 $0x180  }
0x81: {  	[tilespmem:s1], [sflag:$0x2] =	stream.linear.gather @!p0 [hbm4b:s0+s6], $0x80, $0x38;
	[tilespmem:$0xE000] =	vst v63  }
0x82: {  	p0 =	sne.s32 s30, s15  }
.Ltmp1:
0x83: {  	[bflag:$0x0] =	sbarrier.arrive $0xFFFF;
	(pc) =	sbr.rel @p0 .LBB2_1-.Ltmp1, $4  }
0x84: {  	[hbm:s14], [sflag:s8] =	dma.local [spmem:s31], $0x13C0  }
0x85: {  	_ =	swait.ge [sflag:s21], $0x13C0  }
0x86: {  	[sflag:s21] =	ssyncset.done $0x0  }
0x87: {  	[sflag:s21] =	ssyncadd.s32 $0xFFFFEC40  }
0x88: {  	_ =	sfence.sel $0x180000  }
0x89: {  	[bflag:$0x0] =	sbarrier.arrive $0xFFFF  }
0x8a: {  	_ =	strace $0x9000004D  }
0x8b: {  	s0 =	stileid.u32;
	[bflag:$0x2] =	sbarrier.arrive $0xFFFF  }
0x8c: {  	p0 =	sne.s32 s0, $0x0;
	s0 =	rddreg [dreg:$0x3]  }
0x8d: {  	s0 =	sadd.s32 @!p0 $0x100000, s0  }
0x8e: {  	[sflag:s0] =	ssyncadd.tile.s32 @!p0 $0x1;
	_ =	shalt  }
.Lfunc_end2:
_tile_overlayer_lowered:
.L_overlay_start_2:
0x8f: {  	(tag) =	ssettag $0x2  }
0x90: {  	s0 =	rddreg [dreg:$0x0];
	s2 =	stileid.u32  }
0x91: {  	s1 =	rddreg [dreg:$0x1];
	p0 =	sne.s32 s2, $0x0  }
0x92: {  	s3 =	rddreg [dreg:$0x2];
	[bflag:$0x3] =	sbarrier.arrive $0xFFFF;
	s2 =	simm.s32 @!p0 $0x1C05  }
0x93: {  	[timem:s3], [sflag:s2] =	dma.local @!p0 [hbm:s0], s1  }
0x94: {  	s0 =	simm.s32 @!p0 $0x5  }
0x95: {  	_ =	swait.ge @!p0 [sflag:s0], s1  }
0x96: {  	s1 =	ssub.s32 @!p0 $0x0, s1;
	[sflag:s0] =	ssyncset.done @!p0 $0x0  }
0x97: {  	[sflag:s0] =	ssyncadd.s32 @!p0 s1  }
0x98: {  	[bflag:$0x3] =	sbarrier.arrive $0xFFFF  }
0x99: {  	_ =	shalt  }

// kernel: kernel.8.cloned.1.call-start
scs
__scs_entry_jumppad:
0x0: {  	(pc) =	sbr.rel $0x88, $3  }
0x1: {  	(tag) =	ssettag $0x0;
	lr =	simm.s32 $0x1  }
0x2: {  	[smem:$0x3F9B] =	sst lr;
	_ =	strace $0xD0000000  }
0x3: {  	_ = 	snop  }
0x4: {  	_ = 	snop  }
0x5: {  	_ = 	snop  }
0x6: {  	_ = 	snop  }
0x7: {  	_ = 	snop  }
__scs_overlays_trampoline_lowered:
0x8: {  	[smem:$0x3FAA] =	sst s0  }
0x9: {  	[smem:$0x3FAB] =	sst s1  }
0xa: {  	[smem:$0x3FAC] =	sst s2  }
0xb: {  	[smem:$0x3FAD] =	sst s3  }
0xc: {  	[smem:$0x3FAE] =	sst s4  }
0xd: {  	[smem:$0x3FAF] =	sst s5  }
0xe: {  	[smem:$0x3FB0] =	sst s6  }
0xf: {  	[smem:$0x3FB1] =	sst s7  }
0x10: {  	[smem:$0x3FB2] =	sst s8  }
0x11: {  	[smem:$0x3FB3] =	sst s9;
	s0 =	simm.s32 @!p0 $0x0  }
0x12: {  	s1 =	sld [smem:$0x3F99];
	s0 =	simm.s32 @p0 $0x1  }
0x13: {  	[smem:$0x3FB4] =	sst s0;
	s0 =	simm.s32 @!p1 $0x0  }
0x14: {  	s2 =	sld [smem:$0x3F98];
	s0 =	simm.s32 @p1 $0x1  }
0x15: {  	[smem:$0x3FB5] =	sst s0;
	s0 =	simm.s32 @!p2 $0x0  }
0x16: {  	s3 =	sld [smem:$0x3FDB];
	s0 =	simm.s32 @p2 $0x1  }
0x17: {  	s4 =	simm.s32 $0x1BF5;
	[smem:$0x3FB7] =	sst s0  }
0x18: {  	s0 =	sld [smem:$0x3F9A];
	_ =	swait.ge [sflag:s4], $0x0  }
0x19: {  	s7 =	sld [smem:$0x3F9B]  }
0x1a: {  	s8 =	sadd.s32 $0xFFFFE003, lr  }
0x1b: {  	s9 =	sadd.s32 $0xFFFFFEF7, lr;
	s5 =	simm.s32 $0xFFFFFFFF;
	p2 =	slt.u32 s8, $0xFFFFF086  }
0x1c: {  	p1 =	slt.u32 s9, $0xF7A;
	s5 =	simm.s32 @!p2 $0x0  }
0x1d: {  	s5 =	simm.s32 @p1 $0x1;
	p0 =	seq.s32 s7, s2  }
0x1e: {  	s7 =	smul.u32 @!p0 $0xF7A, s2;
	p2 =	seq.s32 @!p0 s5, $0x0  }
0x1f: {  	s9 =	smul.u32 $0xF7A, s1;
	s8 =	simm.s32 @!p0 $0x1BF5;
	p2 =	por !p2, p0  }
0x20: {  	[sflag:s8] =	ssyncset.s32 @!p0 $0xFFFFF086;
	s6 =	sadd.s32 @!p0 s3, s7;
	s7 =	simm.s32 @!p0 $0x108  }
0x21: {  	s3 =	sadd.s32 s3, s9;
	s6 =	sadd.s32 @!p0 $0x88, s6;
	s7 =	simm.s32 @p2 $0x1082  }
0x22: {  	[simem:s7], [sflag:s8] =	dma.local @!p0 [hbm:s6], $0xF7A  }
0x23: {  	s9 =	sor.u32 $0xD0000000, s2;
	s6 =	simm.s32 $0x108;
	_ =	swait.ge @!p0 [sflag:s8], $0x0  }
0x24: {  	s3 =	sadd.s32 $0x88, s3;
	s6 =	simm.s32 @!p1 $0x1082;
	[sflag:s4] =	ssyncset.s32 $0xFFFFF086  }
0x25: {  	[simem:s6], [sflag:s4] =	dma.local [hbm:s3], $0xF7A  }
0x26: {  	[smem:$0x3F9B] =	sst s1;
	(tag) =	ssettag s2;
	_ =	strace s9  }
0x27: {  	s1 =	sld [smem:$0x3FAB]  }
0x28: {  	s2 =	sld [smem:$0x3FAC]  }
0x29: {  	s4 =	sld [smem:$0x3FAE]  }
0x2a: {  	p0 =	seq.s32 s5, $0x0;
	s5 =	sld [smem:$0x3FAF]  }
0x2b: {  	s6 =	sld [smem:$0x3FB0]  }
0x2c: {  	s7 =	sld [smem:$0x3FB1]  }
0x2d: {  	s3 =	simm.s32 $0x108;
	s8 =	sld [smem:$0x3FB2]  }
0x2e: {  	s3 =	simm.s32 @!p0 $0x1082;
	s9 =	sld [smem:$0x3FB3]  }
0x2f: {  	lr =	sadd.s32 s0, s3;
	s0 =	sld [smem:$0x3FAA]  }
0x30: {  	s3 =	sld [smem:$0x3FAD]  }
0x31: {  	[smem:$0x3FB6] =	sst s10  }
0x32: {  	s10 =	sld [smem:$0x3FB4];
	_ =	sdelay $0x3  }
0x33: {  	p0 =	seq.s32 s10, $0x1;
	s10 =	sld [smem:$0x3FB6];
	_ =	sdelay $0x3  }
0x34: {  	[smem:$0x3FB6] =	sst s10  }
0x35: {  	s10 =	sld [smem:$0x3FB5];
	_ =	sdelay $0x3  }
0x36: {  	p1 =	seq.s32 s10, $0x1;
	s10 =	sld [smem:$0x3FB6];
	_ =	sdelay $0x3  }
0x37: {  	[smem:$0x3FB6] =	sst s10  }
0x38: {  	s10 =	sld [smem:$0x3FB7]  }
0x39: {  	_ = 	snop;
	(pc) =	sbr.ind lr, $3  }
0x3a: {  	_ = 	snop  }
0x3b: {  	_ = 	snop  }
0x3c: {  	p2 =	seq.s32 s10, $0x1;
	s10 =	sld [smem:$0x3FB6]  }
0x3d: {  	_ =	shalt  }
0x3e: {  	_ =	shalt  }
0x3f: {  	_ =	shalt  }
0x40: {  	_ =	shalt  }
0x41: {  	_ =	shalt  }
0x42: {  	_ =	shalt  }
0x43: {  	_ =	shalt  }
0x44: {  	_ =	shalt  }
0x45: {  	_ =	shalt  }
0x46: {  	_ =	shalt  }
0x47: {  	_ =	shalt  }
0x48: {  	_ =	shalt  }
0x49: {  	_ =	shalt  }
0x4a: {  	_ =	shalt  }
0x4b: {  	_ =	shalt  }
0x4c: {  	_ =	shalt  }
0x4d: {  	_ =	shalt  }
0x4e: {  	_ =	shalt  }
0x4f: {  	_ =	shalt  }
0x50: {  	_ =	shalt  }
0x51: {  	_ =	shalt  }
0x52: {  	_ =	shalt  }
0x53: {  	_ =	shalt  }
0x54: {  	_ =	shalt  }
0x55: {  	_ =	shalt  }
0x56: {  	_ =	shalt  }
0x57: {  	_ =	shalt  }
0x58: {  	_ =	shalt  }
0x59: {  	_ =	shalt  }
0x5a: {  	_ =	shalt  }
0x5b: {  	_ =	shalt  }
0x5c: {  	_ =	shalt  }
0x5d: {  	_ =	shalt  }
0x5e: {  	_ =	shalt  }
0x5f: {  	_ =	shalt  }
0x60: {  	_ =	shalt  }
0x61: {  	_ =	shalt  }
0x62: {  	_ =	shalt  }
0x63: {  	_ =	shalt  }
0x64: {  	_ =	shalt  }
0x65: {  	_ =	shalt  }
0x66: {  	_ =	shalt  }
0x67: {  	_ =	shalt  }
0x68: {  	_ =	shalt  }
0x69: {  	_ =	shalt  }
0x6a: {  	_ =	shalt  }
0x6b: {  	_ =	shalt  }
0x6c: {  	_ =	shalt  }
0x6d: {  	_ =	shalt  }
0x6e: {  	_ =	shalt  }
0x6f: {  	_ =	shalt  }
0x70: {  	_ =	shalt  }
0x71: {  	_ =	shalt  }
0x72: {  	_ =	shalt  }
0x73: {  	_ =	shalt  }
0x74: {  	_ =	shalt  }
0x75: {  	_ =	shalt  }
0x76: {  	_ =	shalt  }
0x77: {  	_ =	shalt  }
0x78: {  	_ =	shalt  }
0x79: {  	_ =	shalt  }
0x7a: {  	_ =	shalt  }
0x7b: {  	_ =	shalt  }
0x7c: {  	_ =	shalt  }
0x7d: {  	_ =	shalt  }
0x7e: {  	_ =	shalt  }
0x7f: {  	_ =	shalt  }
0x80: {  	_ =	shalt  }
0x81: {  	_ =	shalt  }
0x82: {  	_ =	shalt  }
0x83: {  	_ =	shalt  }
0x84: {  	_ =	shalt  }
0x85: {  	_ =	shalt  }
0x86: {  	_ =	shalt  }
0x87: {  	_ =	shalt  }
.Lfunc_end0:
.L_simem_size_0:
called_computation_lowered:
.L_overlay_start_0:
0x88: {  	s2 =	sld [smem:$0x3FD9]  }
0x89: {  	s3 =	sld [smem:$0x3FFE];
	_ =	sdelay $0x1  }
0x8a: {  	s1 =	srdreg.scid  }
0x8b: {  	s0 =	sand.u32 $0x1, s1  }
0x8c: {  	s17 =	sshll.u32 s0, $0xA;
	s2 =	sadd.s32 s3, s2  }
0x8d: {  	s2 =	sadd.s32 s2, s17  }
0x8e: {  	[smem:$0x3FC2] =	sst s2  }
0x8f: {  	_ = 	snop  }
0x90: {  	s2 =	sld [smem:$0x3FD0];
	(tm) =	ssettm $0x1  }
0x91: {  	s18 =	sld [smem:$0x3FFB];
	_ =	sdelay $0x3  }
0x92: {  	_ =	strace s18  }
0x93: {  	s3 =	sld [smem:$0x3FFC];
	_ =	sdelay $0x3  }
0x94: {  	_ =	strace s3  }
0x95: {  	s3 =	sld [smem:$0x3FFD];
	_ =	sdelay $0x3  }
0x96: {  	_ =	strace s3  }
0x97: {  	_ =	strace $0x8FFFFFFF  }
0x98: {  	s19 =	sld [smem:$0x3FDB];
	_ =	sdelay $0x1  }
0x99: {  	s4 =	simm.s32 $_scs_section_size  }
0x9a: {  	s5 =	simm.s32 $_size__tile_overlayer_lowered;
	s6 =	simm.s32 $_tile_overlayer_lowered  }
0x9b: {  	s22 =	simm.s32 $0x1BFF;
	s21 =	sshll.u32 s6, $0x1;
	s3 =	sadd.s32 s4, s19  }
0x9c: {  	s7 =	simm.s32 $0x0;
	s20 =	sshll.u32 s5, $0x1;
	s5 =	sadd.s32 s21, s3  }
0x9d: {  	[timem:s7], [sflag:s22] =	dma.local [hbm:s5], s20  }
0x9e: {  	_ =	swait.ge [sflag:s22], s20  }
0x9f: {  	s4 =	ssub.s32 $0x0, s20;
	[sflag:s22] =	ssyncset.done $0x0  }
0xa0: {  	[sflag:s22] =	ssyncadd.s32 s4;
	_ =	sdelay $0x1  }
0xa1: {  	s23 =	simm.s32 $0x1B8B  }
0xa2: {  	_ =	swait.ge [sflag:s23], $0x1  }
0xa3: {  	[sflag:s23] =	ssyncset.done $0x0  }
0xa4: {  	s25 =	simm.s32 $0x1B8E;
	s24 =	sld [smem:$0x3FFE];
	[sflag:s23] =	ssyncadd.s32 $0xFFFFFFFF  }
0xa5: {  	s26 =	simm.s32 $execute0_lowered;
	[smem:$0x3FD2] =	sst s25  }
0xa6: {  	s5 =	sshll.u32 s26, $0x1;
	_ =	strace $0x80000046;
	[dreg:$0x1] =	wrdreg $0xFFFFFFFF  }
0xa7: {  	s28 =	simm.s32 $_size_execute0_lowered;
	s3 =	sadd.s32 s3, s5;
	[dreg:$0x0] =	wrdreg $0x0  }
0xa8: {  	s5 =	sshll.u32 s28, $0x1;
	[dreg:$0x2] =	wrdreg s3  }
0xa9: {  	[dreg:$0x3] =	wrdreg s5  }
0xaa: {  	[dreg:$0x4] =	wrdreg $0xC0  }
0xab: {  	_ =	task [dreg:s7], $0x5FFFF  }
0xac: {  	[dreg:$0x1] =	wrdreg $0xFFFFFFFF  }
0xad: {  	[dreg:$0x0] =	wrdreg $0x60  }
0xae: {  	[dreg:$0x2] =	wrdreg s24  }
0xaf: {  	[dreg:$0x3] =	wrdreg s2  }
0xb0: {  	[dreg:$0x4] =	wrdreg $0x5A000  }
0xb1: {  	[dreg:$0x5] =	wrdreg $0x9  }
0xb2: {  	_ =	task.clear_ibuf [dreg:s7], $0x6FFFF;
	_ =	strace $0x90000046  }
0xb3: {  	s29 =	simm.s32 $0x9;
	_ =	strace $0x80000048  }
0xb4: {  	_ =	swait.ge [sflag:s29], $0x1  }
0xb5: {  	[sflag:s29] =	ssyncadd.s32 $0xFFFFFFFF  }
0xb6: {  	_ =	strace $0x90000048  }
0xb7: {  	_ =	sfence  }
0xb8: {  	s30 =	sld [smem:$0x0];
	_ =	sdelay $0x2  }
0xb9: {  	s31 =	sshll.u32 s1, $0xD;
	s1 =	sshrl.u32 s1, $0x2  }
0xba: {  	s3 =	sand.u32 $0x4000, s31;
	s1 =	sadd.s32 s1, s30  }
0xbb: {  	s0 =	sor.u32 s3, s0;
	s1 =	sshll.u32 s1, $0x11  }
0xbc: {  	s0 =	sor.u32 s1, s0  }
0xbd: {  	s0 =	sadd.s32 $0x8F2B, s0  }
0xbe: {  	[sflag:s0] =	ssyncadd.remote.s32 $0x1  }
0xbf: {  	_ =	sfence.sel $0xFFFF  }
0xc0: {  	[dreg:$0x0] =	wrdreg $0xFFFFFFFF;
	(pc) =	sbr.abs _section_cstart, $3  }
0xc1: {  	[dreg:$0x1] =	wrdreg $0xFFFFFFFF  }
0xc2: {  	_ =	task.clear_ibuf [dreg:s7], $0x2FFFF;
	_ =	strace $0x9FFFFFFF  }
0xc3: {  	(tm) =	ssettm $0x7FFFFFFF  }
tec
execute0_lowered:
.L_overlay_start_1:
0x0: {  	(tag) =	ssettag $0x1  }
0x1: {  	s5 =	rddreg [dreg:$0x0]  }
0x2: {  	s0 =	srdreg.scid;
	s8 =	rddreg [dreg:$0x1]  }
0x3: {  	s2 =	rddreg [dreg:$0x2];
	s3 =	simm.s32 $0x0;
	s13 =	simm.s32 $0x80  }
0x4: {  	s14 =	simm.s32 $0x0;
	s4 =	sand.u32 $0x1, s0;
	s0 =	stileid.u32  }
0x5: {  	[smem:$0x7FF] =	sst s3;
	s1 =	sshll.u32 s4, $0x4;
	s7 =	smul.u32 $0x2780, s0  }
0x6: {  	s10 =	ssub.s32 $0x2, s4;
	s11 =	smul.u32 $0x27800, s4;
	s4 =	sadd.s32 $0x1AE00, s5  }
0x7: {  	s31 =	sshll.u32 s0, $0x6;
	s6 =	sor.u32 s0, s1;
	s1 =	rddreg [dreg:$0x3]  }
0x8: {  	_ =	strace $0x80000047;
	s29 =	sshrl.u32 s10, $0x1;
	s6 =	smul.u32 $0xA40, s6  }
0x9: {  	s28 =	sshrl.u32 s7, $0x3;
	s10 =	ssub.s32 s10, s29;
	s30 =	sadd.s32 s7, s11  }
0xa: {  	s12 =	sadd.s32 s7, s2;
	s11 =	sshrl.u32 s30, $0x3;
	s9 =	sadd.s32 s6, s5  }
0xb: {  	s5 =	sadd.s32 s28, s5;
	s6 =	sor.u32 $0x1C01, s31;
	s8 =	sadd.s32 s8, s11  }
0xc: {  	s11 =	simm.s32 $0x1;
	s5 =	sadd.s32 $0x15E00, s5;
	s7 =	sadd.s32 $0x1600, s9  }
0xd: {  	s9 =	smax.u32 s10, $0x1;
	s10 =	sshrl.u32 s12, $0x3;
	s12 =	simm.s32 $0x5200  }
.LBB2_1:
0xe: {  	[spmem:s10], [sflag:s6] =	dma.local [hbm:s5], $0x4F0  }
0xf: {  	_ =	swait.ge [sflag:s11], $0x4F0  }
0x10: {  	[sflag:s11] =	ssyncset.done $0x0  }
0x11: {  	[sflag:s11] =	ssyncadd.s32 $0xFFFFFB10  }
0x12: {  	[tilespmem:s12], [sflag:$0x1] =	stream.linear.gather [hbm4b:s4+s3], $0x800, $0x38;
	[tilespmem:$0x8180] =	vst v63  }
0x13: {  	_ =	swait.ge [sflag:s11], $0x800  }
0x14: {  	[sflag:s11] =	ssyncset.done $0x0  }
0x15: {  	[sflag:s11] =	ssyncadd.s32 $0xFFFFF800  }
0x16: {  	[tilespmem:s3], [sflag:$0x1] =	stream.linear.gather [hbm4b:s7+s3], $0x5200, $0x38;
	[tilespmem:$0x8180] =	vst v63  }
0x17: {  	_ =	swait.ge [sflag:s11], $0x5200  }
0x18: {  	[sflag:s11] =	ssyncset.done $0x0  }
0x19: {  	[sflag:s11] =	ssyncadd.s32 $0xFFFFAE00  }
0x1a: {  	s15 =	simm.s32 $0x80;
	[bflag:$0x0] =	sbarrier.arrive $0xFFFF  }
0x1b: {  	[spmem:s2] =	stream.indirect.scatter.add.f32 [tilespmem:s12], [sflag:$0x1], $0x10, s15, s13, $0xb8;
	[tilespmem:$0x8180] =	vst v63  }
0x1c: {  	_ =	swait.ge [sflag:s11], $0x800  }
0x1d: {  	s15 =	simm.s32 $0x600;
	[sflag:s11] =	ssyncset.done $0x0  }
.LBB2_2:
0x1e: {  	s16 =	sshra.s32 s15, $0x2;
	[sflag:s11] =	ssyncadd.s32 $0xFFFFF800;
	p0 =	sne.s32 s15, $0x14600  }
0x1f: {  	[spmem:s2] =	stream.indirect.scatter.add.f32 [tilespmem:s12], [sflag:$0x1], $0x10, s16, s13, $0xb8;
	[tilespmem:$0x8180] =	vst v63  }
.Ltmp0:
0x20: {  	_ = 	snop;
	(pc) =	sbr.rel @p0 .LBB2_2-.Ltmp0, $4  }
0x21: {  	_ = 	snop  }
0x22: {  	s15 =	sadd.s32 $0x400, s15  }
0x23: {  	_ =	swait.ge [sflag:s11], $0x800  }
0x24: {  	[sflag:s11] =	ssyncset.done $0x0  }
0x25: {  	s14 =	sadd.s32 $0x1, s14  }
0x26: {  	[sflag:s11] =	ssyncadd.s32 $0xFFFFF800;
	p0 =	sne.s32 s14, s9  }
.Ltmp1:
0x27: {  	[bflag:$0x0] =	sbarrier.arrive $0xFFFF;
	(pc) =	sbr.rel @p0 .LBB2_1-.Ltmp1, $4  }
0x28: {  	[hbm:s8], [sflag:s6] =	dma.local [spmem:s10], $0x4F0  }
0x29: {  	_ =	swait.ge [sflag:s11], $0x4F0  }
0x2a: {  	[sflag:s11] =	ssyncset.done $0x0  }
0x2b: {  	[sflag:s11] =	ssyncadd.s32 $0xFFFFFB10  }
0x2c: {  	_ =	sfence.sel $0x180000  }
0x2d: {  	[bflag:$0x0] =	sbarrier.arrive $0xFFFF  }
0x2e: {  	p0 =	sne.s32 s0, $0x0;
	_ =	strace $0x90000047  }
0x2f: {  	s0 =	sadd.s32 @!p0 $0x100000, s1;
	[bflag:$0x2] =	sbarrier.arrive $0xFFFF  }
0x30: {  	[sflag:s0] =	ssyncadd.tile.s32 @!p0 $0x1;
	_ =	shalt  }
.Lfunc_end2:
_tile_overlayer_lowered:
.L_overlay_start_2:
0x31: {  	(tag) =	ssettag $0x2  }
0x32: {  	s0 =	rddreg [dreg:$0x0];
	s2 =	stileid.u32  }
0x33: {  	s1 =	rddreg [dreg:$0x1];
	p0 =	sne.s32 s2, $0x0  }
0x34: {  	s3 =	rddreg [dreg:$0x2];
	[bflag:$0x3] =	sbarrier.arrive $0xFFFF;
	s2 =	simm.s32 @!p0 $0x1C01  }
0x35: {  	[timem:s3], [sflag:s2] =	dma.local @!p0 [hbm:s0], s1  }
0x36: {  	s0 =	simm.s32 @!p0 $0x1  }
0x37: {  	_ =	swait.ge @!p0 [sflag:s0], s1  }
0x38: {  	s1 =	ssub.s32 @!p0 $0x0, s1;
	[sflag:s0] =	ssyncset.done @!p0 $0x0  }
0x39: {  	[sflag:s0] =	ssyncadd.s32 @!p0 s1  }
0x3a: {  	[bflag:$0x3] =	sbarrier.arrive $0xFFFF  }
0x3b: {  	_ =	shalt  }

</sc_bundles>
